<compile_context>
chip_gen: v7x
topology: tpu7x:2x2x1
jax: 0.10.2.dev20260603
libtpu: 0.0.44.dev20260713+nightly
codegen_flags: <defaults>
</compile_context>

<pallas_src>
import functools

import jax
import jax.numpy as jnp
from jax import lax
from jax.experimental import pallas as pl
from jax.experimental.pallas import tpu as pltpu
from jax.experimental.pallas import tpu_sc as plsc

N = 10000
E = 160000
NTILE = 16
NCORE = 2
EPT = 10240
CHUNKS = EPT // 128
NPAD = 10240
ROWS_PT = NPAD // NTILE


def _sc_degree(dstp):
    mesh = plsc.VectorSubcoreMesh(core_axis_name="c", subcore_axis_name="s")

    @functools.partial(
        pl.kernel,
        mesh=mesh,
        out_type=jax.ShapeDtypeStruct((NCORE * NTILE * NPAD,), jnp.float32),
        scratch_types=[
            pltpu.VMEM((40, 128), jnp.int32),
            pltpu.VMEM((NPAD,), jnp.float32),
        ],
        compiler_params=pltpu.CompilerParams(needs_layout_passes=False),
    )
    def k(dst_hbm, deg_hbm, dst_v, deg_l):
        c = lax.axis_index("c")
        s = lax.axis_index("s")
        w = c * NTILE + s
        zeros = jnp.zeros((16,), jnp.float32)

        def zero_body(j, carry):
            deg_l[pl.ds(j * 16, 16)] = zeros
            return carry

        lax.fori_loop(0, NPAD // 16, zero_body, 0)

        pltpu.sync_copy(dst_hbm.at[s, pl.ds(c * 40, 40)], dst_v)
        ones = jnp.ones((16,), jnp.float32)

        def body(j, carry):
            for k8 in range(8):
                idx = dst_v[j, pl.ds(k8 * 16, 16)]
                plsc.addupdate_scatter(deg_l, [idx], ones)
            return carry

        lax.fori_loop(0, 40, body, 0)
        pltpu.sync_copy(deg_l, deg_hbm.at[pl.ds(w * NPAD, NPAD)])

    return k(dstp)


def _sc_agg(u2, sd):
    mesh = plsc.VectorSubcoreMesh(core_axis_name="c", subcore_axis_name="s")

    @functools.partial(
        pl.kernel,
        mesh=mesh,
        out_type=jax.ShapeDtypeStruct((NCORE, NPAD, 128), jnp.float32),
        scratch_types=[
            pltpu.VMEM((2, 8, 128), jnp.int32),
            pltpu.VMEM((128, 128), jnp.float32),
            pltpu.VMEM((128, 128), jnp.float32),
            pltpu.VMEM_SHARED((NPAD, 128), jnp.float32),
            pltpu.SemaphoreType.DMA,
            pltpu.SemaphoreType.DMA,
            pltpu.SemaphoreType.DMA,
            pltpu.SemaphoreType.DMA,
        ],
        compiler_params=pltpu.CompilerParams(needs_layout_passes=False),
    )
    def k(u_hbm, sd_hbm, out_hbm,
          sd_g, rows0, rows1, acc, ga0, ga1, gb0, gb1):
        c = lax.axis_index("c")
        s = lax.axis_index("s")
        rows = (rows0, rows1)
        semsa = (ga0, ga1)
        semsb = (gb0, gb1)
        zeros = jnp.zeros((16,), jnp.float32)

        def zero_body(r, carry):
            for k8 in range(8):
                rows0[r, pl.ds(k8 * 16, 16)] = zeros
            return carry

        lax.fori_loop(0, 128, zero_body, 0)
        base = s * ROWS_PT
        for q in range(ROWS_PT // 128):
            pltpu.sync_copy(rows0, acc.at[pl.ds(base + q * 128, 128)])
        plsc.subcore_barrier()

        def halves(b, jj):
            lo = (u_hbm.at[sd_g.at[0, jj, pl.ds(0, 64)]],
                  rows[b].at[pl.ds(0, 64)], semsa[b])
            hi = (u_hbm.at[sd_g.at[0, jj, pl.ds(64, 64)]],
                  rows[b].at[pl.ds(64, 64)], semsb[b])
            return lo, hi

        def issue(b, jj):
            lo, hi = halves(b, jj)
            pltpu.async_copy(*lo)
            pltpu.async_copy(*hi)

        def wait_gather(b, jj):
            lo, hi = halves(b, jj)
            pltpu.make_async_copy(*lo).wait()
            pltpu.make_async_copy(*hi).wait()

        def group(g, carry):
            pltpu.sync_copy(sd_hbm.at[c, s, g], sd_g)
            issue(0, 0)
            issue(1, 1)
            for j in range(8):
                b = j % 2
                wait_gather(b, j)
                pltpu.sync_copy(rows[b], acc.at[sd_g.at[1, j]], add=True)
                if j < 6:
                    issue(b, j + 2)
            return carry

        lax.fori_loop(0, CHUNKS // 8, group, 0)
        plsc.subcore_barrier()
        for q in range(ROWS_PT // 128):
            pltpu.sync_copy(acc.at[pl.ds(base + q * 128, 128)],
                            out_hbm.at[c, pl.ds(base + q * 128, 128)])

    return k(u2, sd)


_BR = 1000
_GRID = N // _BR


def _tc_pre(deg2, x):

    def body(deg_ref, x_ref, dinv_ref, xp_ref):
        d = jnp.sum(deg_ref[...], axis=1) + 1.0
        dinv = lax.rsqrt(d)
        dinv_ref[...] = dinv[:, None]
        xp_ref[...] = x_ref[...] * dinv[:, None]

    return pl.pallas_call(
        body,
        grid=(_GRID,),
        in_specs=[
            pl.BlockSpec((_BR, NCORE * NTILE), lambda i: (i, 0)),
            pl.BlockSpec((_BR, 256), lambda i: (i, 0)),
        ],
        out_specs=[
            pl.BlockSpec((_BR, 1), lambda i: (i, 0)),
            pl.BlockSpec((_BR, 256), lambda i: (i, 0)),
        ],
        out_shape=[
            jax.ShapeDtypeStruct((N, 1), jnp.float32),
            jax.ShapeDtypeStruct((N, 256), jnp.float32),
        ],
    )(deg2, x)


def _tc_mid(acc1, xp, dinv, W1, b1, W2):

    def body(acc_ref, xp_ref, dinv_ref, w1_ref, b1_ref, w2_ref, tp_ref):
        a = acc_ref[...]
        g = jnp.concatenate([a[0], a[1]], axis=1)
        g = (g + xp_ref[...]) * dinv_ref[...]
        h = jnp.dot(g, w1_ref[...], precision=lax.Precision.HIGHEST,
                    preferred_element_type=jnp.float32) + b1_ref[...]
        h = jnp.maximum(h, 0.0)
        t = jnp.dot(h, w2_ref[...], precision=lax.Precision.HIGHEST,
                    preferred_element_type=jnp.float32)
        tp_ref[...] = t * dinv_ref[...]

    return pl.pallas_call(
        body,
        grid=(_GRID,),
        in_specs=[
            pl.BlockSpec((NCORE, _BR, 128), lambda i: (0, i, 0)),
            pl.BlockSpec((_BR, 256), lambda i: (i, 0)),
            pl.BlockSpec((_BR, 1), lambda i: (i, 0)),
            pl.BlockSpec((256, 512), lambda i: (0, 0)),
            pl.BlockSpec((1, 512), lambda i: (0, 0)),
            pl.BlockSpec((512, 256), lambda i: (0, 0)),
        ],
        out_specs=pl.BlockSpec((_BR, 256), lambda i: (i, 0)),
        out_shape=jax.ShapeDtypeStruct((N, 256), jnp.float32),
    )(acc1, xp, dinv, W1, b1, W2)


def _tc_post(acc2, tp, dinv, b2):

    def body(acc_ref, tp_ref, dinv_ref, b2_ref, out_ref):
        i = pl.program_id(0)
        a = acc_ref[...]
        g = jnp.concatenate([a[0], a[1]], axis=1)
        z = (g + tp_ref[...]) * dinv_ref[...] + b2_ref[...]
        z = jnp.maximum(z, 0.0)
        part = jnp.sum(z, axis=0, keepdims=True)

        @pl.when(i == 0)
        def _():
            out_ref[...] = part

        @pl.when(i > 0)
        def _():
            out_ref[...] = out_ref[...] + part

        @pl.when(i == _GRID - 1)
        def _():
            out_ref[...] = out_ref[...] * (1.0 / N)

    return pl.pallas_call(
        body,
        grid=(_GRID,),
        in_specs=[
            pl.BlockSpec((NCORE, _BR, 128), lambda i: (0, i, 0)),
            pl.BlockSpec((_BR, 256), lambda i: (i, 0)),
            pl.BlockSpec((_BR, 1), lambda i: (i, 0)),
            pl.BlockSpec((1, 256), lambda i: (0, 0)),
        ],
        out_specs=pl.BlockSpec((1, 256), lambda i: (0, 0)),
        out_shape=jax.ShapeDtypeStruct((1, 256), jnp.float32),
    )(acc2, tp, dinv, b2)


def kernel(x, edge_index, W1, b1, W2, b2):
    src = edge_index[0].astype(jnp.int32)
    dst = edge_index[1].astype(jnp.int32)
    srcp = jnp.pad(src.reshape(NTILE, E // NTILE), ((0, 0), (0, EPT - E // NTILE)),
                   constant_values=0).reshape(NTILE, CHUNKS // 8, 8, 128)
    dstp = jnp.pad(dst.reshape(NTILE, E // NTILE), ((0, 0), (0, EPT - E // NTILE)),
                   constant_values=N).reshape(NTILE, CHUNKS // 8, 8, 128)
    idx2 = (2 * srcp)[None] + jnp.arange(2, dtype=jnp.int32)[:, None, None, None, None]
    sd = jnp.stack([idx2, jnp.broadcast_to(dstp[None], idx2.shape)], axis=3)

    deg2 = _sc_degree(dstp.reshape(NTILE, CHUNKS, 128)).reshape(NCORE * NTILE, NPAD).T
    dinv, xp = _tc_pre(deg2, x)
    acc1 = _sc_agg(xp.reshape(2 * N, 128), sd)
    tp = _tc_mid(acc1, xp, dinv, W1, b1.reshape(1, 512), W2)
    acc2 = _sc_agg(tp.reshape(2 * N, 128), sd)
    out = _tc_post(acc2, tp, dinv, b2.reshape(1, 256))
    return out.reshape(256)

# --- scband reference (transcript-rebuilt; emitter-appended) ---
"""Pipeline reference for scband-graph2-vec-37288906064477 (READ-ONLY COPY).

The authoritative reference and input builder live on the scoring server;
editing this copy changes nothing except your own understanding.
"""

import jax, jax.numpy as jnp
import numpy as np

N_NODES = 10000


def gcn_conv(x, edge_index, W, b, num_nodes):
    # PyG GCNConv: add self-loops, symmetric normalization, sum aggregation, bias after aggregation
    src = edge_index[0]
    dst = edge_index[1]
    loop = jnp.arange(num_nodes, dtype=edge_index.dtype)
    src = jnp.concatenate([src, loop])
    dst = jnp.concatenate([dst, loop])
    h = x @ W  # linear transform first (no bias)
    deg = jnp.zeros((num_nodes,), dtype=h.dtype).at[dst].add(1.0)
    dinv = jnp.where(deg > 0, 1.0 / jnp.sqrt(deg), 0.0)
    norm = dinv[src] * dinv[dst]
    msgs = h[src] * norm[:, None]
    out = jnp.zeros((num_nodes, h.shape[1]), dtype=h.dtype).at[dst].add(msgs)
    return out + b


def setup_inputs(seed: int = 0) -> dict:
    key = jax.random.key(seed)
    k1, k2, k3, k4, k5, k6 = jax.random.split(key, 6)
    x = jax.random.normal(k1, (N_NODES, 256), dtype=jnp.float32)
    edge_index = jax.random.randint(k2, (2, 160000), 0, N_NODES, dtype=jnp.int64)
    # GCNConv layer 1: 256 -> 512
    W1 = jax.random.normal(k3, (256, 512), dtype=jnp.float32) * (1.0 / np.sqrt(256))
    b1 = jnp.zeros((512,), dtype=jnp.float32)
    # GCNConv layer 2: 512 -> 256
    W2 = jax.random.normal(k4, (512, 256), dtype=jnp.float32) * (1.0 / np.sqrt(512))
    b2 = jnp.zeros((256,), dtype=jnp.float32)
    return {"x": x, "edge_index": edge_index, "W1": W1, "b1": b1, "W2": W2, "b2": b2}


def reference(x, edge_index, W1, b1, W2, b2):
    h = gcn_conv(x, edge_index, W1, b1, N_NODES)
    h = jax.nn.relu(h)
    h = gcn_conv(h, edge_index, W2, b2, N_NODES)
    h = jax.nn.relu(h)
    return h.mean(axis=0)

if __name__ == "__main__":
    import jax
    _d = setup_inputs()
    print(jax.jit(kernel)(*tuple(_d.values())))

</pallas_src>

<mosaic_0001>
#map = affine_map<(d0, d1) -> (0, 0, 0)>
#map1 = affine_map<(d0, d1) -> (0)>
module attributes {stable_mosaic.version = 14 : i64} {
  func.func @k(%arg0: i32, %arg1: i32, %arg2: memref<16x80x128xi32, #tpu.memory_space<hbm>>, %arg3: memref<327680xf32, #tpu.memory_space<hbm>>, %arg4: memref<40x128xi32, #tpu.memory_space<vmem>>, %arg5: memref<10240xf32, #tpu.memory_space<vmem>>) attributes {dimension_semantics = [#tpu.dimension_semantics<core_parallel>, #tpu.dimension_semantics<subcore_parallel>], iteration_bounds = array<i64: 2, 16>, scalar_prefetch = 0 : i64, scratch_operands = 2 : i64, tpu.core_type = #tpu.core_type<sc_vector_subcore>, window_params = [{transform_indices = #map}, {transform_indices = #map1}]} {
    %mul3A = arith.constant 16 : i32
    %mul3A_0 = arith.muli %arg0, %mul3A : i32
    %add3A = arith.addi %mul3A_0, %arg1 : i32
    %broadcast_in_dim3A = arith.constant 0.000000e+00 : f32
    %broadcast_in_dim3A_1 = vector.broadcast %broadcast_in_dim3A : f32 to vector<16xf32>
    %scan3A = arith.constant 0 : i32
    %scan3A_2 = arith.constant 0 : i32
    %scan3A_3 = arith.constant 640 : i32
    %scan3A_4 = arith.addi %scan3A_2, %scan3A_3 : i32
    %scan3A_5 = arith.constant 1 : i32
    scf.for %scan3A_19 = %scan3A_2 to %scan3A_4 step %scan3A_5  : i32 {
      %mul3A_20 = arith.constant 16 : i32
      %mul3A_21 = arith.muli %scan3A_19, %mul3A_20 : i32
      %swap3A = arith.index_cast %mul3A_21 : i32 to index
      %swap3A_22 = tpu.vector_load %arg5[%swap3A] {strides = array<i32>} : memref<10240xf32, #tpu.memory_space<vmem>>, vector<16xf32>,
      tpu.vector_store %arg5[%swap3A], %broadcast_in_dim3A_1 {strides = array<i32>} : memref<10240xf32, #tpu.memory_space<vmem>>, vector<16xf32>,
    }
    %scan3A_6 = arith.constant 640 : i32
    %mul3A_7 = arith.constant 40 : i32
    %mul3A_8 = arith.muli %arg0, %mul3A_7 : i32
    "tpu.region"() ({
      %run_scoped3A = tpu.sem_alloc : memref<!tpu.dma_semaphore, #tpu.memory_space<semaphore_mem>>
      %dma_start3A = arith.constant 0 : i32
      %dma_start3A_19 = tpu.memref_slice %arg2[%arg1, %mul3A_8, %dma_start3A] : memref<16x80x128xi32, #tpu.memory_space<hbm>> -> memref<1x40x128xi32, #tpu.memory_space<hbm>>
      %dma_start3A_20 = tpu.memref_squeeze %dma_start3A_19 : memref<1x40x128xi32, #tpu.memory_space<hbm>> -> memref<40x128xi32, #tpu.memory_space<hbm>>
      %dma_start3A_21 = arith.constant 0 : i32
      %dma_start3A_22 = tpu.memref_slice %arg2[%arg1, %mul3A_8, %dma_start3A_21] : memref<16x80x128xi32, #tpu.memory_space<hbm>> -> memref<1x40x128xi32, #tpu.memory_space<hbm>>
      %dma_start3A_23 = tpu.memref_squeeze %dma_start3A_22 : memref<1x40x128xi32, #tpu.memory_space<hbm>> -> memref<40x128xi32, #tpu.memory_space<hbm>>
      tpu.enqueue_dma source(%dma_start3A_23 : memref<40x128xi32, #tpu.memory_space<hbm>>) target(%arg4 : memref<40x128xi32, #tpu.memory_space<vmem>>) target_semaphore(%run_scoped3A : memref<!tpu.dma_semaphore, #tpu.memory_space<semaphore_mem>>)
      %dma_wait3A = arith.constant 0 : i32
      %dma_wait3A_24 = tpu.memref_slice %arg2[%arg1, %mul3A_8, %dma_wait3A] : memref<16x80x128xi32, #tpu.memory_space<hbm>> -> memref<1x40x128xi32, #tpu.memory_space<hbm>>
      %dma_wait3A_25 = tpu.memref_squeeze %dma_wait3A_24 : memref<1x40x128xi32, #tpu.memory_space<hbm>> -> memref<40x128xi32, #tpu.memory_space<hbm>>
      %dma_wait3A_26 = arith.constant 0 : i32
      %dma_wait3A_27 = tpu.memref_slice %arg2[%arg1, %mul3A_8, %dma_wait3A_26] : memref<16x80x128xi32, #tpu.memory_space<hbm>> -> memref<1x40x128xi32, #tpu.memory_space<hbm>>
      %dma_wait3A_28 = tpu.memref_squeeze %dma_wait3A_27 : memref<1x40x128xi32, #tpu.memory_space<hbm>> -> memref<40x128xi32, #tpu.memory_space<hbm>>
      tpu.wait_dma2 semaphore(%run_scoped3A : memref<!tpu.dma_semaphore, #tpu.memory_space<semaphore_mem>>) src(%dma_wait3A_28 : memref<40x128xi32, #tpu.memory_space<hbm>>) dst(%arg4 : memref<40x128xi32, #tpu.memory_space<vmem>>)
      tpu.yield
    }) : () -> ()
    %broadcast_in_dim3A_9 = arith.constant 1.000000e+00 : f32
    %broadcast_in_dim3A_10 = vector.broadcast %broadcast_in_dim3A_9 : f32 to vector<16xf32>
    %scan3A_11 = arith.constant 0 : i32
    %scan3A_12 = arith.constant 0 : i32
    %scan3A_13 = arith.constant 40 : i32
    %scan3A_14 = arith.addi %scan3A_12, %scan3A_13 : i32
    %scan3A_15 = arith.constant 1 : i32
    scf.for %scan3A_19 = %scan3A_12 to %scan3A_14 step %scan3A_15  : i32 {
      %get3A = arith.index_cast %scan3A_19 : i32 to index
      %get3A_20 = arith.constant 0 : index
      %get3A_21 = tpu.vector_load %arg4[%get3A, %get3A_20] {strides = array<i32>} : memref<40x128xi32, #tpu.memory_space<vmem>>, vector<16xi32>,
      tpu.vector_store_idx %arg5[%get3A_21], %broadcast_in_dim3A_10 {add = true} : memref<10240xf32, #tpu.memory_space<vmem>>[vector<16xi32>], vector<16xf32>,
      %get3A_22 = arith.index_cast %scan3A_19 : i32 to index
      %get3A_23 = arith.constant 16 : index
      %get3A_24 = tpu.vector_load %arg4[%get3A_22, %get3A_23] {strides = array<i32>} : memref<40x128xi32, #tpu.memory_space<vmem>>, vector<16xi32>,
      tpu.vector_store_idx %arg5[%get3A_24], %broadcast_in_dim3A_10 {add = true} : memref<10240xf32, #tpu.memory_space<vmem>>[vector<16xi32>], vector<16xf32>,
      %get3A_25 = arith.index_cast %scan3A_19 : i32 to index
      %get3A_26 = arith.constant 32 : index
      %get3A_27 = tpu.vector_load %arg4[%get3A_25, %get3A_26] {strides = array<i32>} : memref<40x128xi32, #tpu.memory_space<vmem>>, vector<16xi32>,
      tpu.vector_store_idx %arg5[%get3A_27], %broadcast_in_dim3A_10 {add = true} : memref<10240xf32, #tpu.memory_space<vmem>>[vector<16xi32>], vector<16xf32>,
      %get3A_28 = arith.index_cast %scan3A_19 : i32 to index
      %get3A_29 = arith.constant 48 : index
      %get3A_30 = tpu.vector_load %arg4[%get3A_28, %get3A_29] {strides = array<i32>} : memref<40x128xi32, #tpu.memory_space<vmem>>, vector<16xi32>,
      tpu.vector_store_idx %arg5[%get3A_30], %broadcast_in_dim3A_10 {add = true} : memref<10240xf32, #tpu.memory_space<vmem>>[vector<16xi32>], vector<16xf32>,
      %get3A_31 = arith.index_cast %scan3A_19 : i32 to index
      %get3A_32 = arith.constant 64 : index
      %get3A_33 = tpu.vector_load %arg4[%get3A_31, %get3A_32] {strides = array<i32>} : memref<40x128xi32, #tpu.memory_space<vmem>>, vector<16xi32>,
      tpu.vector_store_idx %arg5[%get3A_33], %broadcast_in_dim3A_10 {add = true} : memref<10240xf32, #tpu.memory_space<vmem>>[vector<16xi32>], vector<16xf32>,
      %get3A_34 = arith.index_cast %scan3A_19 : i32 to index
      %get3A_35 = arith.constant 80 : index
      %get3A_36 = tpu.vector_load %arg4[%get3A_34, %get3A_35] {strides = array<i32>} : memref<40x128xi32, #tpu.memory_space<vmem>>, vector<16xi32>,
      tpu.vector_store_idx %arg5[%get3A_36], %broadcast_in_dim3A_10 {add = true} : memref<10240xf32, #tpu.memory_space<vmem>>[vector<16xi32>], vector<16xf32>,
      %get3A_37 = arith.index_cast %scan3A_19 : i32 to index
      %get3A_38 = arith.constant 96 : index
      %get3A_39 = tpu.vector_load %arg4[%get3A_37, %get3A_38] {strides = array<i32>} : memref<40x128xi32, #tpu.memory_space<vmem>>, vector<16xi32>,
      tpu.vector_store_idx %arg5[%get3A_39], %broadcast_in_dim3A_10 {add = true} : memref<10240xf32, #tpu.memory_space<vmem>>[vector<16xi32>], vector<16xf32>,
      %get3A_40 = arith.index_cast %scan3A_19 : i32 to index
      %get3A_41 = arith.constant 112 : index
      %get3A_42 = tpu.vector_load %arg4[%get3A_40, %get3A_41] {strides = array<i32>} : memref<40x128xi32, #tpu.memory_space<vmem>>, vector<16xi32>,
      tpu.vector_store_idx %arg5[%get3A_42], %broadcast_in_dim3A_10 {add = true} : memref<10240xf32, #tpu.memory_space<vmem>>[vector<16xi32>], vector<16xf32>,
    }
    %scan3A_16 = arith.constant 40 : i32
    %mul3A_17 = arith.constant 10240 : i32
    %mul3A_18 = arith.muli %add3A, %mul3A_17 : i32
    "tpu.region"() ({
      %run_scoped3A = tpu.sem_alloc : memref<!tpu.dma_semaphore, #tpu.memory_space<semaphore_mem>>
      %dma_start3A = tpu.memref_slice %arg3[%mul3A_18] : memref<327680xf32, #tpu.memory_space<hbm>> -> memref<10240xf32, #tpu.memory_space<hbm>>
      %dma_start3A_19 = tpu.memref_slice %arg3[%mul3A_18] : memref<327680xf32, #tpu.memory_space<hbm>> -> memref<10240xf32, #tpu.memory_space<hbm>>
      tpu.enqueue_dma source(%arg5 : memref<10240xf32, #tpu.memory_space<vmem>>) target(%dma_start3A_19 : memref<10240xf32, #tpu.memory_space<hbm>>) target_semaphore(%run_scoped3A : memref<!tpu.dma_semaphore, #tpu.memory_space<semaphore_mem>>)
      %dma_wait3A = tpu.memref_slice %arg3[%mul3A_18] : memref<327680xf32, #tpu.memory_space<hbm>> -> memref<10240xf32, #tpu.memory_space<hbm>>
      %dma_wait3A_20 = tpu.memref_slice %arg3[%mul3A_18] : memref<327680xf32, #tpu.memory_space<hbm>> -> memref<10240xf32, #tpu.memory_space<hbm>>
      tpu.wait_dma2 semaphore(%run_scoped3A : memref<!tpu.dma_semaphore, #tpu.memory_space<semaphore_mem>>) src(%arg5 : memref<10240xf32, #tpu.memory_space<vmem>>) dst(%dma_wait3A_20 : memref<10240xf32, #tpu.memory_space<hbm>>)
      tpu.yield
    }) : () -> ()
    return
  }
}

#map = affine_map<(d0, d1) -> (0, 0)>
#map1 = affine_map<(d0, d1) -> (0, 0, 0, 0, 0, 0)>
#map2 = affine_map<(d0, d1) -> (0, 0, 0)>
module attributes {stable_mosaic.version = 14 : i64} {
  func.func @k(%arg0: i32, %arg1: i32, %arg2: memref<20000x128xf32, #tpu.memory_space<hbm>>, %arg3: memref<2x16x10x2x8x128xi32, #tpu.memory_space<hbm>>, %arg4: memref<2x10240x128xf32, #tpu.memory_space<hbm>>, %arg5: memref<2x8x128xi32, #tpu.memory_space<vmem>>, %arg6: memref<128x128xf32, #tpu.memory_space<vmem>>, %arg7: memref<128x128xf32, #tpu.memory_space<vmem>>, %arg8: memref<10240x128xf32, #tpu.memory_space<vmem_shared>>, %arg9: memref<!tpu.dma_semaphore, #tpu.memory_space<semaphore_mem>>, %arg10: memref<!tpu.dma_semaphore, #tpu.memory_space<semaphore_mem>>, %arg11: memref<!tpu.dma_semaphore, #tpu.memory_space<semaphore_mem>>, %arg12: memref<!tpu.dma_semaphore, #tpu.memory_space<semaphore_mem>>) attributes {dimension_semantics = [#tpu.dimension_semantics<core_parallel>, #tpu.dimension_semantics<subcore_parallel>], iteration_bounds = array<i64: 2, 16>, scalar_prefetch = 0 : i64, scratch_operands = 8 : i64, tpu.core_type = #tpu.core_type<sc_vector_subcore>, window_params = [{transform_indices = #map}, {transform_indices = #map1}, {transform_indices = #map2}]} {
    %broadcast_in_dim3A = arith.constant 0.000000e+00 : f32
    %broadcast_in_dim3A_0 = vector.broadcast %broadcast_in_dim3A : f32 to vector<16xf32>
    %scan3A = arith.constant 0 : i32
    %scan3A_1 = arith.constant 0 : i32
    %scan3A_2 = arith.constant 128 : i32
    %scan3A_3 = arith.addi %scan3A_1, %scan3A_2 : i32
    %scan3A_4 = arith.constant 1 : i32
    scf.for %scan3A_43 = %scan3A_1 to %scan3A_3 step %scan3A_4  : i32 {
      %swap3A = arith.index_cast %scan3A_43 : i32 to index
      %swap3A_44 = arith.constant 0 : index
      %swap3A_45 = tpu.vector_load %arg6[%swap3A, %swap3A_44] {strides = array<i32>} : memref<128x128xf32, #tpu.memory_space<vmem>>, vector<16xf32>,
      tpu.vector_store %arg6[%swap3A, %swap3A_44], %broadcast_in_dim3A_0 {strides = array<i32>} : memref<128x128xf32, #tpu.memory_space<vmem>>, vector<16xf32>,
      %swap3A_46 = arith.index_cast %scan3A_43 : i32 to index
      %swap3A_47 = arith.constant 16 : index
      %swap3A_48 = tpu.vector_load %arg6[%swap3A_46, %swap3A_47] {strides = array<i32>} : memref<128x128xf32, #tpu.memory_space<vmem>>, vector<16xf32>,
      tpu.vector_store %arg6[%swap3A_46, %swap3A_47], %broadcast_in_dim3A_0 {strides = array<i32>} : memref<128x128xf32, #tpu.memory_space<vmem>>, vector<16xf32>,
      %swap3A_49 = arith.index_cast %scan3A_43 : i32 to index
      %swap3A_50 = arith.constant 32 : index
      %swap3A_51 = tpu.vector_load %arg6[%swap3A_49, %swap3A_50] {strides = array<i32>} : memref<128x128xf32, #tpu.memory_space<vmem>>, vector<16xf32>,
      tpu.vector_store %arg6[%swap3A_49, %swap3A_50], %broadcast_in_dim3A_0 {strides = array<i32>} : memref<128x128xf32, #tpu.memory_space<vmem>>, vector<16xf32>,
      %swap3A_52 = arith.index_cast %scan3A_43 : i32 to index
      %swap3A_53 = arith.constant 48 : index
      %swap3A_54 = tpu.vector_load %arg6[%swap3A_52, %swap3A_53] {strides = array<i32>} : memref<128x128xf32, #tpu.memory_space<vmem>>, vector<16xf32>,
      tpu.vector_store %arg6[%swap3A_52, %swap3A_53], %broadcast_in_dim3A_0 {strides = array<i32>} : memref<128x128xf32, #tpu.memory_space<vmem>>, vector<16xf32>,
      %swap3A_55 = arith.index_cast %scan3A_43 : i32 to index
      %swap3A_56 = arith.constant 64 : index
      %swap3A_57 = tpu.vector_load %arg6[%swap3A_55, %swap3A_56] {strides = array<i32>} : memref<128x128xf32, #tpu.memory_space<vmem>>, vector<16xf32>,
      tpu.vector_store %arg6[%swap3A_55, %swap3A_56], %broadcast_in_dim3A_0 {strides = array<i32>} : memref<128x128xf32, #tpu.memory_space<vmem>>, vector<16xf32>,
      %swap3A_58 = arith.index_cast %scan3A_43 : i32 to index
      %swap3A_59 = arith.constant 80 : index
      %swap3A_60 = tpu.vector_load %arg6[%swap3A_58, %swap3A_59] {strides = array<i32>} : memref<128x128xf32, #tpu.memory_space<vmem>>, vector<16xf32>,
      tpu.vector_store %arg6[%swap3A_58, %swap3A_59], %broadcast_in_dim3A_0 {strides = array<i32>} : memref<128x128xf32, #tpu.memory_space<vmem>>, vector<16xf32>,
      %swap3A_61 = arith.index_cast %scan3A_43 : i32 to index
      %swap3A_62 = arith.constant 96 : index
      %swap3A_63 = tpu.vector_load %arg6[%swap3A_61, %swap3A_62] {strides = array<i32>} : memref<128x128xf32, #tpu.memory_space<vmem>>, vector<16xf32>,
      tpu.vector_store %arg6[%swap3A_61, %swap3A_62], %broadcast_in_dim3A_0 {strides = array<i32>} : memref<128x128xf32, #tpu.memory_space<vmem>>, vector<16xf32>,
      %swap3A_64 = arith.index_cast %scan3A_43 : i32 to index
      %swap3A_65 = arith.constant 112 : index
      %swap3A_66 = tpu.vector_load %arg6[%swap3A_64, %swap3A_65] {strides = array<i32>} : memref<128x128xf32, #tpu.memory_space<vmem>>, vector<16xf32>,
      tpu.vector_store %arg6[%swap3A_64, %swap3A_65], %broadcast_in_dim3A_0 {strides = array<i32>} : memref<128x128xf32, #tpu.memory_space<vmem>>, vector<16xf32>,
    }
    %scan3A_5 = arith.constant 128 : i32
    %mul3A = arith.constant 640 : i32
    %mul3A_6 = arith.muli %arg1, %mul3A : i32
    %add3A = arith.constant 0 : i32
    %add3A_7 = arith.addi %mul3A_6, %add3A : i32
    "tpu.region"() ({
      %run_scoped3A = tpu.sem_alloc : memref<!tpu.dma_semaphore, #tpu.memory_space<semaphore_mem>>
      %dma_start3A = arith.constant 0 : i32
      %dma_start3A_43 = tpu.memref_slice %arg8[%add3A_7, %dma_start3A] : memref<10240x128xf32, #tpu.memory_space<vmem_shared>> -> memref<128x128xf32, #tpu.memory_space<vmem_shared>>
      %dma_start3A_44 = arith.constant 0 : i32
      %dma_start3A_45 = tpu.memref_slice %arg8[%add3A_7, %dma_start3A_44] : memref<10240x128xf32, #tpu.memory_space<vmem_shared>> -> memref<128x128xf32, #tpu.memory_space<vmem_shared>>
      tpu.enqueue_dma source(%arg6 : memref<128x128xf32, #tpu.memory_space<vmem>>) target(%dma_start3A_45 : memref<128x128xf32, #tpu.memory_space<vmem_shared>>) target_semaphore(%run_scoped3A : memref<!tpu.dma_semaphore, #tpu.memory_space<semaphore_mem>>)
      %dma_wait3A = arith.constant 0 : i32
      %dma_wait3A_46 = tpu.memref_slice %arg8[%add3A_7, %dma_wait3A] : memref<10240x128xf32, #tpu.memory_space<vmem_shared>> -> memref<128x128xf32, #tpu.memory_space<vmem_shared>>
      %dma_wait3A_47 = arith.constant 0 : i32
      %dma_wait3A_48 = tpu.memref_slice %arg8[%add3A_7, %dma_wait3A_47] : memref<10240x128xf32, #tpu.memory_space<vmem_shared>> -> memref<128x128xf32, #tpu.memory_space<vmem_shared>>
      tpu.wait_dma2 semaphore(%run_scoped3A : memref<!tpu.dma_semaphore, #tpu.memory_space<semaphore_mem>>) src(%arg6 : memref<128x128xf32, #tpu.memory_space<vmem>>) dst(%dma_wait3A_48 : memref<128x128xf32, #tpu.memory_space<vmem_shared>>)
      tpu.yield
    }) : () -> ()
    %add3A_8 = arith.constant 128 : i32
    %add3A_9 = arith.addi %mul3A_6, %add3A_8 : i32
    "tpu.region"() ({
      %run_scoped3A = tpu.sem_alloc : memref<!tpu.dma_semaphore, #tpu.memory_space<semaphore_mem>>
      %dma_start3A = arith.constant 0 : i32
      %dma_start3A_43 = tpu.memref_slice %arg8[%add3A_9, %dma_start3A] : memref<10240x128xf32, #tpu.memory_space<vmem_shared>> -> memref<128x128xf32, #tpu.memory_space<vmem_shared>>
      %dma_start3A_44 = arith.constant 0 : i32
      %dma_start3A_45 = tpu.memref_slice %arg8[%add3A_9, %dma_start3A_44] : memref<10240x128xf32, #tpu.memory_space<vmem_shared>> -> memref<128x128xf32, #tpu.memory_space<vmem_shared>>
      tpu.enqueue_dma source(%arg6 : memref<128x128xf32, #tpu.memory_space<vmem>>) target(%dma_start3A_45 : memref<128x128xf32, #tpu.memory_space<vmem_shared>>) target_semaphore(%run_scoped3A : memref<!tpu.dma_semaphore, #tpu.memory_space<semaphore_mem>>)
      %dma_wait3A = arith.constant 0 : i32
      %dma_wait3A_46 = tpu.memref_slice %arg8[%add3A_9, %dma_wait3A] : memref<10240x128xf32, #tpu.memory_space<vmem_shared>> -> memref<128x128xf32, #tpu.memory_space<vmem_shared>>
      %dma_wait3A_47 = arith.constant 0 : i32
      %dma_wait3A_48 = tpu.memref_slice %arg8[%add3A_9, %dma_wait3A_47] : memref<10240x128xf32, #tpu.memory_space<vmem_shared>> -> memref<128x128xf32, #tpu.memory_space<vmem_shared>>
      tpu.wait_dma2 semaphore(%run_scoped3A : memref<!tpu.dma_semaphore, #tpu.memory_space<semaphore_mem>>) src(%arg6 : memref<128x128xf32, #tpu.memory_space<vmem>>) dst(%dma_wait3A_48 : memref<128x128xf32, #tpu.memory_space<vmem_shared>>)
      tpu.yield
    }) : () -> ()
    %add3A_10 = arith.constant 256 : i32
    %add3A_11 = arith.addi %mul3A_6, %add3A_10 : i32
    "tpu.region"() ({
      %run_scoped3A = tpu.sem_alloc : memref<!tpu.dma_semaphore, #tpu.memory_space<semaphore_mem>>
      %dma_start3A = arith.constant 0 : i32
      %dma_start3A_43 = tpu.memref_slice %arg8[%add3A_11, %dma_start3A] : memref<10240x128xf32, #tpu.memory_space<vmem_shared>> -> memref<128x128xf32, #tpu.memory_space<vmem_shared>>
      %dma_start3A_44 = arith.constant 0 : i32
      %dma_start3A_45 = tpu.memref_slice %arg8[%add3A_11, %dma_start3A_44] : memref<10240x128xf32, #tpu.memory_space<vmem_shared>> -> memref<128x128xf32, #tpu.memory_space<vmem_shared>>
      tpu.enqueue_dma source(%arg6 : memref<128x128xf32, #tpu.memory_space<vmem>>) target(%dma_start3A_45 : memref<128x128xf32, #tpu.memory_space<vmem_shared>>) target_semaphore(%run_scoped3A : memref<!tpu.dma_semaphore, #tpu.memory_space<semaphore_mem>>)
      %dma_wait3A = arith.constant 0 : i32
      %dma_wait3A_46 = tpu.memref_slice %arg8[%add3A_11, %dma_wait3A] : memref<10240x128xf32, #tpu.memory_space<vmem_shared>> -> memref<128x128xf32, #tpu.memory_space<vmem_shared>>
      %dma_wait3A_47 = arith.constant 0 : i32
      %dma_wait3A_48 = tpu.memref_slice %arg8[%add3A_11, %dma_wait3A_47] : memref<10240x128xf32, #tpu.memory_space<vmem_shared>> -> memref<128x128xf32, #tpu.memory_space<vmem_shared>>
      tpu.wait_dma2 semaphore(%run_scoped3A : memref<!tpu.dma_semaphore, #tpu.memory_space<semaphore_mem>>) src(%arg6 : memref<128x128xf32, #tpu.memory_space<vmem>>) dst(%dma_wait3A_48 : memref<128x128xf32, #tpu.memory_space<vmem_shared>>)
      tpu.yield
    }) : () -> ()
    %add3A_12 = arith.constant 384 : i32
    %add3A_13 = arith.addi %mul3A_6, %add3A_12 : i32
    "tpu.region"() ({
      %run_scoped3A = tpu.sem_alloc : memref<!tpu.dma_semaphore, #tpu.memory_space<semaphore_mem>>
      %dma_start3A = arith.constant 0 : i32
      %dma_start3A_43 = tpu.memref_slice %arg8[%add3A_13, %dma_start3A] : memref<10240x128xf32, #tpu.memory_space<vmem_shared>> -> memref<128x128xf32, #tpu.memory_space<vmem_shared>>
      %dma_start3A_44 = arith.constant 0 : i32
      %dma_start3A_45 = tpu.memref_slice %arg8[%add3A_13, %dma_start3A_44] : memref<10240x128xf32, #tpu.memory_space<vmem_shared>> -> memref<128x128xf32, #tpu.memory_space<vmem_shared>>
      tpu.enqueue_dma source(%arg6 : memref<128x128xf32, #tpu.memory_space<vmem>>) target(%dma_start3A_45 : memref<128x128xf32, #tpu.memory_space<vmem_shared>>) target_semaphore(%run_scoped3A : memref<!tpu.dma_semaphore, #tpu.memory_space<semaphore_mem>>)
      %dma_wait3A = arith.constant 0 : i32
      %dma_wait3A_46 = tpu.memref_slice %arg8[%add3A_13, %dma_wait3A] : memref<10240x128xf32, #tpu.memory_space<vmem_shared>> -> memref<128x128xf32, #tpu.memory_space<vmem_shared>>
      %dma_wait3A_47 = arith.constant 0 : i32
      %dma_wait3A_48 = tpu.memref_slice %arg8[%add3A_13, %dma_wait3A_47] : memref<10240x128xf32, #tpu.memory_space<vmem_shared>> -> memref<128x128xf32, #tpu.memory_space<vmem_shared>>
      tpu.wait_dma2 semaphore(%run_scoped3A : memref<!tpu.dma_semaphore, #tpu.memory_space<semaphore_mem>>) src(%arg6 : memref<128x128xf32, #tpu.memory_space<vmem>>) dst(%dma_wait3A_48 : memref<128x128xf32, #tpu.memory_space<vmem_shared>>)
      tpu.yield
    }) : () -> ()
    %add3A_14 = arith.constant 512 : i32
    %add3A_15 = arith.addi %mul3A_6, %add3A_14 : i32
    "tpu.region"() ({
      %run_scoped3A = tpu.sem_alloc : memref<!tpu.dma_semaphore, #tpu.memory_space<semaphore_mem>>
      %dma_start3A = arith.constant 0 : i32
      %dma_start3A_43 = tpu.memref_slice %arg8[%add3A_15, %dma_start3A] : memref<10240x128xf32, #tpu.memory_space<vmem_shared>> -> memref<128x128xf32, #tpu.memory_space<vmem_shared>>
      %dma_start3A_44 = arith.constant 0 : i32
      %dma_start3A_45 = tpu.memref_slice %arg8[%add3A_15, %dma_start3A_44] : memref<10240x128xf32, #tpu.memory_space<vmem_shared>> -> memref<128x128xf32, #tpu.memory_space<vmem_shared>>
      tpu.enqueue_dma source(%arg6 : memref<128x128xf32, #tpu.memory_space<vmem>>) target(%dma_start3A_45 : memref<128x128xf32, #tpu.memory_space<vmem_shared>>) target_semaphore(%run_scoped3A : memref<!tpu.dma_semaphore, #tpu.memory_space<semaphore_mem>>)
      %dma_wait3A = arith.constant 0 : i32
      %dma_wait3A_46 = tpu.memref_slice %arg8[%add3A_15, %dma_wait3A] : memref<10240x128xf32, #tpu.memory_space<vmem_shared>> -> memref<128x128xf32, #tpu.memory_space<vmem_shared>>
      %dma_wait3A_47 = arith.constant 0 : i32
      %dma_wait3A_48 = tpu.memref_slice %arg8[%add3A_15, %dma_wait3A_47] : memref<10240x128xf32, #tpu.memory_space<vmem_shared>> -> memref<128x128xf32, #tpu.memory_space<vmem_shared>>
      tpu.wait_dma2 semaphore(%run_scoped3A : memref<!tpu.dma_semaphore, #tpu.memory_space<semaphore_mem>>) src(%arg6 : memref<128x128xf32, #tpu.memory_space<vmem>>) dst(%dma_wait3A_48 : memref<128x128xf32, #tpu.memory_space<vmem_shared>>)
      tpu.yield
    }) : () -> ()
    %barrier3A = arith.constant 0 : index
    tpu.barrier barrier_id(%barrier3A)
    %scan3A_16 = arith.constant 0 : i32
    %scan3A_17 = arith.constant 0 : i32
    %scan3A_18 = arith.constant 10 : i32
    %scan3A_19 = arith.addi %scan3A_17, %scan3A_18 : i32
    %scan3A_20 = arith.constant 1 : i32
    scf.for %scan3A_43 = %scan3A_17 to %scan3A_19 step %scan3A_20  : i32 {
      "tpu.region"() ({
        %run_scoped3A_409 = tpu.sem_alloc : memref<!tpu.dma_semaphore, #tpu.memory_space<semaphore_mem>>
        %dma_start3A_410 = arith.constant 0 : i32
        %dma_start3A_411 = arith.constant 0 : i32
        %dma_start3A_412 = arith.constant 0 : i32
        %dma_start3A_413 = tpu.memref_slice %arg3[%arg0, %arg1, %scan3A_43, %dma_start3A_410, %dma_start3A_411, %dma_start3A_412] : memref<2x16x10x2x8x128xi32, #tpu.memory_space<hbm>> -> memref<1x1x1x2x8x128xi32, #tpu.memory_space<hbm>>
        %dma_start3A_414 = tpu.memref_squeeze %dma_start3A_413 : memref<1x1x1x2x8x128xi32, #tpu.memory_space<hbm>> -> memref<2x8x128xi32, #tpu.memory_space<hbm>>
        %dma_start3A_415 = arith.constant 0 : i32
        %dma_start3A_416 = arith.constant 0 : i32
        %dma_start3A_417 = arith.constant 0 : i32
        %dma_start3A_418 = tpu.memref_slice %arg3[%arg0, %arg1, %scan3A_43, %dma_start3A_415, %dma_start3A_416, %dma_start3A_417] : memref<2x16x10x2x8x128xi32, #tpu.memory_space<hbm>> -> memref<1x1x1x2x8x128xi32, #tpu.memory_space<hbm>>
        %dma_start3A_419 = tpu.memref_squeeze %dma_start3A_418 : memref<1x1x1x2x8x128xi32, #tpu.memory_space<hbm>> -> memref<2x8x128xi32, #tpu.memory_space<hbm>>
        tpu.enqueue_dma source(%dma_start3A_419 : memref<2x8x128xi32, #tpu.memory_space<hbm>>) target(%arg5 : memref<2x8x128xi32, #tpu.memory_space<vmem>>) target_semaphore(%run_scoped3A_409 : memref<!tpu.dma_semaphore, #tpu.memory_space<semaphore_mem>>)
        %dma_wait3A_420 = arith.constant 0 : i32
        %dma_wait3A_421 = arith.constant 0 : i32
        %dma_wait3A_422 = arith.constant 0 : i32
        %dma_wait3A_423 = tpu.memref_slice %arg3[%arg0, %arg1, %scan3A_43, %dma_wait3A_420, %dma_wait3A_421, %dma_wait3A_422] : memref<2x16x10x2x8x128xi32, #tpu.memory_space<hbm>> -> memref<1x1x1x2x8x128xi32, #tpu.memory_space<hbm>>
        %dma_wait3A_424 = tpu.memref_squeeze %dma_wait3A_423 : memref<1x1x1x2x8x128xi32, #tpu.memory_space<hbm>> -> memref<2x8x128xi32, #tpu.memory_space<hbm>>
        %dma_wait3A_425 = arith.constant 0 : i32
        %dma_wait3A_426 = arith.constant 0 : i32
        %dma_wait3A_427 = arith.constant 0 : i32
        %dma_wait3A_428 = tpu.memref_slice %arg3[%arg0, %arg1, %scan3A_43, %dma_wait3A_425, %dma_wait3A_426, %dma_wait3A_427] : memref<2x16x10x2x8x128xi32, #tpu.memory_space<hbm>> -> memref<1x1x1x2x8x128xi32, #tpu.memory_space<hbm>>
        %dma_wait3A_429 = tpu.memref_squeeze %dma_wait3A_428 : memref<1x1x1x2x8x128xi32, #tpu.memory_space<hbm>> -> memref<2x8x128xi32, #tpu.memory_space<hbm>>
        tpu.wait_dma2 semaphore(%run_scoped3A_409 : memref<!tpu.dma_semaphore, #tpu.memory_space<semaphore_mem>>) src(%dma_wait3A_429 : memref<2x8x128xi32, #tpu.memory_space<hbm>>) dst(%arg5 : memref<2x8x128xi32, #tpu.memory_space<vmem>>)
        tpu.yield
      }) : () -> ()
      %dma_start3A = arith.constant 0 : i32
      %dma_start3A_44 = arith.constant 0 : i32
      %dma_start3A_45 = arith.constant 0 : i32
      %dma_start3A_46 = arith.constant 0 : i32
      %dma_start3A_47 = tpu.memref_slice %arg6[%dma_start3A_45, %dma_start3A_46] : memref<128x128xf32, #tpu.memory_space<vmem>> -> memref<64x128xf32, #tpu.memory_space<vmem>>
      %dma_start3A_48 = arith.constant 0 : i32
      %dma_start3A_49 = tpu.memref_slice %arg5[%dma_start3A, %dma_start3A_44, %dma_start3A_48] : memref<2x8x128xi32, #tpu.memory_space<vmem>> -> memref<1x1x64xi32, #tpu.memory_space<vmem>>
      %dma_start3A_50 = tpu.memref_squeeze %dma_start3A_49 : memref<1x1x64xi32, #tpu.memory_space<vmem>> -> memref<64xi32, #tpu.memory_space<vmem>>
      %dma_start3A_51 = arith.constant 0 : i32
      %dma_start3A_52 = arith.constant 0 : i32
      %dma_start3A_53 = tpu.memref_slice %arg2[%dma_start3A_51, %dma_start3A_52] : memref<20000x128xf32, #tpu.memory_space<hbm>> -> memref<20000x128xf32, #tpu.memory_space<hbm>>
      tpu.enqueue_indirect_dma source(%dma_start3A_53 : memref<20000x128xf32, #tpu.memory_space<hbm>>) target(%dma_start3A_47 : memref<64x128xf32, #tpu.memory_space<vmem>>) offsets(%dma_start3A_50 : memref<64xi32, #tpu.memory_space<vmem>>) semaphore(%arg9 : memref<!tpu.dma_semaphore, #tpu.memory_space<semaphore_mem>>)
      %dma_start3A_54 = arith.constant 0 : i32
      %dma_start3A_55 = arith.constant 0 : i32
      %dma_start3A_56 = arith.constant 64 : i32
      %dma_start3A_57 = arith.constant 0 : i32
      %dma_start3A_58 = tpu.memref_slice %arg6[%dma_start3A_56, %dma_start3A_57] : memref<128x128xf32, #tpu.memory_space<vmem>> -> memref<64x128xf32, #tpu.memory_space<vmem>>
      %dma_start3A_59 = arith.constant 64 : i32
      %dma_start3A_60 = tpu.memref_slice %arg5[%dma_start3A_54, %dma_start3A_55, %dma_start3A_59] : memref<2x8x128xi32, #tpu.memory_space<vmem>> -> memref<1x1x64xi32, #tpu.memory_space<vmem>>
      %dma_start3A_61 = tpu.memref_squeeze %dma_start3A_60 : memref<1x1x64xi32, #tpu.memory_space<vmem>> -> memref<64xi32, #tpu.memory_space<vmem>>
      %dma_start3A_62 = arith.constant 0 : i32
      %dma_start3A_63 = arith.constant 0 : i32
      %dma_start3A_64 = tpu.memref_slice %arg2[%dma_start3A_62, %dma_start3A_63] : memref<20000x128xf32, #tpu.memory_space<hbm>> -> memref<20000x128xf32, #tpu.memory_space<hbm>>
      tpu.enqueue_indirect_dma source(%dma_start3A_64 : memref<20000x128xf32, #tpu.memory_space<hbm>>) target(%dma_start3A_58 : memref<64x128xf32, #tpu.memory_space<vmem>>) offsets(%dma_start3A_61 : memref<64xi32, #tpu.memory_space<vmem>>) semaphore(%arg11 : memref<!tpu.dma_semaphore, #tpu.memory_space<semaphore_mem>>)
      %dma_start3A_65 = arith.constant 0 : i32
      %dma_start3A_66 = arith.constant 1 : i32
      %dma_start3A_67 = arith.constant 0 : i32
      %dma_start3A_68 = arith.constant 0 : i32
      %dma_start3A_69 = tpu.memref_slice %arg7[%dma_start3A_67, %dma_start3A_68] : memref<128x128xf32, #tpu.memory_space<vmem>> -> memref<64x128xf32, #tpu.memory_space<vmem>>
      %dma_start3A_70 = arith.constant 0 : i32
      %dma_start3A_71 = tpu.memref_slice %arg5[%dma_start3A_65, %dma_start3A_66, %dma_start3A_70] : memref<2x8x128xi32, #tpu.memory_space<vmem>> -> memref<1x1x64xi32, #tpu.memory_space<vmem>>
      %dma_start3A_72 = tpu.memref_squeeze %dma_start3A_71 : memref<1x1x64xi32, #tpu.memory_space<vmem>> -> memref<64xi32, #tpu.memory_space<vmem>>
      %dma_start3A_73 = arith.constant 0 : i32
      %dma_start3A_74 = arith.constant 0 : i32
      %dma_start3A_75 = tpu.memref_slice %arg2[%dma_start3A_73, %dma_start3A_74] : memref<20000x128xf32, #tpu.memory_space<hbm>> -> memref<20000x128xf32, #tpu.memory_space<hbm>>
      tpu.enqueue_indirect_dma source(%dma_start3A_75 : memref<20000x128xf32, #tpu.memory_space<hbm>>) target(%dma_start3A_69 : memref<64x128xf32, #tpu.memory_space<vmem>>) offsets(%dma_start3A_72 : memref<64xi32, #tpu.memory_space<vmem>>) semaphore(%arg10 : memref<!tpu.dma_semaphore, #tpu.memory_space<semaphore_mem>>)
      %dma_start3A_76 = arith.constant 0 : i32
      %dma_start3A_77 = arith.constant 1 : i32
      %dma_start3A_78 = arith.constant 64 : i32
      %dma_start3A_79 = arith.constant 0 : i32
      %dma_start3A_80 = tpu.memref_slice %arg7[%dma_start3A_78, %dma_start3A_79] : memref<128x128xf32, #tpu.memory_space<vmem>> -> memref<64x128xf32, #tpu.memory_space<vmem>>
      %dma_start3A_81 = arith.constant 64 : i32
      %dma_start3A_82 = tpu.memref_slice %arg5[%dma_start3A_76, %dma_start3A_77, %dma_start3A_81] : memref<2x8x128xi32, #tpu.memory_space<vmem>> -> memref<1x1x64xi32, #tpu.memory_space<vmem>>
      %dma_start3A_83 = tpu.memref_squeeze %dma_start3A_82 : memref<1x1x64xi32, #tpu.memory_space<vmem>> -> memref<64xi32, #tpu.memory_space<vmem>>
      %dma_start3A_84 = arith.constant 0 : i32
      %dma_start3A_85 = arith.constant 0 : i32
      %dma_start3A_86 = tpu.memref_slice %arg2[%dma_start3A_84, %dma_start3A_85] : memref<20000x128xf32, #tpu.memory_space<hbm>> -> memref<20000x128xf32, #tpu.memory_space<hbm>>
      tpu.enqueue_indirect_dma source(%dma_start3A_86 : memref<20000x128xf32, #tpu.memory_space<hbm>>) target(%dma_start3A_80 : memref<64x128xf32, #tpu.memory_space<vmem>>) offsets(%dma_start3A_83 : memref<64xi32, #tpu.memory_space<vmem>>) semaphore(%arg12 : memref<!tpu.dma_semaphore, #tpu.memory_space<semaphore_mem>>)
      %dma_wait3A = arith.constant 0 : i32
      %dma_wait3A_87 = arith.constant 0 : i32
      %dma_wait3A_88 = arith.constant 0 : i32
      %dma_wait3A_89 = arith.constant 0 : i32
      %dma_wait3A_90 = tpu.memref_slice %arg6[%dma_wait3A_88, %dma_wait3A_89] : memref<128x128xf32, #tpu.memory_space<vmem>> -> memref<64x128xf32, #tpu.memory_space<vmem>>
      %dma_wait3A_91 = arith.constant 0 : i32
      %dma_wait3A_92 = tpu.memref_slice %arg5[%dma_wait3A, %dma_wait3A_87, %dma_wait3A_91] : memref<2x8x128xi32, #tpu.memory_space<vmem>> -> memref<1x1x64xi32, #tpu.memory_space<vmem>>
      %dma_wait3A_93 = tpu.memref_squeeze %dma_wait3A_92 : memref<1x1x64xi32, #tpu.memory_space<vmem>> -> memref<64xi32, #tpu.memory_space<vmem>>
      %dma_wait3A_94 = arith.constant 0 : i32
      %dma_wait3A_95 = arith.constant 0 : i32
      %dma_wait3A_96 = tpu.memref_slice %arg2[%dma_wait3A_94, %dma_wait3A_95] : memref<20000x128xf32, #tpu.memory_space<hbm>> -> memref<20000x128xf32, #tpu.memory_space<hbm>>
      tpu.wait_indirect_dma semaphore(%arg9 : memref<!tpu.dma_semaphore, #tpu.memory_space<semaphore_mem>>) src(%dma_wait3A_96 : memref<20000x128xf32, #tpu.memory_space<hbm>>) dst(%dma_wait3A_90 : memref<64x128xf32, #tpu.memory_space<vmem>>)
      %dma_wait3A_97 = arith.constant 0 : i32
      %dma_wait3A_98 = arith.constant 0 : i32
      %dma_wait3A_99 = arith.constant 64 : i32
      %dma_wait3A_100 = arith.constant 0 : i32
      %dma_wait3A_101 = tpu.memref_slice %arg6[%dma_wait3A_99, %dma_wait3A_100] : memref<128x128xf32, #tpu.memory_space<vmem>> -> memref<64x128xf32, #tpu.memory_space<vmem>>
      %dma_wait3A_102 = arith.constant 64 : i32
      %dma_wait3A_103 = tpu.memref_slice %arg5[%dma_wait3A_97, %dma_wait3A_98, %dma_wait3A_102] : memref<2x8x128xi32, #tpu.memory_space<vmem>> -> memref<1x1x64xi32, #tpu.memory_space<vmem>>
      %dma_wait3A_104 = tpu.memref_squeeze %dma_wait3A_103 : memref<1x1x64xi32, #tpu.memory_space<vmem>> -> memref<64xi32, #tpu.memory_space<vmem>>
      %dma_wait3A_105 = arith.constant 0 : i32
      %dma_wait3A_106 = arith.constant 0 : i32
      %dma_wait3A_107 = tpu.memref_slice %arg2[%dma_wait3A_105, %dma_wait3A_106] : memref<20000x128xf32, #tpu.memory_space<hbm>> -> memref<20000x128xf32, #tpu.memory_space<hbm>>
      tpu.wait_indirect_dma semaphore(%arg11 : memref<!tpu.dma_semaphore, #tpu.memory_space<semaphore_mem>>) src(%dma_wait3A_107 : memref<20000x128xf32, #tpu.memory_space<hbm>>) dst(%dma_wait3A_101 : memref<64x128xf32, #tpu.memory_space<vmem>>)
      %run_scoped3A = arith.constant 1 : i32
      %run_scoped3A_108 = arith.constant 0 : i32
      "tpu.region"() ({
        %run_scoped3A_409 = tpu.sem_alloc : memref<!tpu.dma_semaphore, #tpu.memory_space<semaphore_mem>>
        %dma_start3A_410 = arith.constant 0 : i32
        %dma_start3A_411 = tpu.memref_slice %arg5[%run_scoped3A, %run_scoped3A_108, %dma_start3A_410] : memref<2x8x128xi32, #tpu.memory_space<vmem>> -> memref<1x1x128xi32, #tpu.memory_space<vmem>>
        %dma_start3A_412 = tpu.memref_squeeze %dma_start3A_411 : memref<1x1x128xi32, #tpu.memory_space<vmem>> -> memref<128xi32, #tpu.memory_space<vmem>>
        %dma_start3A_413 = arith.constant 0 : i32
        %dma_start3A_414 = arith.constant 0 : i32
        %dma_start3A_415 = tpu.memref_slice %arg8[%dma_start3A_413, %dma_start3A_414] : memref<10240x128xf32, #tpu.memory_space<vmem_shared>> -> memref<10240x128xf32, #tpu.memory_space<vmem_shared>>
        tpu.enqueue_indirect_dma source(%arg6 : memref<128x128xf32, #tpu.memory_space<vmem>>) target(%dma_start3A_415 : memref<10240x128xf32, #tpu.memory_space<vmem_shared>>) offsets(%dma_start3A_412 : memref<128xi32, #tpu.memory_space<vmem>>) semaphore(%run_scoped3A_409 : memref<!tpu.dma_semaphore, #tpu.memory_space<semaphore_mem>>) {add = true}
        %dma_wait3A_416 = arith.constant 0 : i32
        %dma_wait3A_417 = tpu.memref_slice %arg5[%run_scoped3A, %run_scoped3A_108, %dma_wait3A_416] : memref<2x8x128xi32, #tpu.memory_space<vmem>> -> memref<1x1x128xi32, #tpu.memory_space<vmem>>
        %dma_wait3A_418 = tpu.memref_squeeze %dma_wait3A_417 : memref<1x1x128xi32, #tpu.memory_space<vmem>> -> memref<128xi32, #tpu.memory_space<vmem>>
        %dma_wait3A_419 = arith.constant 0 : i32
        %dma_wait3A_420 = arith.constant 0 : i32
        %dma_wait3A_421 = tpu.memref_slice %arg8[%dma_wait3A_419, %dma_wait3A_420] : memref<10240x128xf32, #tpu.memory_space<vmem_shared>> -> memref<10240x128xf32, #tpu.memory_space<vmem_shared>>
        tpu.wait_indirect_dma semaphore(%run_scoped3A_409 : memref<!tpu.dma_semaphore, #tpu.memory_space<semaphore_mem>>) src(%arg6 : memref<128x128xf32, #tpu.memory_space<vmem>>) dst(%dma_wait3A_421 : memref<10240x128xf32, #tpu.memory_space<vmem_shared>>)
        tpu.yield
      }) : () -> ()
      %dma_start3A_109 = arith.constant 0 : i32
      %dma_start3A_110 = arith.constant 2 : i32
      %dma_start3A_111 = arith.constant 0 : i32
      %dma_start3A_112 = arith.constant 0 : i32
      %dma_start3A_113 = tpu.memref_slice %arg6[%dma_start3A_111, %dma_start3A_112] : memref<128x128xf32, #tpu.memory_space<vmem>> -> memref<64x128xf32, #tpu.memory_space<vmem>>
      %dma_start3A_114 = arith.constant 0 : i32
      %dma_start3A_115 = tpu.memref_slice %arg5[%dma_start3A_109, %dma_start3A_110, %dma_start3A_114] : memref<2x8x128xi32, #tpu.memory_space<vmem>> -> memref<1x1x64xi32, #tpu.memory_space<vmem>>
      %dma_start3A_116 = tpu.memref_squeeze %dma_start3A_115 : memref<1x1x64xi32, #tpu.memory_space<vmem>> -> memref<64xi32, #tpu.memory_space<vmem>>
      %dma_start3A_117 = arith.constant 0 : i32
      %dma_start3A_118 = arith.constant 0 : i32
      %dma_start3A_119 = tpu.memref_slice %arg2[%dma_start3A_117, %dma_start3A_118] : memref<20000x128xf32, #tpu.memory_space<hbm>> -> memref<20000x128xf32, #tpu.memory_space<hbm>>
      tpu.enqueue_indirect_dma source(%dma_start3A_119 : memref<20000x128xf32, #tpu.memory_space<hbm>>) target(%dma_start3A_113 : memref<64x128xf32, #tpu.memory_space<vmem>>) offsets(%dma_start3A_116 : memref<64xi32, #tpu.memory_space<vmem>>) semaphore(%arg9 : memref<!tpu.dma_semaphore, #tpu.memory_space<semaphore_mem>>)
      %dma_start3A_120 = arith.constant 0 : i32
      %dma_start3A_121 = arith.constant 2 : i32
      %dma_start3A_122 = arith.constant 64 : i32
      %dma_start3A_123 = arith.constant 0 : i32
      %dma_start3A_124 = tpu.memref_slice %arg6[%dma_start3A_122, %dma_start3A_123] : memref<128x128xf32, #tpu.memory_space<vmem>> -> memref<64x128xf32, #tpu.memory_space<vmem>>
      %dma_start3A_125 = arith.constant 64 : i32
      %dma_start3A_126 = tpu.memref_slice %arg5[%dma_start3A_120, %dma_start3A_121, %dma_start3A_125] : memref<2x8x128xi32, #tpu.memory_space<vmem>> -> memref<1x1x64xi32, #tpu.memory_space<vmem>>
      %dma_start3A_127 = tpu.memref_squeeze %dma_start3A_126 : memref<1x1x64xi32, #tpu.memory_space<vmem>> -> memref<64xi32, #tpu.memory_space<vmem>>
      %dma_start3A_128 = arith.constant 0 : i32
      %dma_start3A_129 = arith.constant 0 : i32
      %dma_start3A_130 = tpu.memref_slice %arg2[%dma_start3A_128, %dma_start3A_129] : memref<20000x128xf32, #tpu.memory_space<hbm>> -> memref<20000x128xf32, #tpu.memory_space<hbm>>
      tpu.enqueue_indirect_dma source(%dma_start3A_130 : memref<20000x128xf32, #tpu.memory_space<hbm>>) target(%dma_start3A_124 : memref<64x128xf32, #tpu.memory_space<vmem>>) offsets(%dma_start3A_127 : memref<64xi32, #tpu.memory_space<vmem>>) semaphore(%arg11 : memref<!tpu.dma_semaphore, #tpu.memory_space<semaphore_mem>>)
      %dma_wait3A_131 = arith.constant 0 : i32
      %dma_wait3A_132 = arith.constant 1 : i32
      %dma_wait3A_133 = arith.constant 0 : i32
      %dma_wait3A_134 = arith.constant 0 : i32
      %dma_wait3A_135 = tpu.memref_slice %arg7[%dma_wait3A_133, %dma_wait3A_134] : memref<128x128xf32, #tpu.memory_space<vmem>> -> memref<64x128xf32, #tpu.memory_space<vmem>>
      %dma_wait3A_136 = arith.constant 0 : i32
      %dma_wait3A_137 = tpu.memref_slice %arg5[%dma_wait3A_131, %dma_wait3A_132, %dma_wait3A_136] : memref<2x8x128xi32, #tpu.memory_space<vmem>> -> memref<1x1x64xi32, #tpu.memory_space<vmem>>
      %dma_wait3A_138 = tpu.memref_squeeze %dma_wait3A_137 : memref<1x1x64xi32, #tpu.memory_space<vmem>> -> memref<64xi32, #tpu.memory_space<vmem>>
      %dma_wait3A_139 = arith.constant 0 : i32
      %dma_wait3A_140 = arith.constant 0 : i32
      %dma_wait3A_141 = tpu.memref_slice %arg2[%dma_wait3A_139, %dma_wait3A_140] : memref<20000x128xf32, #tpu.memory_space<hbm>> -> memref<20000x128xf32, #tpu.memory_space<hbm>>
      tpu.wait_indirect_dma semaphore(%arg10 : memref<!tpu.dma_semaphore, #tpu.memory_space<semaphore_mem>>) src(%dma_wait3A_141 : memref<20000x128xf32, #tpu.memory_space<hbm>>) dst(%dma_wait3A_135 : memref<64x128xf32, #tpu.memory_space<vmem>>)
      %dma_wait3A_142 = arith.constant 0 : i32
      %dma_wait3A_143 = arith.constant 1 : i32
      %dma_wait3A_144 = arith.constant 64 : i32
      %dma_wait3A_145 = arith.constant 0 : i32
      %dma_wait3A_146 = tpu.memref_slice %arg7[%dma_wait3A_144, %dma_wait3A_145] : memref<128x128xf32, #tpu.memory_space<vmem>> -> memref<64x128xf32, #tpu.memory_space<vmem>>
      %dma_wait3A_147 = arith.constant 64 : i32
      %dma_wait3A_148 = tpu.memref_slice %arg5[%dma_wait3A_142, %dma_wait3A_143, %dma_wait3A_147] : memref<2x8x128xi32, #tpu.memory_space<vmem>> -> memref<1x1x64xi32, #tpu.memory_space<vmem>>
      %dma_wait3A_149 = tpu.memref_squeeze %dma_wait3A_148 : memref<1x1x64xi32, #tpu.memory_space<vmem>> -> memref<64xi32, #tpu.memory_space<vmem>>
      %dma_wait3A_150 = arith.constant 0 : i32
      %dma_wait3A_151 = arith.constant 0 : i32
      %dma_wait3A_152 = tpu.memref_slice %arg2[%dma_wait3A_150, %dma_wait3A_151] : memref<20000x128xf32, #tpu.memory_space<hbm>> -> memref<20000x128xf32, #tpu.memory_space<hbm>>
      tpu.wait_indirect_dma semaphore(%arg12 : memref<!tpu.dma_semaphore, #tpu.memory_space<semaphore_mem>>) src(%dma_wait3A_152 : memref<20000x128xf32, #tpu.memory_space<hbm>>) dst(%dma_wait3A_146 : memref<64x128xf32, #tpu.memory_space<vmem>>)
      %run_scoped3A_153 = arith.constant 1 : i32
      %run_scoped3A_154 = arith.constant 1 : i32
      "tpu.region"() ({
        %run_scoped3A_409 = tpu.sem_alloc : memref<!tpu.dma_semaphore, #tpu.memory_space<semaphore_mem>>
        %dma_start3A_410 = arith.constant 0 : i32
        %dma_start3A_411 = tpu.memref_slice %arg5[%run_scoped3A_153, %run_scoped3A_154, %dma_start3A_410] : memref<2x8x128xi32, #tpu.memory_space<vmem>> -> memref<1x1x128xi32, #tpu.memory_space<vmem>>
        %dma_start3A_412 = tpu.memref_squeeze %dma_start3A_411 : memref<1x1x128xi32, #tpu.memory_space<vmem>> -> memref<128xi32, #tpu.memory_space<vmem>>
        %dma_start3A_413 = arith.constant 0 : i32
        %dma_start3A_414 = arith.constant 0 : i32
        %dma_start3A_415 = tpu.memref_slice %arg8[%dma_start3A_413, %dma_start3A_414] : memref<10240x128xf32, #tpu.memory_space<vmem_shared>> -> memref<10240x128xf32, #tpu.memory_space<vmem_shared>>
        tpu.enqueue_indirect_dma source(%arg7 : memref<128x128xf32, #tpu.memory_space<vmem>>) target(%dma_start3A_415 : memref<10240x128xf32, #tpu.memory_space<vmem_shared>>) offsets(%dma_start3A_412 : memref<128xi32, #tpu.memory_space<vmem>>) semaphore(%run_scoped3A_409 : memref<!tpu.dma_semaphore, #tpu.memory_space<semaphore_mem>>) {add = true}
        %dma_wait3A_416 = arith.constant 0 : i32
        %dma_wait3A_417 = tpu.memref_slice %arg5[%run_scoped3A_153, %run_scoped3A_154, %dma_wait3A_416] : memref<2x8x128xi32, #tpu.memory_space<vmem>> -> memref<1x1x128xi32, #tpu.memory_space<vmem>>
        %dma_wait3A_418 = tpu.memref_squeeze %dma_wait3A_417 : memref<1x1x128xi32, #tpu.memory_space<vmem>> -> memref<128xi32, #tpu.memory_space<vmem>>
        %dma_wait3A_419 = arith.constant 0 : i32
        %dma_wait3A_420 = arith.constant 0 : i32
        %dma_wait3A_421 = tpu.memref_slice %arg8[%dma_wait3A_419, %dma_wait3A_420] : memref<10240x128xf32, #tpu.memory_space<vmem_shared>> -> memref<10240x128xf32, #tpu.memory_space<vmem_shared>>
        tpu.wait_indirect_dma semaphore(%run_scoped3A_409 : memref<!tpu.dma_semaphore, #tpu.memory_space<semaphore_mem>>) src(%arg7 : memref<128x128xf32, #tpu.memory_space<vmem>>) dst(%dma_wait3A_421 : memref<10240x128xf32, #tpu.memory_space<vmem_shared>>)
        tpu.yield
      }) : () -> ()
      %dma_start3A_155 = arith.constant 0 : i32
      %dma_start3A_156 = arith.constant 3 : i32
      %dma_start3A_157 = arith.constant 0 : i32
      %dma_start3A_158 = arith.constant 0 : i32
      %dma_start3A_159 = tpu.memref_slice %arg7[%dma_start3A_157, %dma_start3A_158] : memref<128x128xf32, #tpu.memory_space<vmem>> -> memref<64x128xf32, #tpu.memory_space<vmem>>
      %dma_start3A_160 = arith.constant 0 : i32
      %dma_start3A_161 = tpu.memref_slice %arg5[%dma_start3A_155, %dma_start3A_156, %dma_start3A_160] : memref<2x8x128xi32, #tpu.memory_space<vmem>> -> memref<1x1x64xi32, #tpu.memory_space<vmem>>
      %dma_start3A_162 = tpu.memref_squeeze %dma_start3A_161 : memref<1x1x64xi32, #tpu.memory_space<vmem>> -> memref<64xi32, #tpu.memory_space<vmem>>
      %dma_start3A_163 = arith.constant 0 : i32
      %dma_start3A_164 = arith.constant 0 : i32
      %dma_start3A_165 = tpu.memref_slice %arg2[%dma_start3A_163, %dma_start3A_164] : memref<20000x128xf32, #tpu.memory_space<hbm>> -> memref<20000x128xf32, #tpu.memory_space<hbm>>
      tpu.enqueue_indirect_dma source(%dma_start3A_165 : memref<20000x128xf32, #tpu.memory_space<hbm>>) target(%dma_start3A_159 : memref<64x128xf32, #tpu.memory_space<vmem>>) offsets(%dma_start3A_162 : memref<64xi32, #tpu.memory_space<vmem>>) semaphore(%arg10 : memref<!tpu.dma_semaphore, #tpu.memory_space<semaphore_mem>>)
      %dma_start3A_166 = arith.constant 0 : i32
      %dma_start3A_167 = arith.constant 3 : i32
      %dma_start3A_168 = arith.constant 64 : i32
      %dma_start3A_169 = arith.constant 0 : i32
      %dma_start3A_170 = tpu.memref_slice %arg7[%dma_start3A_168, %dma_start3A_169] : memref<128x128xf32, #tpu.memory_space<vmem>> -> memref<64x128xf32, #tpu.memory_space<vmem>>
      %dma_start3A_171 = arith.constant 64 : i32
      %dma_start3A_172 = tpu.memref_slice %arg5[%dma_start3A_166, %dma_start3A_167, %dma_start3A_171] : memref<2x8x128xi32, #tpu.memory_space<vmem>> -> memref<1x1x64xi32, #tpu.memory_space<vmem>>
      %dma_start3A_173 = tpu.memref_squeeze %dma_start3A_172 : memref<1x1x64xi32, #tpu.memory_space<vmem>> -> memref<64xi32, #tpu.memory_space<vmem>>
      %dma_start3A_174 = arith.constant 0 : i32
      %dma_start3A_175 = arith.constant 0 : i32
      %dma_start3A_176 = tpu.memref_slice %arg2[%dma_start3A_174, %dma_start3A_175] : memref<20000x128xf32, #tpu.memory_space<hbm>> -> memref<20000x128xf32, #tpu.memory_space<hbm>>
      tpu.enqueue_indirect_dma source(%dma_start3A_176 : memref<20000x128xf32, #tpu.memory_space<hbm>>) target(%dma_start3A_170 : memref<64x128xf32, #tpu.memory_space<vmem>>) offsets(%dma_start3A_173 : memref<64xi32, #tpu.memory_space<vmem>>) semaphore(%arg12 : memref<!tpu.dma_semaphore, #tpu.memory_space<semaphore_mem>>)
      %dma_wait3A_177 = arith.constant 0 : i32
      %dma_wait3A_178 = arith.constant 2 : i32
      %dma_wait3A_179 = arith.constant 0 : i32
      %dma_wait3A_180 = arith.constant 0 : i32
      %dma_wait3A_181 = tpu.memref_slice %arg6[%dma_wait3A_179, %dma_wait3A_180] : memref<128x128xf32, #tpu.memory_space<vmem>> -> memref<64x128xf32, #tpu.memory_space<vmem>>
      %dma_wait3A_182 = arith.constant 0 : i32
      %dma_wait3A_183 = tpu.memref_slice %arg5[%dma_wait3A_177, %dma_wait3A_178, %dma_wait3A_182] : memref<2x8x128xi32, #tpu.memory_space<vmem>> -> memref<1x1x64xi32, #tpu.memory_space<vmem>>
      %dma_wait3A_184 = tpu.memref_squeeze %dma_wait3A_183 : memref<1x1x64xi32, #tpu.memory_space<vmem>> -> memref<64xi32, #tpu.memory_space<vmem>>
      %dma_wait3A_185 = arith.constant 0 : i32
      %dma_wait3A_186 = arith.constant 0 : i32
      %dma_wait3A_187 = tpu.memref_slice %arg2[%dma_wait3A_185, %dma_wait3A_186] : memref<20000x128xf32, #tpu.memory_space<hbm>> -> memref<20000x128xf32, #tpu.memory_space<hbm>>
      tpu.wait_indirect_dma semaphore(%arg9 : memref<!tpu.dma_semaphore, #tpu.memory_space<semaphore_mem>>) src(%dma_wait3A_187 : memref<20000x128xf32, #tpu.memory_space<hbm>>) dst(%dma_wait3A_181 : memref<64x128xf32, #tpu.memory_space<vmem>>)
      %dma_wait3A_188 = arith.constant 0 : i32
      %dma_wait3A_189 = arith.constant 2 : i32
      %dma_wait3A_190 = arith.constant 64 : i32
      %dma_wait3A_191 = arith.constant 0 : i32
      %dma_wait3A_192 = tpu.memref_slice %arg6[%dma_wait3A_190, %dma_wait3A_191] : memref<128x128xf32, #tpu.memory_space<vmem>> -> memref<64x128xf32, #tpu.memory_space<vmem>>
      %dma_wait3A_193 = arith.constant 64 : i32
      %dma_wait3A_194 = tpu.memref_slice %arg5[%dma_wait3A_188, %dma_wait3A_189, %dma_wait3A_193] : memref<2x8x128xi32, #tpu.memory_space<vmem>> -> memref<1x1x64xi32, #tpu.memory_space<vmem>>
      %dma_wait3A_195 = tpu.memref_squeeze %dma_wait3A_194 : memref<1x1x64xi32, #tpu.memory_space<vmem>> -> memref<64xi32, #tpu.memory_space<vmem>>
      %dma_wait3A_196 = arith.constant 0 : i32
      %dma_wait3A_197 = arith.constant 0 : i32
      %dma_wait3A_198 = tpu.memref_slice %arg2[%dma_wait3A_196, %dma_wait3A_197] : memref<20000x128xf32, #tpu.memory_space<hbm>> -> memref<20000x128xf32, #tpu.memory_space<hbm>>
      tpu.wait_indirect_dma semaphore(%arg11 : memref<!tpu.dma_semaphore, #tpu.memory_space<semaphore_mem>>) src(%dma_wait3A_198 : memref<20000x128xf32, #tpu.memory_space<hbm>>) dst(%dma_wait3A_192 : memref<64x128xf32, #tpu.memory_space<vmem>>)
      %run_scoped3A_199 = arith.constant 1 : i32
      %run_scoped3A_200 = arith.constant 2 : i32
      "tpu.region"() ({
        %run_scoped3A_409 = tpu.sem_alloc : memref<!tpu.dma_semaphore, #tpu.memory_space<semaphore_mem>>
        %dma_start3A_410 = arith.constant 0 : i32
        %dma_start3A_411 = tpu.memref_slice %arg5[%run_scoped3A_199, %run_scoped3A_200, %dma_start3A_410] : memref<2x8x128xi32, #tpu.memory_space<vmem>> -> memref<1x1x128xi32, #tpu.memory_space<vmem>>
        %dma_start3A_412 = tpu.memref_squeeze %dma_start3A_411 : memref<1x1x128xi32, #tpu.memory_space<vmem>> -> memref<128xi32, #tpu.memory_space<vmem>>
        %dma_start3A_413 = arith.constant 0 : i32
        %dma_start3A_414 = arith.constant 0 : i32
        %dma_start3A_415 = tpu.memref_slice %arg8[%dma_start3A_413, %dma_start3A_414] : memref<10240x128xf32, #tpu.memory_space<vmem_shared>> -> memref<10240x128xf32, #tpu.memory_space<vmem_shared>>
        tpu.enqueue_indirect_dma source(%arg6 : memref<128x128xf32, #tpu.memory_space<vmem>>) target(%dma_start3A_415 : memref<10240x128xf32, #tpu.memory_space<vmem_shared>>) offsets(%dma_start3A_412 : memref<128xi32, #tpu.memory_space<vmem>>) semaphore(%run_scoped3A_409 : memref<!tpu.dma_semaphore, #tpu.memory_space<semaphore_mem>>) {add = true}
        %dma_wait3A_416 = arith.constant 0 : i32
        %dma_wait3A_417 = tpu.memref_slice %arg5[%run_scoped3A_199, %run_scoped3A_200, %dma_wait3A_416] : memref<2x8x128xi32, #tpu.memory_space<vmem>> -> memref<1x1x128xi32, #tpu.memory_space<vmem>>
        %dma_wait3A_418 = tpu.memref_squeeze %dma_wait3A_417 : memref<1x1x128xi32, #tpu.memory_space<vmem>> -> memref<128xi32, #tpu.memory_space<vmem>>
        %dma_wait3A_419 = arith.constant 0 : i32
        %dma_wait3A_420 = arith.constant 0 : i32
        %dma_wait3A_421 = tpu.memref_slice %arg8[%dma_wait3A_419, %dma_wait3A_420] : memref<10240x128xf32, #tpu.memory_space<vmem_shared>> -> memref<10240x128xf32, #tpu.memory_space<vmem_shared>>
        tpu.wait_indirect_dma semaphore(%run_scoped3A_409 : memref<!tpu.dma_semaphore, #tpu.memory_space<semaphore_mem>>) src(%arg6 : memref<128x128xf32, #tpu.memory_space<vmem>>) dst(%dma_wait3A_421 : memref<10240x128xf32, #tpu.memory_space<vmem_shared>>)
        tpu.yield
      }) : () -> ()
      %dma_start3A_201 = arith.constant 0 : i32
      %dma_start3A_202 = arith.constant 4 : i32
      %dma_start3A_203 = arith.constant 0 : i32
      %dma_start3A_204 = arith.constant 0 : i32
      %dma_start3A_205 = tpu.memref_slice %arg6[%dma_start3A_203, %dma_start3A_204] : memref<128x128xf32, #tpu.memory_space<vmem>> -> memref<64x128xf32, #tpu.memory_space<vmem>>
      %dma_start3A_206 = arith.constant 0 : i32
      %dma_start3A_207 = tpu.memref_slice %arg5[%dma_start3A_201, %dma_start3A_202, %dma_start3A_206] : memref<2x8x128xi32, #tpu.memory_space<vmem>> -> memref<1x1x64xi32, #tpu.memory_space<vmem>>
      %dma_start3A_208 = tpu.memref_squeeze %dma_start3A_207 : memref<1x1x64xi32, #tpu.memory_space<vmem>> -> memref<64xi32, #tpu.memory_space<vmem>>
      %dma_start3A_209 = arith.constant 0 : i32
      %dma_start3A_210 = arith.constant 0 : i32
      %dma_start3A_211 = tpu.memref_slice %arg2[%dma_start3A_209, %dma_start3A_210] : memref<20000x128xf32, #tpu.memory_space<hbm>> -> memref<20000x128xf32, #tpu.memory_space<hbm>>
      tpu.enqueue_indirect_dma source(%dma_start3A_211 : memref<20000x128xf32, #tpu.memory_space<hbm>>) target(%dma_start3A_205 : memref<64x128xf32, #tpu.memory_space<vmem>>) offsets(%dma_start3A_208 : memref<64xi32, #tpu.memory_space<vmem>>) semaphore(%arg9 : memref<!tpu.dma_semaphore, #tpu.memory_space<semaphore_mem>>)
      %dma_start3A_212 = arith.constant 0 : i32
      %dma_start3A_213 = arith.constant 4 : i32
      %dma_start3A_214 = arith.constant 64 : i32
      %dma_start3A_215 = arith.constant 0 : i32
      %dma_start3A_216 = tpu.memref_slice %arg6[%dma_start3A_214, %dma_start3A_215] : memref<128x128xf32, #tpu.memory_space<vmem>> -> memref<64x128xf32, #tpu.memory_space<vmem>>
      %dma_start3A_217 = arith.constant 64 : i32
      %dma_start3A_218 = tpu.memref_slice %arg5[%dma_start3A_212, %dma_start3A_213, %dma_start3A_217] : memref<2x8x128xi32, #tpu.memory_space<vmem>> -> memref<1x1x64xi32, #tpu.memory_space<vmem>>
      %dma_start3A_219 = tpu.memref_squeeze %dma_start3A_218 : memref<1x1x64xi32, #tpu.memory_space<vmem>> -> memref<64xi32, #tpu.memory_space<vmem>>
      %dma_start3A_220 = arith.constant 0 : i32
      %dma_start3A_221 = arith.constant 0 : i32
      %dma_start3A_222 = tpu.memref_slice %arg2[%dma_start3A_220, %dma_start3A_221] : memref<20000x128xf32, #tpu.memory_space<hbm>> -> memref<20000x128xf32, #tpu.memory_space<hbm>>
      tpu.enqueue_indirect_dma source(%dma_start3A_222 : memref<20000x128xf32, #tpu.memory_space<hbm>>) target(%dma_start3A_216 : memref<64x128xf32, #tpu.memory_space<vmem>>) offsets(%dma_start3A_219 : memref<64xi32, #tpu.memory_space<vmem>>) semaphore(%arg11 : memref<!tpu.dma_semaphore, #tpu.memory_space<semaphore_mem>>)
      %dma_wait3A_223 = arith.constant 0 : i32
      %dma_wait3A_224 = arith.constant 3 : i32
      %dma_wait3A_225 = arith.constant 0 : i32
      %dma_wait3A_226 = arith.constant 0 : i32
      %dma_wait3A_227 = tpu.memref_slice %arg7[%dma_wait3A_225, %dma_wait3A_226] : memref<128x128xf32, #tpu.memory_space<vmem>> -> memref<64x128xf32, #tpu.memory_space<vmem>>
      %dma_wait3A_228 = arith.constant 0 : i32
      %dma_wait3A_229 = tpu.memref_slice %arg5[%dma_wait3A_223, %dma_wait3A_224, %dma_wait3A_228] : memref<2x8x128xi32, #tpu.memory_space<vmem>> -> memref<1x1x64xi32, #tpu.memory_space<vmem>>
      %dma_wait3A_230 = tpu.memref_squeeze %dma_wait3A_229 : memref<1x1x64xi32, #tpu.memory_space<vmem>> -> memref<64xi32, #tpu.memory_space<vmem>>
      %dma_wait3A_231 = arith.constant 0 : i32
      %dma_wait3A_232 = arith.constant 0 : i32
      %dma_wait3A_233 = tpu.memref_slice %arg2[%dma_wait3A_231, %dma_wait3A_232] : memref<20000x128xf32, #tpu.memory_space<hbm>> -> memref<20000x128xf32, #tpu.memory_space<hbm>>
      tpu.wait_indirect_dma semaphore(%arg10 : memref<!tpu.dma_semaphore, #tpu.memory_space<semaphore_mem>>) src(%dma_wait3A_233 : memref<20000x128xf32, #tpu.memory_space<hbm>>) dst(%dma_wait3A_227 : memref<64x128xf32, #tpu.memory_space<vmem>>)
      %dma_wait3A_234 = arith.constant 0 : i32
      %dma_wait3A_235 = arith.constant 3 : i32
      %dma_wait3A_236 = arith.constant 64 : i32
      %dma_wait3A_237 = arith.constant 0 : i32
      %dma_wait3A_238 = tpu.memref_slice %arg7[%dma_wait3A_236, %dma_wait3A_237] : memref<128x128xf32, #tpu.memory_space<vmem>> -> memref<64x128xf32, #tpu.memory_space<vmem>>
      %dma_wait3A_239 = arith.constant 64 : i32
      %dma_wait3A_240 = tpu.memref_slice %arg5[%dma_wait3A_234, %dma_wait3A_235, %dma_wait3A_239] : memref<2x8x128xi32, #tpu.memory_space<vmem>> -> memref<1x1x64xi32, #tpu.memory_space<vmem>>
      %dma_wait3A_241 = tpu.memref_squeeze %dma_wait3A_240 : memref<1x1x64xi32, #tpu.memory_space<vmem>> -> memref<64xi32, #tpu.memory_space<vmem>>
      %dma_wait3A_242 = arith.constant 0 : i32
      %dma_wait3A_243 = arith.constant 0 : i32
      %dma_wait3A_244 = tpu.memref_slice %arg2[%dma_wait3A_242, %dma_wait3A_243] : memref<20000x128xf32, #tpu.memory_space<hbm>> -> memref<20000x128xf32, #tpu.memory_space<hbm>>
      tpu.wait_indirect_dma semaphore(%arg12 : memref<!tpu.dma_semaphore, #tpu.memory_space<semaphore_mem>>) src(%dma_wait3A_244 : memref<20000x128xf32, #tpu.memory_space<hbm>>) dst(%dma_wait3A_238 : memref<64x128xf32, #tpu.memory_space<vmem>>)
      %run_scoped3A_245 = arith.constant 1 : i32
      %run_scoped3A_246 = arith.constant 3 : i32
      "tpu.region"() ({
        %run_scoped3A_409 = tpu.sem_alloc : memref<!tpu.dma_semaphore, #tpu.memory_space<semaphore_mem>>
        %dma_start3A_410 = arith.constant 0 : i32
        %dma_start3A_411 = tpu.memref_slice %arg5[%run_scoped3A_245, %run_scoped3A_246, %dma_start3A_410] : memref<2x8x128xi32, #tpu.memory_space<vmem>> -> memref<1x1x128xi32, #tpu.memory_space<vmem>>
        %dma_start3A_412 = tpu.memref_squeeze %dma_start3A_411 : memref<1x1x128xi32, #tpu.memory_space<vmem>> -> memref<128xi32, #tpu.memory_space<vmem>>
        %dma_start3A_413 = arith.constant 0 : i32
        %dma_start3A_414 = arith.constant 0 : i32
        %dma_start3A_415 = tpu.memref_slice %arg8[%dma_start3A_413, %dma_start3A_414] : memref<10240x128xf32, #tpu.memory_space<vmem_shared>> -> memref<10240x128xf32, #tpu.memory_space<vmem_shared>>
        tpu.enqueue_indirect_dma source(%arg7 : memref<128x128xf32, #tpu.memory_space<vmem>>) target(%dma_start3A_415 : memref<10240x128xf32, #tpu.memory_space<vmem_shared>>) offsets(%dma_start3A_412 : memref<128xi32, #tpu.memory_space<vmem>>) semaphore(%run_scoped3A_409 : memref<!tpu.dma_semaphore, #tpu.memory_space<semaphore_mem>>) {add = true}
        %dma_wait3A_416 = arith.constant 0 : i32
        %dma_wait3A_417 = tpu.memref_slice %arg5[%run_scoped3A_245, %run_scoped3A_246, %dma_wait3A_416] : memref<2x8x128xi32, #tpu.memory_space<vmem>> -> memref<1x1x128xi32, #tpu.memory_space<vmem>>
        %dma_wait3A_418 = tpu.memref_squeeze %dma_wait3A_417 : memref<1x1x128xi32, #tpu.memory_space<vmem>> -> memref<128xi32, #tpu.memory_space<vmem>>
        %dma_wait3A_419 = arith.constant 0 : i32
        %dma_wait3A_420 = arith.constant 0 : i32
        %dma_wait3A_421 = tpu.memref_slice %arg8[%dma_wait3A_419, %dma_wait3A_420] : memref<10240x128xf32, #tpu.memory_space<vmem_shared>> -> memref<10240x128xf32, #tpu.memory_space<vmem_shared>>
        tpu.wait_indirect_dma semaphore(%run_scoped3A_409 : memref<!tpu.dma_semaphore, #tpu.memory_space<semaphore_mem>>) src(%arg7 : memref<128x128xf32, #tpu.memory_space<vmem>>) dst(%dma_wait3A_421 : memref<10240x128xf32, #tpu.memory_space<vmem_shared>>)
        tpu.yield
      }) : () -> ()
      %dma_start3A_247 = arith.constant 0 : i32
      %dma_start3A_248 = arith.constant 5 : i32
      %dma_start3A_249 = arith.constant 0 : i32
      %dma_start3A_250 = arith.constant 0 : i32
      %dma_start3A_251 = tpu.memref_slice %arg7[%dma_start3A_249, %dma_start3A_250] : memref<128x128xf32, #tpu.memory_space<vmem>> -> memref<64x128xf32, #tpu.memory_space<vmem>>
      %dma_start3A_252 = arith.constant 0 : i32
      %dma_start3A_253 = tpu.memref_slice %arg5[%dma_start3A_247, %dma_start3A_248, %dma_start3A_252] : memref<2x8x128xi32, #tpu.memory_space<vmem>> -> memref<1x1x64xi32, #tpu.memory_space<vmem>>
      %dma_start3A_254 = tpu.memref_squeeze %dma_start3A_253 : memref<1x1x64xi32, #tpu.memory_space<vmem>> -> memref<64xi32, #tpu.memory_space<vmem>>
      %dma_start3A_255 = arith.constant 0 : i32
      %dma_start3A_256 = arith.constant 0 : i32
      %dma_start3A_257 = tpu.memref_slice %arg2[%dma_start3A_255, %dma_start3A_256] : memref<20000x128xf32, #tpu.memory_space<hbm>> -> memref<20000x128xf32, #tpu.memory_space<hbm>>
      tpu.enqueue_indirect_dma source(%dma_start3A_257 : memref<20000x128xf32, #tpu.memory_space<hbm>>) target(%dma_start3A_251 : memref<64x128xf32, #tpu.memory_space<vmem>>) offsets(%dma_start3A_254 : memref<64xi32, #tpu.memory_space<vmem>>) semaphore(%arg10 : memref<!tpu.dma_semaphore, #tpu.memory_space<semaphore_mem>>)
      %dma_start3A_258 = arith.constant 0 : i32
      %dma_start3A_259 = arith.constant 5 : i32
      %dma_start3A_260 = arith.constant 64 : i32
      %dma_start3A_261 = arith.constant 0 : i32
      %dma_start3A_262 = tpu.memref_slice %arg7[%dma_start3A_260, %dma_start3A_261] : memref<128x128xf32, #tpu.memory_space<vmem>> -> memref<64x128xf32, #tpu.memory_space<vmem>>
      %dma_start3A_263 = arith.constant 64 : i32
      %dma_start3A_264 = tpu.memref_slice %arg5[%dma_start3A_258, %dma_start3A_259, %dma_start3A_263] : memref<2x8x128xi32, #tpu.memory_space<vmem>> -> memref<1x1x64xi32, #tpu.memory_space<vmem>>
      %dma_start3A_265 = tpu.memref_squeeze %dma_start3A_264 : memref<1x1x64xi32, #tpu.memory_space<vmem>> -> memref<64xi32, #tpu.memory_space<vmem>>
      %dma_start3A_266 = arith.constant 0 : i32
      %dma_start3A_267 = arith.constant 0 : i32
      %dma_start3A_268 = tpu.memref_slice %arg2[%dma_start3A_266, %dma_start3A_267] : memref<20000x128xf32, #tpu.memory_space<hbm>> -> memref<20000x128xf32, #tpu.memory_space<hbm>>
      tpu.enqueue_indirect_dma source(%dma_start3A_268 : memref<20000x128xf32, #tpu.memory_space<hbm>>) target(%dma_start3A_262 : memref<64x128xf32, #tpu.memory_space<vmem>>) offsets(%dma_start3A_265 : memref<64xi32, #tpu.memory_space<vmem>>) semaphore(%arg12 : memref<!tpu.dma_semaphore, #tpu.memory_space<semaphore_mem>>)
      %dma_wait3A_269 = arith.constant 0 : i32
      %dma_wait3A_270 = arith.constant 4 : i32
      %dma_wait3A_271 = arith.constant 0 : i32
      %dma_wait3A_272 = arith.constant 0 : i32
      %dma_wait3A_273 = tpu.memref_slice %arg6[%dma_wait3A_271, %dma_wait3A_272] : memref<128x128xf32, #tpu.memory_space<vmem>> -> memref<64x128xf32, #tpu.memory_space<vmem>>
      %dma_wait3A_274 = arith.constant 0 : i32
      %dma_wait3A_275 = tpu.memref_slice %arg5[%dma_wait3A_269, %dma_wait3A_270, %dma_wait3A_274] : memref<2x8x128xi32, #tpu.memory_space<vmem>> -> memref<1x1x64xi32, #tpu.memory_space<vmem>>
      %dma_wait3A_276 = tpu.memref_squeeze %dma_wait3A_275 : memref<1x1x64xi32, #tpu.memory_space<vmem>> -> memref<64xi32, #tpu.memory_space<vmem>>
      %dma_wait3A_277 = arith.constant 0 : i32
      %dma_wait3A_278 = arith.constant 0 : i32
      %dma_wait3A_279 = tpu.memref_slice %arg2[%dma_wait3A_277, %dma_wait3A_278] : memref<20000x128xf32, #tpu.memory_space<hbm>> -> memref<20000x128xf32, #tpu.memory_space<hbm>>
      tpu.wait_indirect_dma semaphore(%arg9 : memref<!tpu.dma_semaphore, #tpu.memory_space<semaphore_mem>>) src(%dma_wait3A_279 : memref<20000x128xf32, #tpu.memory_space<hbm>>) dst(%dma_wait3A_273 : memref<64x128xf32, #tpu.memory_space<vmem>>)
      %dma_wait3A_280 = arith.constant 0 : i32
      %dma_wait3A_281 = arith.constant 4 : i32
      %dma_wait3A_282 = arith.constant 64 : i32
      %dma_wait3A_283 = arith.constant 0 : i32
      %dma_wait3A_284 = tpu.memref_slice %arg6[%dma_wait3A_282, %dma_wait3A_283] : memref<128x128xf32, #tpu.memory_space<vmem>> -> memref<64x128xf32, #tpu.memory_space<vmem>>
      %dma_wait3A_285 = arith.constant 64 : i32
      %dma_wait3A_286 = tpu.memref_slice %arg5[%dma_wait3A_280, %dma_wait3A_281, %dma_wait3A_285] : memref<2x8x128xi32, #tpu.memory_space<vmem>> -> memref<1x1x64xi32, #tpu.memory_space<vmem>>
      %dma_wait3A_287 = tpu.memref_squeeze %dma_wait3A_286 : memref<1x1x64xi32, #tpu.memory_space<vmem>> -> memref<64xi32, #tpu.memory_space<vmem>>
      %dma_wait3A_288 = arith.constant 0 : i32
      %dma_wait3A_289 = arith.constant 0 : i32
      %dma_wait3A_290 = tpu.memref_slice %arg2[%dma_wait3A_288, %dma_wait3A_289] : memref<20000x128xf32, #tpu.memory_space<hbm>> -> memref<20000x128xf32, #tpu.memory_space<hbm>>
      tpu.wait_indirect_dma semaphore(%arg11 : memref<!tpu.dma_semaphore, #tpu.memory_space<semaphore_mem>>) src(%dma_wait3A_290 : memref<20000x128xf32, #tpu.memory_space<hbm>>) dst(%dma_wait3A_284 : memref<64x128xf32, #tpu.memory_space<vmem>>)
      %run_scoped3A_291 = arith.constant 1 : i32
      %run_scoped3A_292 = arith.constant 4 : i32
      "tpu.region"() ({
        %run_scoped3A_409 = tpu.sem_alloc : memref<!tpu.dma_semaphore, #tpu.memory_space<semaphore_mem>>
        %dma_start3A_410 = arith.constant 0 : i32
        %dma_start3A_411 = tpu.memref_slice %arg5[%run_scoped3A_291, %run_scoped3A_292, %dma_start3A_410] : memref<2x8x128xi32, #tpu.memory_space<vmem>> -> memref<1x1x128xi32, #tpu.memory_space<vmem>>
        %dma_start3A_412 = tpu.memref_squeeze %dma_start3A_411 : memref<1x1x128xi32, #tpu.memory_space<vmem>> -> memref<128xi32, #tpu.memory_space<vmem>>
        %dma_start3A_413 = arith.constant 0 : i32
        %dma_start3A_414 = arith.constant 0 : i32
        %dma_start3A_415 = tpu.memref_slice %arg8[%dma_start3A_413, %dma_start3A_414] : memref<10240x128xf32, #tpu.memory_space<vmem_shared>> -> memref<10240x128xf32, #tpu.memory_space<vmem_shared>>
        tpu.enqueue_indirect_dma source(%arg6 : memref<128x128xf32, #tpu.memory_space<vmem>>) target(%dma_start3A_415 : memref<10240x128xf32, #tpu.memory_space<vmem_shared>>) offsets(%dma_start3A_412 : memref<128xi32, #tpu.memory_space<vmem>>) semaphore(%run_scoped3A_409 : memref<!tpu.dma_semaphore, #tpu.memory_space<semaphore_mem>>) {add = true}
        %dma_wait3A_416 = arith.constant 0 : i32
        %dma_wait3A_417 = tpu.memref_slice %arg5[%run_scoped3A_291, %run_scoped3A_292, %dma_wait3A_416] : memref<2x8x128xi32, #tpu.memory_space<vmem>> -> memref<1x1x128xi32, #tpu.memory_space<vmem>>
        %dma_wait3A_418 = tpu.memref_squeeze %dma_wait3A_417 : memref<1x1x128xi32, #tpu.memory_space<vmem>> -> memref<128xi32, #tpu.memory_space<vmem>>
        %dma_wait3A_419 = arith.constant 0 : i32
        %dma_wait3A_420 = arith.constant 0 : i32
        %dma_wait3A_421 = tpu.memref_slice %arg8[%dma_wait3A_419, %dma_wait3A_420] : memref<10240x128xf32, #tpu.memory_space<vmem_shared>> -> memref<10240x128xf32, #tpu.memory_space<vmem_shared>>
        tpu.wait_indirect_dma semaphore(%run_scoped3A_409 : memref<!tpu.dma_semaphore, #tpu.memory_space<semaphore_mem>>) src(%arg6 : memref<128x128xf32, #tpu.memory_space<vmem>>) dst(%dma_wait3A_421 : memref<10240x128xf32, #tpu.memory_space<vmem_shared>>)
        tpu.yield
      }) : () -> ()
      %dma_start3A_293 = arith.constant 0 : i32
      %dma_start3A_294 = arith.constant 6 : i32
      %dma_start3A_295 = arith.constant 0 : i32
      %dma_start3A_296 = arith.constant 0 : i32
      %dma_start3A_297 = tpu.memref_slice %arg6[%dma_start3A_295, %dma_start3A_296] : memref<128x128xf32, #tpu.memory_space<vmem>> -> memref<64x128xf32, #tpu.memory_space<vmem>>
      %dma_start3A_298 = arith.constant 0 : i32
      %dma_start3A_299 = tpu.memref_slice %arg5[%dma_start3A_293, %dma_start3A_294, %dma_start3A_298] : memref<2x8x128xi32, #tpu.memory_space<vmem>> -> memref<1x1x64xi32, #tpu.memory_space<vmem>>
      %dma_start3A_300 = tpu.memref_squeeze %dma_start3A_299 : memref<1x1x64xi32, #tpu.memory_space<vmem>> -> memref<64xi32, #tpu.memory_space<vmem>>
      %dma_start3A_301 = arith.constant 0 : i32
      %dma_start3A_302 = arith.constant 0 : i32
      %dma_start3A_303 = tpu.memref_slice %arg2[%dma_start3A_301, %dma_start3A_302] : memref<20000x128xf32, #tpu.memory_space<hbm>> -> memref<20000x128xf32, #tpu.memory_space<hbm>>
      tpu.enqueue_indirect_dma source(%dma_start3A_303 : memref<20000x128xf32, #tpu.memory_space<hbm>>) target(%dma_start3A_297 : memref<64x128xf32, #tpu.memory_space<vmem>>) offsets(%dma_start3A_300 : memref<64xi32, #tpu.memory_space<vmem>>) semaphore(%arg9 : memref<!tpu.dma_semaphore, #tpu.memory_space<semaphore_mem>>)
      %dma_start3A_304 = arith.constant 0 : i32
      %dma_start3A_305 = arith.constant 6 : i32
      %dma_start3A_306 = arith.constant 64 : i32
      %dma_start3A_307 = arith.constant 0 : i32
      %dma_start3A_308 = tpu.memref_slice %arg6[%dma_start3A_306, %dma_start3A_307] : memref<128x128xf32, #tpu.memory_space<vmem>> -> memref<64x128xf32, #tpu.memory_space<vmem>>
      %dma_start3A_309 = arith.constant 64 : i32
      %dma_start3A_310 = tpu.memref_slice %arg5[%dma_start3A_304, %dma_start3A_305, %dma_start3A_309] : memref<2x8x128xi32, #tpu.memory_space<vmem>> -> memref<1x1x64xi32, #tpu.memory_space<vmem>>
      %dma_start3A_311 = tpu.memref_squeeze %dma_start3A_310 : memref<1x1x64xi32, #tpu.memory_space<vmem>> -> memref<64xi32, #tpu.memory_space<vmem>>
      %dma_start3A_312 = arith.constant 0 : i32
      %dma_start3A_313 = arith.constant 0 : i32
      %dma_start3A_314 = tpu.memref_slice %arg2[%dma_start3A_312, %dma_start3A_313] : memref<20000x128xf32, #tpu.memory_space<hbm>> -> memref<20000x128xf32, #tpu.memory_space<hbm>>
      tpu.enqueue_indirect_dma source(%dma_start3A_314 : memref<20000x128xf32, #tpu.memory_space<hbm>>) target(%dma_start3A_308 : memref<64x128xf32, #tpu.memory_space<vmem>>) offsets(%dma_start3A_311 : memref<64xi32, #tpu.memory_space<vmem>>) semaphore(%arg11 : memref<!tpu.dma_semaphore, #tpu.memory_space<semaphore_mem>>)
      %dma_wait3A_315 = arith.constant 0 : i32
      %dma_wait3A_316 = arith.constant 5 : i32
      %dma_wait3A_317 = arith.constant 0 : i32
      %dma_wait3A_318 = arith.constant 0 : i32
      %dma_wait3A_319 = tpu.memref_slice %arg7[%dma_wait3A_317, %dma_wait3A_318] : memref<128x128xf32, #tpu.memory_space<vmem>> -> memref<64x128xf32, #tpu.memory_space<vmem>>
      %dma_wait3A_320 = arith.constant 0 : i32
      %dma_wait3A_321 = tpu.memref_slice %arg5[%dma_wait3A_315, %dma_wait3A_316, %dma_wait3A_320] : memref<2x8x128xi32, #tpu.memory_space<vmem>> -> memref<1x1x64xi32, #tpu.memory_space<vmem>>
      %dma_wait3A_322 = tpu.memref_squeeze %dma_wait3A_321 : memref<1x1x64xi32, #tpu.memory_space<vmem>> -> memref<64xi32, #tpu.memory_space<vmem>>
      %dma_wait3A_323 = arith.constant 0 : i32
      %dma_wait3A_324 = arith.constant 0 : i32
      %dma_wait3A_325 = tpu.memref_slice %arg2[%dma_wait3A_323, %dma_wait3A_324] : memref<20000x128xf32, #tpu.memory_space<hbm>> -> memref<20000x128xf32, #tpu.memory_space<hbm>>
      tpu.wait_indirect_dma semaphore(%arg10 : memref<!tpu.dma_semaphore, #tpu.memory_space<semaphore_mem>>) src(%dma_wait3A_325 : memref<20000x128xf32, #tpu.memory_space<hbm>>) dst(%dma_wait3A_319 : memref<64x128xf32, #tpu.memory_space<vmem>>)
      %dma_wait3A_326 = arith.constant 0 : i32
      %dma_wait3A_327 = arith.constant 5 : i32
      %dma_wait3A_328 = arith.constant 64 : i32
      %dma_wait3A_329 = arith.constant 0 : i32
      %dma_wait3A_330 = tpu.memref_slice %arg7[%dma_wait3A_328, %dma_wait3A_329] : memref<128x128xf32, #tpu.memory_space<vmem>> -> memref<64x128xf32, #tpu.memory_space<vmem>>
      %dma_wait3A_331 = arith.constant 64 : i32
      %dma_wait3A_332 = tpu.memref_slice %arg5[%dma_wait3A_326, %dma_wait3A_327, %dma_wait3A_331] : memref<2x8x128xi32, #tpu.memory_space<vmem>> -> memref<1x1x64xi32, #tpu.memory_space<vmem>>
      %dma_wait3A_333 = tpu.memref_squeeze %dma_wait3A_332 : memref<1x1x64xi32, #tpu.memory_space<vmem>> -> memref<64xi32, #tpu.memory_space<vmem>>
      %dma_wait3A_334 = arith.constant 0 : i32
      %dma_wait3A_335 = arith.constant 0 : i32
      %dma_wait3A_336 = tpu.memref_slice %arg2[%dma_wait3A_334, %dma_wait3A_335] : memref<20000x128xf32, #tpu.memory_space<hbm>> -> memref<20000x128xf32, #tpu.memory_space<hbm>>
      tpu.wait_indirect_dma semaphore(%arg12 : memref<!tpu.dma_semaphore, #tpu.memory_space<semaphore_mem>>) src(%dma_wait3A_336 : memref<20000x128xf32, #tpu.memory_space<hbm>>) dst(%dma_wait3A_330 : memref<64x128xf32, #tpu.memory_space<vmem>>)
      %run_scoped3A_337 = arith.constant 1 : i32
      %run_scoped3A_338 = arith.constant 5 : i32
      "tpu.region"() ({
        %run_scoped3A_409 = tpu.sem_alloc : memref<!tpu.dma_semaphore, #tpu.memory_space<semaphore_mem>>
        %dma_start3A_410 = arith.constant 0 : i32
        %dma_start3A_411 = tpu.memref_slice %arg5[%run_scoped3A_337, %run_scoped3A_338, %dma_start3A_410] : memref<2x8x128xi32, #tpu.memory_space<vmem>> -> memref<1x1x128xi32, #tpu.memory_space<vmem>>
        %dma_start3A_412 = tpu.memref_squeeze %dma_start3A_411 : memref<1x1x128xi32, #tpu.memory_space<vmem>> -> memref<128xi32, #tpu.memory_space<vmem>>
        %dma_start3A_413 = arith.constant 0 : i32
        %dma_start3A_414 = arith.constant 0 : i32
        %dma_start3A_415 = tpu.memref_slice %arg8[%dma_start3A_413, %dma_start3A_414] : memref<10240x128xf32, #tpu.memory_space<vmem_shared>> -> memref<10240x128xf32, #tpu.memory_space<vmem_shared>>
        tpu.enqueue_indirect_dma source(%arg7 : memref<128x128xf32, #tpu.memory_space<vmem>>) target(%dma_start3A_415 : memref<10240x128xf32, #tpu.memory_space<vmem_shared>>) offsets(%dma_start3A_412 : memref<128xi32, #tpu.memory_space<vmem>>) semaphore(%run_scoped3A_409 : memref<!tpu.dma_semaphore, #tpu.memory_space<semaphore_mem>>) {add = true}
        %dma_wait3A_416 = arith.constant 0 : i32
        %dma_wait3A_417 = tpu.memref_slice %arg5[%run_scoped3A_337, %run_scoped3A_338, %dma_wait3A_416] : memref<2x8x128xi32, #tpu.memory_space<vmem>> -> memref<1x1x128xi32, #tpu.memory_space<vmem>>
        %dma_wait3A_418 = tpu.memref_squeeze %dma_wait3A_417 : memref<1x1x128xi32, #tpu.memory_space<vmem>> -> memref<128xi32, #tpu.memory_space<vmem>>
        %dma_wait3A_419 = arith.constant 0 : i32
        %dma_wait3A_420 = arith.constant 0 : i32
        %dma_wait3A_421 = tpu.memref_slice %arg8[%dma_wait3A_419, %dma_wait3A_420] : memref<10240x128xf32, #tpu.memory_space<vmem_shared>> -> memref<10240x128xf32, #tpu.memory_space<vmem_shared>>
        tpu.wait_indirect_dma semaphore(%run_scoped3A_409 : memref<!tpu.dma_semaphore, #tpu.memory_space<semaphore_mem>>) src(%arg7 : memref<128x128xf32, #tpu.memory_space<vmem>>) dst(%dma_wait3A_421 : memref<10240x128xf32, #tpu.memory_space<vmem_shared>>)
        tpu.yield
      }) : () -> ()
      %dma_start3A_339 = arith.constant 0 : i32
      %dma_start3A_340 = arith.constant 7 : i32
      %dma_start3A_341 = arith.constant 0 : i32
      %dma_start3A_342 = arith.constant 0 : i32
      %dma_start3A_343 = tpu.memref_slice %arg7[%dma_start3A_341, %dma_start3A_342] : memref<128x128xf32, #tpu.memory_space<vmem>> -> memref<64x128xf32, #tpu.memory_space<vmem>>
      %dma_start3A_344 = arith.constant 0 : i32
      %dma_start3A_345 = tpu.memref_slice %arg5[%dma_start3A_339, %dma_start3A_340, %dma_start3A_344] : memref<2x8x128xi32, #tpu.memory_space<vmem>> -> memref<1x1x64xi32, #tpu.memory_space<vmem>>
      %dma_start3A_346 = tpu.memref_squeeze %dma_start3A_345 : memref<1x1x64xi32, #tpu.memory_space<vmem>> -> memref<64xi32, #tpu.memory_space<vmem>>
      %dma_start3A_347 = arith.constant 0 : i32
      %dma_start3A_348 = arith.constant 0 : i32
      %dma_start3A_349 = tpu.memref_slice %arg2[%dma_start3A_347, %dma_start3A_348] : memref<20000x128xf32, #tpu.memory_space<hbm>> -> memref<20000x128xf32, #tpu.memory_space<hbm>>
      tpu.enqueue_indirect_dma source(%dma_start3A_349 : memref<20000x128xf32, #tpu.memory_space<hbm>>) target(%dma_start3A_343 : memref<64x128xf32, #tpu.memory_space<vmem>>) offsets(%dma_start3A_346 : memref<64xi32, #tpu.memory_space<vmem>>) semaphore(%arg10 : memref<!tpu.dma_semaphore, #tpu.memory_space<semaphore_mem>>)
      %dma_start3A_350 = arith.constant 0 : i32
      %dma_start3A_351 = arith.constant 7 : i32
      %dma_start3A_352 = arith.constant 64 : i32
      %dma_start3A_353 = arith.constant 0 : i32
      %dma_start3A_354 = tpu.memref_slice %arg7[%dma_start3A_352, %dma_start3A_353] : memref<128x128xf32, #tpu.memory_space<vmem>> -> memref<64x128xf32, #tpu.memory_space<vmem>>
      %dma_start3A_355 = arith.constant 64 : i32
      %dma_start3A_356 = tpu.memref_slice %arg5[%dma_start3A_350, %dma_start3A_351, %dma_start3A_355] : memref<2x8x128xi32, #tpu.memory_space<vmem>> -> memref<1x1x64xi32, #tpu.memory_space<vmem>>
      %dma_start3A_357 = tpu.memref_squeeze %dma_start3A_356 : memref<1x1x64xi32, #tpu.memory_space<vmem>> -> memref<64xi32, #tpu.memory_space<vmem>>
      %dma_start3A_358 = arith.constant 0 : i32
      %dma_start3A_359 = arith.constant 0 : i32
      %dma_start3A_360 = tpu.memref_slice %arg2[%dma_start3A_358, %dma_start3A_359] : memref<20000x128xf32, #tpu.memory_space<hbm>> -> memref<20000x128xf32, #tpu.memory_space<hbm>>
      tpu.enqueue_indirect_dma source(%dma_start3A_360 : memref<20000x128xf32, #tpu.memory_space<hbm>>) target(%dma_start3A_354 : memref<64x128xf32, #tpu.memory_space<vmem>>) offsets(%dma_start3A_357 : memref<64xi32, #tpu.memory_space<vmem>>) semaphore(%arg12 : memref<!tpu.dma_semaphore, #tpu.memory_space<semaphore_mem>>)
      %dma_wait3A_361 = arith.constant 0 : i32
      %dma_wait3A_362 = arith.constant 6 : i32
      %dma_wait3A_363 = arith.constant 0 : i32
      %dma_wait3A_364 = arith.constant 0 : i32
      %dma_wait3A_365 = tpu.memref_slice %arg6[%dma_wait3A_363, %dma_wait3A_364] : memref<128x128xf32, #tpu.memory_space<vmem>> -> memref<64x128xf32, #tpu.memory_space<vmem>>
      %dma_wait3A_366 = arith.constant 0 : i32
      %dma_wait3A_367 = tpu.memref_slice %arg5[%dma_wait3A_361, %dma_wait3A_362, %dma_wait3A_366] : memref<2x8x128xi32, #tpu.memory_space<vmem>> -> memref<1x1x64xi32, #tpu.memory_space<vmem>>
      %dma_wait3A_368 = tpu.memref_squeeze %dma_wait3A_367 : memref<1x1x64xi32, #tpu.memory_space<vmem>> -> memref<64xi32, #tpu.memory_space<vmem>>
      %dma_wait3A_369 = arith.constant 0 : i32
      %dma_wait3A_370 = arith.constant 0 : i32
      %dma_wait3A_371 = tpu.memref_slice %arg2[%dma_wait3A_369, %dma_wait3A_370] : memref<20000x128xf32, #tpu.memory_space<hbm>> -> memref<20000x128xf32, #tpu.memory_space<hbm>>
      tpu.wait_indirect_dma semaphore(%arg9 : memref<!tpu.dma_semaphore, #tpu.memory_space<semaphore_mem>>) src(%dma_wait3A_371 : memref<20000x128xf32, #tpu.memory_space<hbm>>) dst(%dma_wait3A_365 : memref<64x128xf32, #tpu.memory_space<vmem>>)
      %dma_wait3A_372 = arith.constant 0 : i32
      %dma_wait3A_373 = arith.constant 6 : i32
      %dma_wait3A_374 = arith.constant 64 : i32
      %dma_wait3A_375 = arith.constant 0 : i32
      %dma_wait3A_376 = tpu.memref_slice %arg6[%dma_wait3A_374, %dma_wait3A_375] : memref<128x128xf32, #tpu.memory_space<vmem>> -> memref<64x128xf32, #tpu.memory_space<vmem>>
      %dma_wait3A_377 = arith.constant 64 : i32
      %dma_wait3A_378 = tpu.memref_slice %arg5[%dma_wait3A_372, %dma_wait3A_373, %dma_wait3A_377] : memref<2x8x128xi32, #tpu.memory_space<vmem>> -> memref<1x1x64xi32, #tpu.memory_space<vmem>>
      %dma_wait3A_379 = tpu.memref_squeeze %dma_wait3A_378 : memref<1x1x64xi32, #tpu.memory_space<vmem>> -> memref<64xi32, #tpu.memory_space<vmem>>
      %dma_wait3A_380 = arith.constant 0 : i32
      %dma_wait3A_381 = arith.constant 0 : i32
      %dma_wait3A_382 = tpu.memref_slice %arg2[%dma_wait3A_380, %dma_wait3A_381] : memref<20000x128xf32, #tpu.memory_space<hbm>> -> memref<20000x128xf32, #tpu.memory_space<hbm>>
      tpu.wait_indirect_dma semaphore(%arg11 : memref<!tpu.dma_semaphore, #tpu.memory_space<semaphore_mem>>) src(%dma_wait3A_382 : memref<20000x128xf32, #tpu.memory_space<hbm>>) dst(%dma_wait3A_376 : memref<64x128xf32, #tpu.memory_space<vmem>>)
      %run_scoped3A_383 = arith.constant 1 : i32
      %run_scoped3A_384 = arith.constant 6 : i32
      "tpu.region"() ({
        %run_scoped3A_409 = tpu.sem_alloc : memref<!tpu.dma_semaphore, #tpu.memory_space<semaphore_mem>>
        %dma_start3A_410 = arith.constant 0 : i32
        %dma_start3A_411 = tpu.memref_slice %arg5[%run_scoped3A_383, %run_scoped3A_384, %dma_start3A_410] : memref<2x8x128xi32, #tpu.memory_space<vmem>> -> memref<1x1x128xi32, #tpu.memory_space<vmem>>
        %dma_start3A_412 = tpu.memref_squeeze %dma_start3A_411 : memref<1x1x128xi32, #tpu.memory_space<vmem>> -> memref<128xi32, #tpu.memory_space<vmem>>
        %dma_start3A_413 = arith.constant 0 : i32
        %dma_start3A_414 = arith.constant 0 : i32
        %dma_start3A_415 = tpu.memref_slice %arg8[%dma_start3A_413, %dma_start3A_414] : memref<10240x128xf32, #tpu.memory_space<vmem_shared>> -> memref<10240x128xf32, #tpu.memory_space<vmem_shared>>
        tpu.enqueue_indirect_dma source(%arg6 : memref<128x128xf32, #tpu.memory_space<vmem>>) target(%dma_start3A_415 : memref<10240x128xf32, #tpu.memory_space<vmem_shared>>) offsets(%dma_start3A_412 : memref<128xi32, #tpu.memory_space<vmem>>) semaphore(%run_scoped3A_409 : memref<!tpu.dma_semaphore, #tpu.memory_space<semaphore_mem>>) {add = true}
        %dma_wait3A_416 = arith.constant 0 : i32
        %dma_wait3A_417 = tpu.memref_slice %arg5[%run_scoped3A_383, %run_scoped3A_384, %dma_wait3A_416] : memref<2x8x128xi32, #tpu.memory_space<vmem>> -> memref<1x1x128xi32, #tpu.memory_space<vmem>>
        %dma_wait3A_418 = tpu.memref_squeeze %dma_wait3A_417 : memref<1x1x128xi32, #tpu.memory_space<vmem>> -> memref<128xi32, #tpu.memory_space<vmem>>
        %dma_wait3A_419 = arith.constant 0 : i32
        %dma_wait3A_420 = arith.constant 0 : i32
        %dma_wait3A_421 = tpu.memref_slice %arg8[%dma_wait3A_419, %dma_wait3A_420] : memref<10240x128xf32, #tpu.memory_space<vmem_shared>> -> memref<10240x128xf32, #tpu.memory_space<vmem_shared>>
        tpu.wait_indirect_dma semaphore(%run_scoped3A_409 : memref<!tpu.dma_semaphore, #tpu.memory_space<semaphore_mem>>) src(%arg6 : memref<128x128xf32, #tpu.memory_space<vmem>>) dst(%dma_wait3A_421 : memref<10240x128xf32, #tpu.memory_space<vmem_shared>>)
        tpu.yield
      }) : () -> ()
      %dma_wait3A_385 = arith.constant 0 : i32
      %dma_wait3A_386 = arith.constant 7 : i32
      %dma_wait3A_387 = arith.constant 0 : i32
      %dma_wait3A_388 = arith.constant 0 : i32
      %dma_wait3A_389 = tpu.memref_slice %arg7[%dma_wait3A_387, %dma_wait3A_388] : memref<128x128xf32, #tpu.memory_space<vmem>> -> memref<64x128xf32, #tpu.memory_space<vmem>>
      %dma_wait3A_390 = arith.constant 0 : i32
      %dma_wait3A_391 = tpu.memref_slice %arg5[%dma_wait3A_385, %dma_wait3A_386, %dma_wait3A_390] : memref<2x8x128xi32, #tpu.memory_space<vmem>> -> memref<1x1x64xi32, #tpu.memory_space<vmem>>
      %dma_wait3A_392 = tpu.memref_squeeze %dma_wait3A_391 : memref<1x1x64xi32, #tpu.memory_space<vmem>> -> memref<64xi32, #tpu.memory_space<vmem>>
      %dma_wait3A_393 = arith.constant 0 : i32
      %dma_wait3A_394 = arith.constant 0 : i32
      %dma_wait3A_395 = tpu.memref_slice %arg2[%dma_wait3A_393, %dma_wait3A_394] : memref<20000x128xf32, #tpu.memory_space<hbm>> -> memref<20000x128xf32, #tpu.memory_space<hbm>>
      tpu.wait_indirect_dma semaphore(%arg10 : memref<!tpu.dma_semaphore, #tpu.memory_space<semaphore_mem>>) src(%dma_wait3A_395 : memref<20000x128xf32, #tpu.memory_space<hbm>>) dst(%dma_wait3A_389 : memref<64x128xf32, #tpu.memory_space<vmem>>)
      %dma_wait3A_396 = arith.constant 0 : i32
      %dma_wait3A_397 = arith.constant 7 : i32
      %dma_wait3A_398 = arith.constant 64 : i32
      %dma_wait3A_399 = arith.constant 0 : i32
      %dma_wait3A_400 = tpu.memref_slice %arg7[%dma_wait3A_398, %dma_wait3A_399] : memref<128x128xf32, #tpu.memory_space<vmem>> -> memref<64x128xf32, #tpu.memory_space<vmem>>
      %dma_wait3A_401 = arith.constant 64 : i32
      %dma_wait3A_402 = tpu.memref_slice %arg5[%dma_wait3A_396, %dma_wait3A_397, %dma_wait3A_401] : memref<2x8x128xi32, #tpu.memory_space<vmem>> -> memref<1x1x64xi32, #tpu.memory_space<vmem>>
      %dma_wait3A_403 = tpu.memref_squeeze %dma_wait3A_402 : memref<1x1x64xi32, #tpu.memory_space<vmem>> -> memref<64xi32, #tpu.memory_space<vmem>>
      %dma_wait3A_404 = arith.constant 0 : i32
      %dma_wait3A_405 = arith.constant 0 : i32
      %dma_wait3A_406 = tpu.memref_slice %arg2[%dma_wait3A_404, %dma_wait3A_405] : memref<20000x128xf32, #tpu.memory_space<hbm>> -> memref<20000x128xf32, #tpu.memory_space<hbm>>
      tpu.wait_indirect_dma semaphore(%arg12 : memref<!tpu.dma_semaphore, #tpu.memory_space<semaphore_mem>>) src(%dma_wait3A_406 : memref<20000x128xf32, #tpu.memory_space<hbm>>) dst(%dma_wait3A_400 : memref<64x128xf32, #tpu.memory_space<vmem>>)
      %run_scoped3A_407 = arith.constant 1 : i32
      %run_scoped3A_408 = arith.constant 7 : i32
      "tpu.region"() ({
        %run_scoped3A_409 = tpu.sem_alloc : memref<!tpu.dma_semaphore, #tpu.memory_space<semaphore_mem>>
        %dma_start3A_410 = arith.constant 0 : i32
        %dma_start3A_411 = tpu.memref_slice %arg5[%run_scoped3A_407, %run_scoped3A_408, %dma_start3A_410] : memref<2x8x128xi32, #tpu.memory_space<vmem>> -> memref<1x1x128xi32, #tpu.memory_space<vmem>>
        %dma_start3A_412 = tpu.memref_squeeze %dma_start3A_411 : memref<1x1x128xi32, #tpu.memory_space<vmem>> -> memref<128xi32, #tpu.memory_space<vmem>>
        %dma_start3A_413 = arith.constant 0 : i32
        %dma_start3A_414 = arith.constant 0 : i32
        %dma_start3A_415 = tpu.memref_slice %arg8[%dma_start3A_413, %dma_start3A_414] : memref<10240x128xf32, #tpu.memory_space<vmem_shared>> -> memref<10240x128xf32, #tpu.memory_space<vmem_shared>>
        tpu.enqueue_indirect_dma source(%arg7 : memref<128x128xf32, #tpu.memory_space<vmem>>) target(%dma_start3A_415 : memref<10240x128xf32, #tpu.memory_space<vmem_shared>>) offsets(%dma_start3A_412 : memref<128xi32, #tpu.memory_space<vmem>>) semaphore(%run_scoped3A_409 : memref<!tpu.dma_semaphore, #tpu.memory_space<semaphore_mem>>) {add = true}
        %dma_wait3A_416 = arith.constant 0 : i32
        %dma_wait3A_417 = tpu.memref_slice %arg5[%run_scoped3A_407, %run_scoped3A_408, %dma_wait3A_416] : memref<2x8x128xi32, #tpu.memory_space<vmem>> -> memref<1x1x128xi32, #tpu.memory_space<vmem>>
        %dma_wait3A_418 = tpu.memref_squeeze %dma_wait3A_417 : memref<1x1x128xi32, #tpu.memory_space<vmem>> -> memref<128xi32, #tpu.memory_space<vmem>>
        %dma_wait3A_419 = arith.constant 0 : i32
        %dma_wait3A_420 = arith.constant 0 : i32
        %dma_wait3A_421 = tpu.memref_slice %arg8[%dma_wait3A_419, %dma_wait3A_420] : memref<10240x128xf32, #tpu.memory_space<vmem_shared>> -> memref<10240x128xf32, #tpu.memory_space<vmem_shared>>
        tpu.wait_indirect_dma semaphore(%run_scoped3A_409 : memref<!tpu.dma_semaphore, #tpu.memory_space<semaphore_mem>>) src(%arg7 : memref<128x128xf32, #tpu.memory_space<vmem>>) dst(%dma_wait3A_421 : memref<10240x128xf32, #tpu.memory_space<vmem_shared>>)
        tpu.yield
      }) : () -> ()
    }
    %scan3A_21 = arith.constant 10 : i32
    %barrier3A_22 = arith.constant 0 : index
    tpu.barrier barrier_id(%barrier3A_22)
    %add3A_23 = arith.constant 0 : i32
    %add3A_24 = arith.addi %mul3A_6, %add3A_23 : i32
    %add3A_25 = arith.constant 0 : i32
    %add3A_26 = arith.addi %mul3A_6, %add3A_25 : i32
    "tpu.region"() ({
      %run_scoped3A = tpu.sem_alloc : memref<!tpu.dma_semaphore, #tpu.memory_space<semaphore_mem>>
      %dma_start3A = arith.constant 0 : i32
      %dma_start3A_43 = tpu.memref_slice %arg4[%arg0, %add3A_26, %dma_start3A] : memref<2x10240x128xf32, #tpu.memory_space<hbm>> -> memref<1x128x128xf32, #tpu.memory_space<hbm>>
      %dma_start3A_44 = tpu.memref_squeeze %dma_start3A_43 : memref<1x128x128xf32, #tpu.memory_space<hbm>> -> memref<128x128xf32, #tpu.memory_space<hbm>>
      %dma_start3A_45 = arith.constant 0 : i32
      %dma_start3A_46 = tpu.memref_slice %arg8[%add3A_24, %dma_start3A_45] : memref<10240x128xf32, #tpu.memory_space<vmem_shared>> -> memref<128x128xf32, #tpu.memory_space<vmem_shared>>
      tpu.enqueue_dma source(%dma_start3A_46 : memref<128x128xf32, #tpu.memory_space<vmem_shared>>) target(%dma_start3A_44 : memref<128x128xf32, #tpu.memory_space<hbm>>) target_semaphore(%run_scoped3A : memref<!tpu.dma_semaphore, #tpu.memory_space<semaphore_mem>>)
      %dma_wait3A = arith.constant 0 : i32
      %dma_wait3A_47 = tpu.memref_slice %arg4[%arg0, %add3A_26, %dma_wait3A] : memref<2x10240x128xf32, #tpu.memory_space<hbm>> -> memref<1x128x128xf32, #tpu.memory_space<hbm>>
      %dma_wait3A_48 = tpu.memref_squeeze %dma_wait3A_47 : memref<1x128x128xf32, #tpu.memory_space<hbm>> -> memref<128x128xf32, #tpu.memory_space<hbm>>
      %dma_wait3A_49 = arith.constant 0 : i32
      %dma_wait3A_50 = tpu.memref_slice %arg8[%add3A_24, %dma_wait3A_49] : memref<10240x128xf32, #tpu.memory_space<vmem_shared>> -> memref<128x128xf32, #tpu.memory_space<vmem_shared>>
      tpu.wait_dma2 semaphore(%run_scoped3A : memref<!tpu.dma_semaphore, #tpu.memory_space<semaphore_mem>>) src(%dma_wait3A_50 : memref<128x128xf32, #tpu.memory_space<vmem_shared>>) dst(%dma_wait3A_48 : memref<128x128xf32, #tpu.memory_space<hbm>>)
      tpu.yield
    }) : () -> ()
    %add3A_27 = arith.constant 128 : i32
    %add3A_28 = arith.addi %mul3A_6, %add3A_27 : i32
    %add3A_29 = arith.constant 128 : i32
    %add3A_30 = arith.addi %mul3A_6, %add3A_29 : i32
    "tpu.region"() ({
      %run_scoped3A = tpu.sem_alloc : memref<!tpu.dma_semaphore, #tpu.memory_space<semaphore_mem>>
      %dma_start3A = arith.constant 0 : i32
      %dma_start3A_43 = tpu.memref_slice %arg4[%arg0, %add3A_30, %dma_start3A] : memref<2x10240x128xf32, #tpu.memory_space<hbm>> -> memref<1x128x128xf32, #tpu.memory_space<hbm>>
      %dma_start3A_44 = tpu.memref_squeeze %dma_start3A_43 : memref<1x128x128xf32, #tpu.memory_space<hbm>> -> memref<128x128xf32, #tpu.memory_space<hbm>>
      %dma_start3A_45 = arith.constant 0 : i32
      %dma_start3A_46 = tpu.memref_slice %arg8[%add3A_28, %dma_start3A_45] : memref<10240x128xf32, #tpu.memory_space<vmem_shared>> -> memref<128x128xf32, #tpu.memory_space<vmem_shared>>
      tpu.enqueue_dma source(%dma_start3A_46 : memref<128x128xf32, #tpu.memory_space<vmem_shared>>) target(%dma_start3A_44 : memref<128x128xf32, #tpu.memory_space<hbm>>) target_semaphore(%run_scoped3A : memref<!tpu.dma_semaphore, #tpu.memory_space<semaphore_mem>>)
      %dma_wait3A = arith.constant 0 : i32
      %dma_wait3A_47 = tpu.memref_slice %arg4[%arg0, %add3A_30, %dma_wait3A] : memref<2x10240x128xf32, #tpu.memory_space<hbm>> -> memref<1x128x128xf32, #tpu.memory_space<hbm>>
      %dma_wait3A_48 = tpu.memref_squeeze %dma_wait3A_47 : memref<1x128x128xf32, #tpu.memory_space<hbm>> -> memref<128x128xf32, #tpu.memory_space<hbm>>
      %dma_wait3A_49 = arith.constant 0 : i32
      %dma_wait3A_50 = tpu.memref_slice %arg8[%add3A_28, %dma_wait3A_49] : memref<10240x128xf32, #tpu.memory_space<vmem_shared>> -> memref<128x128xf32, #tpu.memory_space<vmem_shared>>
      tpu.wait_dma2 semaphore(%run_scoped3A : memref<!tpu.dma_semaphore, #tpu.memory_space<semaphore_mem>>) src(%dma_wait3A_50 : memref<128x128xf32, #tpu.memory_space<vmem_shared>>) dst(%dma_wait3A_48 : memref<128x128xf32, #tpu.memory_space<hbm>>)
      tpu.yield
    }) : () -> ()
    %add3A_31 = arith.constant 256 : i32
    %add3A_32 = arith.addi %mul3A_6, %add3A_31 : i32
    %add3A_33 = arith.constant 256 : i32
    %add3A_34 = arith.addi %mul3A_6, %add3A_33 : i32
    "tpu.region"() ({
      %run_scoped3A = tpu.sem_alloc : memref<!tpu.dma_semaphore, #tpu.memory_space<semaphore_mem>>
      %dma_start3A = arith.constant 0 : i32
      %dma_start3A_43 = tpu.memref_slice %arg4[%arg0, %add3A_34, %dma_start3A] : memref<2x10240x128xf32, #tpu.memory_space<hbm>> -> memref<1x128x128xf32, #tpu.memory_space<hbm>>
      %dma_start3A_44 = tpu.memref_squeeze %dma_start3A_43 : memref<1x128x128xf32, #tpu.memory_space<hbm>> -> memref<128x128xf32, #tpu.memory_space<hbm>>
      %dma_start3A_45 = arith.constant 0 : i32
      %dma_start3A_46 = tpu.memref_slice %arg8[%add3A_32, %dma_start3A_45] : memref<10240x128xf32, #tpu.memory_space<vmem_shared>> -> memref<128x128xf32, #tpu.memory_space<vmem_shared>>
      tpu.enqueue_dma source(%dma_start3A_46 : memref<128x128xf32, #tpu.memory_space<vmem_shared>>) target(%dma_start3A_44 : memref<128x128xf32, #tpu.memory_space<hbm>>) target_semaphore(%run_scoped3A : memref<!tpu.dma_semaphore, #tpu.memory_space<semaphore_mem>>)
      %dma_wait3A = arith.constant 0 : i32
      %dma_wait3A_47 = tpu.memref_slice %arg4[%arg0, %add3A_34, %dma_wait3A] : memref<2x10240x128xf32, #tpu.memory_space<hbm>> -> memref<1x128x128xf32, #tpu.memory_space<hbm>>
      %dma_wait3A_48 = tpu.memref_squeeze %dma_wait3A_47 : memref<1x128x128xf32, #tpu.memory_space<hbm>> -> memref<128x128xf32, #tpu.memory_space<hbm>>
      %dma_wait3A_49 = arith.constant 0 : i32
      %dma_wait3A_50 = tpu.memref_slice %arg8[%add3A_32, %dma_wait3A_49] : memref<10240x128xf32, #tpu.memory_space<vmem_shared>> -> memref<128x128xf32, #tpu.memory_space<vmem_shared>>
      tpu.wait_dma2 semaphore(%run_scoped3A : memref<!tpu.dma_semaphore, #tpu.memory_space<semaphore_mem>>) src(%dma_wait3A_50 : memref<128x128xf32, #tpu.memory_space<vmem_shared>>) dst(%dma_wait3A_48 : memref<128x128xf32, #tpu.memory_space<hbm>>)
      tpu.yield
    }) : () -> ()
    %add3A_35 = arith.constant 384 : i32
    %add3A_36 = arith.addi %mul3A_6, %add3A_35 : i32
    %add3A_37 = arith.constant 384 : i32
    %add3A_38 = arith.addi %mul3A_6, %add3A_37 : i32
    "tpu.region"() ({
      %run_scoped3A = tpu.sem_alloc : memref<!tpu.dma_semaphore, #tpu.memory_space<semaphore_mem>>
      %dma_start3A = arith.constant 0 : i32
      %dma_start3A_43 = tpu.memref_slice %arg4[%arg0, %add3A_38, %dma_start3A] : memref<2x10240x128xf32, #tpu.memory_space<hbm>> -> memref<1x128x128xf32, #tpu.memory_space<hbm>>
      %dma_start3A_44 = tpu.memref_squeeze %dma_start3A_43 : memref<1x128x128xf32, #tpu.memory_space<hbm>> -> memref<128x128xf32, #tpu.memory_space<hbm>>
      %dma_start3A_45 = arith.constant 0 : i32
      %dma_start3A_46 = tpu.memref_slice %arg8[%add3A_36, %dma_start3A_45] : memref<10240x128xf32, #tpu.memory_space<vmem_shared>> -> memref<128x128xf32, #tpu.memory_space<vmem_shared>>
      tpu.enqueue_dma source(%dma_start3A_46 : memref<128x128xf32, #tpu.memory_space<vmem_shared>>) target(%dma_start3A_44 : memref<128x128xf32, #tpu.memory_space<hbm>>) target_semaphore(%run_scoped3A : memref<!tpu.dma_semaphore, #tpu.memory_space<semaphore_mem>>)
      %dma_wait3A = arith.constant 0 : i32
      %dma_wait3A_47 = tpu.memref_slice %arg4[%arg0, %add3A_38, %dma_wait3A] : memref<2x10240x128xf32, #tpu.memory_space<hbm>> -> memref<1x128x128xf32, #tpu.memory_space<hbm>>
      %dma_wait3A_48 = tpu.memref_squeeze %dma_wait3A_47 : memref<1x128x128xf32, #tpu.memory_space<hbm>> -> memref<128x128xf32, #tpu.memory_space<hbm>>
      %dma_wait3A_49 = arith.constant 0 : i32
      %dma_wait3A_50 = tpu.memref_slice %arg8[%add3A_36, %dma_wait3A_49] : memref<10240x128xf32, #tpu.memory_space<vmem_shared>> -> memref<128x128xf32, #tpu.memory_space<vmem_shared>>
      tpu.wait_dma2 semaphore(%run_scoped3A : memref<!tpu.dma_semaphore, #tpu.memory_space<semaphore_mem>>) src(%dma_wait3A_50 : memref<128x128xf32, #tpu.memory_space<vmem_shared>>) dst(%dma_wait3A_48 : memref<128x128xf32, #tpu.memory_space<hbm>>)
      tpu.yield
    }) : () -> ()
    %add3A_39 = arith.constant 512 : i32
    %add3A_40 = arith.addi %mul3A_6, %add3A_39 : i32
    %add3A_41 = arith.constant 512 : i32
    %add3A_42 = arith.addi %mul3A_6, %add3A_41 : i32
    "tpu.region"() ({
      %run_scoped3A = tpu.sem_alloc : memref<!tpu.dma_semaphore, #tpu.memory_space<semaphore_mem>>
      %dma_start3A = arith.constant 0 : i32
      %dma_start3A_43 = tpu.memref_slice %arg4[%arg0, %add3A_42, %dma_start3A] : memref<2x10240x128xf32, #tpu.memory_space<hbm>> -> memref<1x128x128xf32, #tpu.memory_space<hbm>>
      %dma_start3A_44 = tpu.memref_squeeze %dma_start3A_43 : memref<1x128x128xf32, #tpu.memory_space<hbm>> -> memref<128x128xf32, #tpu.memory_space<hbm>>
      %dma_start3A_45 = arith.constant 0 : i32
      %dma_start3A_46 = tpu.memref_slice %arg8[%add3A_40, %dma_start3A_45] : memref<10240x128xf32, #tpu.memory_space<vmem_shared>> -> memref<128x128xf32, #tpu.memory_space<vmem_shared>>
      tpu.enqueue_dma source(%dma_start3A_46 : memref<128x128xf32, #tpu.memory_space<vmem_shared>>) target(%dma_start3A_44 : memref<128x128xf32, #tpu.memory_space<hbm>>) target_semaphore(%run_scoped3A : memref<!tpu.dma_semaphore, #tpu.memory_space<semaphore_mem>>)
      %dma_wait3A = arith.constant 0 : i32
      %dma_wait3A_47 = tpu.memref_slice %arg4[%arg0, %add3A_42, %dma_wait3A] : memref<2x10240x128xf32, #tpu.memory_space<hbm>> -> memref<1x128x128xf32, #tpu.memory_space<hbm>>
      %dma_wait3A_48 = tpu.memref_squeeze %dma_wait3A_47 : memref<1x128x128xf32, #tpu.memory_space<hbm>> -> memref<128x128xf32, #tpu.memory_space<hbm>>
      %dma_wait3A_49 = arith.constant 0 : i32
      %dma_wait3A_50 = tpu.memref_slice %arg8[%add3A_40, %dma_wait3A_49] : memref<10240x128xf32, #tpu.memory_space<vmem_shared>> -> memref<128x128xf32, #tpu.memory_space<vmem_shared>>
      tpu.wait_dma2 semaphore(%run_scoped3A : memref<!tpu.dma_semaphore, #tpu.memory_space<semaphore_mem>>) src(%dma_wait3A_50 : memref<128x128xf32, #tpu.memory_space<vmem_shared>>) dst(%dma_wait3A_48 : memref<128x128xf32, #tpu.memory_space<hbm>>)
      tpu.yield
    }) : () -> ()
    return
  }
}

#map = affine_map<(d0, d1) -> (0, 0)>
#map1 = affine_map<(d0, d1) -> (0, 0, 0, 0, 0, 0)>
#map2 = affine_map<(d0, d1) -> (0, 0, 0)>
module attributes {stable_mosaic.version = 14 : i64} {
  func.func @k(%arg0: i32, %arg1: i32, %arg2: memref<20000x128xf32, #tpu.memory_space<hbm>>, %arg3: memref<2x16x10x2x8x128xi32, #tpu.memory_space<hbm>>, %arg4: memref<2x10240x128xf32, #tpu.memory_space<hbm>>, %arg5: memref<2x8x128xi32, #tpu.memory_space<vmem>>, %arg6: memref<128x128xf32, #tpu.memory_space<vmem>>, %arg7: memref<128x128xf32, #tpu.memory_space<vmem>>, %arg8: memref<10240x128xf32, #tpu.memory_space<vmem_shared>>, %arg9: memref<!tpu.dma_semaphore, #tpu.memory_space<semaphore_mem>>, %arg10: memref<!tpu.dma_semaphore, #tpu.memory_space<semaphore_mem>>, %arg11: memref<!tpu.dma_semaphore, #tpu.memory_space<semaphore_mem>>, %arg12: memref<!tpu.dma_semaphore, #tpu.memory_space<semaphore_mem>>) attributes {dimension_semantics = [#tpu.dimension_semantics<core_parallel>, #tpu.dimension_semantics<subcore_parallel>], iteration_bounds = array<i64: 2, 16>, scalar_prefetch = 0 : i64, scratch_operands = 8 : i64, tpu.core_type = #tpu.core_type<sc_vector_subcore>, window_params = [{transform_indices = #map}, {transform_indices = #map1}, {transform_indices = #map2}]} {
    %broadcast_in_dim3A = arith.constant 0.000000e+00 : f32
    %broadcast_in_dim3A_0 = vector.broadcast %broadcast_in_dim3A : f32 to vector<16xf32>
    %scan3A = arith.constant 0 : i32
    %scan3A_1 = arith.constant 0 : i32
    %scan3A_2 = arith.constant 128 : i32
    %scan3A_3 = arith.addi %scan3A_1, %scan3A_2 : i32
    %scan3A_4 = arith.constant 1 : i32
    scf.for %scan3A_43 = %scan3A_1 to %scan3A_3 step %scan3A_4  : i32 {
      %swap3A = arith.index_cast %scan3A_43 : i32 to index
      %swap3A_44 = arith.constant 0 : index
      %swap3A_45 = tpu.vector_load %arg6[%swap3A, %swap3A_44] {strides = array<i32>} : memref<128x128xf32, #tpu.memory_space<vmem>>, vector<16xf32>,
      tpu.vector_store %arg6[%swap3A, %swap3A_44], %broadcast_in_dim3A_0 {strides = array<i32>} : memref<128x128xf32, #tpu.memory_space<vmem>>, vector<16xf32>,
      %swap3A_46 = arith.index_cast %scan3A_43 : i32 to index
      %swap3A_47 = arith.constant 16 : index
      %swap3A_48 = tpu.vector_load %arg6[%swap3A_46, %swap3A_47] {strides = array<i32>} : memref<128x128xf32, #tpu.memory_space<vmem>>, vector<16xf32>,
      tpu.vector_store %arg6[%swap3A_46, %swap3A_47], %broadcast_in_dim3A_0 {strides = array<i32>} : memref<128x128xf32, #tpu.memory_space<vmem>>, vector<16xf32>,
      %swap3A_49 = arith.index_cast %scan3A_43 : i32 to index
      %swap3A_50 = arith.constant 32 : index
      %swap3A_51 = tpu.vector_load %arg6[%swap3A_49, %swap3A_50] {strides = array<i32>} : memref<128x128xf32, #tpu.memory_space<vmem>>, vector<16xf32>,
      tpu.vector_store %arg6[%swap3A_49, %swap3A_50], %broadcast_in_dim3A_0 {strides = array<i32>} : memref<128x128xf32, #tpu.memory_space<vmem>>, vector<16xf32>,
      %swap3A_52 = arith.index_cast %scan3A_43 : i32 to index
      %swap3A_53 = arith.constant 48 : index
      %swap3A_54 = tpu.vector_load %arg6[%swap3A_52, %swap3A_53] {strides = array<i32>} : memref<128x128xf32, #tpu.memory_space<vmem>>, vector<16xf32>,
      tpu.vector_store %arg6[%swap3A_52, %swap3A_53], %broadcast_in_dim3A_0 {strides = array<i32>} : memref<128x128xf32, #tpu.memory_space<vmem>>, vector<16xf32>,
      %swap3A_55 = arith.index_cast %scan3A_43 : i32 to index
      %swap3A_56 = arith.constant 64 : index
      %swap3A_57 = tpu.vector_load %arg6[%swap3A_55, %swap3A_56] {strides = array<i32>} : memref<128x128xf32, #tpu.memory_space<vmem>>, vector<16xf32>,
      tpu.vector_store %arg6[%swap3A_55, %swap3A_56], %broadcast_in_dim3A_0 {strides = array<i32>} : memref<128x128xf32, #tpu.memory_space<vmem>>, vector<16xf32>,
      %swap3A_58 = arith.index_cast %scan3A_43 : i32 to index
      %swap3A_59 = arith.constant 80 : index
      %swap3A_60 = tpu.vector_load %arg6[%swap3A_58, %swap3A_59] {strides = array<i32>} : memref<128x128xf32, #tpu.memory_space<vmem>>, vector<16xf32>,
      tpu.vector_store %arg6[%swap3A_58, %swap3A_59], %broadcast_in_dim3A_0 {strides = array<i32>} : memref<128x128xf32, #tpu.memory_space<vmem>>, vector<16xf32>,
      %swap3A_61 = arith.index_cast %scan3A_43 : i32 to index
      %swap3A_62 = arith.constant 96 : index
      %swap3A_63 = tpu.vector_load %arg6[%swap3A_61, %swap3A_62] {strides = array<i32>} : memref<128x128xf32, #tpu.memory_space<vmem>>, vector<16xf32>,
      tpu.vector_store %arg6[%swap3A_61, %swap3A_62], %broadcast_in_dim3A_0 {strides = array<i32>} : memref<128x128xf32, #tpu.memory_space<vmem>>, vector<16xf32>,
      %swap3A_64 = arith.index_cast %scan3A_43 : i32 to index
      %swap3A_65 = arith.constant 112 : index
      %swap3A_66 = tpu.vector_load %arg6[%swap3A_64, %swap3A_65] {strides = array<i32>} : memref<128x128xf32, #tpu.memory_space<vmem>>, vector<16xf32>,
      tpu.vector_store %arg6[%swap3A_64, %swap3A_65], %broadcast_in_dim3A_0 {strides = array<i32>} : memref<128x128xf32, #tpu.memory_space<vmem>>, vector<16xf32>,
    }
    %scan3A_5 = arith.constant 128 : i32
    %mul3A = arith.constant 640 : i32
    %mul3A_6 = arith.muli %arg1, %mul3A : i32
    %add3A = arith.constant 0 : i32
    %add3A_7 = arith.addi %mul3A_6, %add3A : i32
    "tpu.region"() ({
      %run_scoped3A = tpu.sem_alloc : memref<!tpu.dma_semaphore, #tpu.memory_space<semaphore_mem>>
      %dma_start3A = arith.constant 0 : i32
      %dma_start3A_43 = tpu.memref_slice %arg8[%add3A_7, %dma_start3A] : memref<10240x128xf32, #tpu.memory_space<vmem_shared>> -> memref<128x128xf32, #tpu.memory_space<vmem_shared>>
      %dma_start3A_44 = arith.constant 0 : i32
      %dma_start3A_45 = tpu.memref_slice %arg8[%add3A_7, %dma_start3A_44] : memref<10240x128xf32, #tpu.memory_space<vmem_shared>> -> memref<128x128xf32, #tpu.memory_space<vmem_shared>>
      tpu.enqueue_dma source(%arg6 : memref<128x128xf32, #tpu.memory_space<vmem>>) target(%dma_start3A_45 : memref<128x128xf32, #tpu.memory_space<vmem_shared>>) target_semaphore(%run_scoped3A : memref<!tpu.dma_semaphore, #tpu.memory_space<semaphore_mem>>)
      %dma_wait3A = arith.constant 0 : i32
      %dma_wait3A_46 = tpu.memref_slice %arg8[%add3A_7, %dma_wait3A] : memref<10240x128xf32, #tpu.memory_space<vmem_shared>> -> memref<128x128xf32, #tpu.memory_space<vmem_shared>>
      %dma_wait3A_47 = arith.constant 0 : i32
      %dma_wait3A_48 = tpu.memref_slice %arg8[%add3A_7, %dma_wait3A_47] : memref<10240x128xf32, #tpu.memory_space<vmem_shared>> -> memref<128x128xf32, #tpu.memory_space<vmem_shared>>
      tpu.wait_dma2 semaphore(%run_scoped3A : memref<!tpu.dma_semaphore, #tpu.memory_space<semaphore_mem>>) src(%arg6 : memref<128x128xf32, #tpu.memory_space<vmem>>) dst(%dma_wait3A_48 : memref<128x128xf32, #tpu.memory_space<vmem_shared>>)
      tpu.yield
    }) : () -> ()
    %add3A_8 = arith.constant 128 : i32
    %add3A_9 = arith.addi %mul3A_6, %add3A_8 : i32
    "tpu.region"() ({
      %run_scoped3A = tpu.sem_alloc : memref<!tpu.dma_semaphore, #tpu.memory_space<semaphore_mem>>
      %dma_start3A = arith.constant 0 : i32
      %dma_start3A_43 = tpu.memref_slice %arg8[%add3A_9, %dma_start3A] : memref<10240x128xf32, #tpu.memory_space<vmem_shared>> -> memref<128x128xf32, #tpu.memory_space<vmem_shared>>
      %dma_start3A_44 = arith.constant 0 : i32
      %dma_start3A_45 = tpu.memref_slice %arg8[%add3A_9, %dma_start3A_44] : memref<10240x128xf32, #tpu.memory_space<vmem_shared>> -> memref<128x128xf32, #tpu.memory_space<vmem_shared>>
      tpu.enqueue_dma source(%arg6 : memref<128x128xf32, #tpu.memory_space<vmem>>) target(%dma_start3A_45 : memref<128x128xf32, #tpu.memory_space<vmem_shared>>) target_semaphore(%run_scoped3A : memref<!tpu.dma_semaphore, #tpu.memory_space<semaphore_mem>>)
      %dma_wait3A = arith.constant 0 : i32
      %dma_wait3A_46 = tpu.memref_slice %arg8[%add3A_9, %dma_wait3A] : memref<10240x128xf32, #tpu.memory_space<vmem_shared>> -> memref<128x128xf32, #tpu.memory_space<vmem_shared>>
      %dma_wait3A_47 = arith.constant 0 : i32
      %dma_wait3A_48 = tpu.memref_slice %arg8[%add3A_9, %dma_wait3A_47] : memref<10240x128xf32, #tpu.memory_space<vmem_shared>> -> memref<128x128xf32, #tpu.memory_space<vmem_shared>>
      tpu.wait_dma2 semaphore(%run_scoped3A : memref<!tpu.dma_semaphore, #tpu.memory_space<semaphore_mem>>) src(%arg6 : memref<128x128xf32, #tpu.memory_space<vmem>>) dst(%dma_wait3A_48 : memref<128x128xf32, #tpu.memory_space<vmem_shared>>)
      tpu.yield
    }) : () -> ()
    %add3A_10 = arith.constant 256 : i32
    %add3A_11 = arith.addi %mul3A_6, %add3A_10 : i32
    "tpu.region"() ({
      %run_scoped3A = tpu.sem_alloc : memref<!tpu.dma_semaphore, #tpu.memory_space<semaphore_mem>>
      %dma_start3A = arith.constant 0 : i32
      %dma_start3A_43 = tpu.memref_slice %arg8[%add3A_11, %dma_start3A] : memref<10240x128xf32, #tpu.memory_space<vmem_shared>> -> memref<128x128xf32, #tpu.memory_space<vmem_shared>>
      %dma_start3A_44 = arith.constant 0 : i32
      %dma_start3A_45 = tpu.memref_slice %arg8[%add3A_11, %dma_start3A_44] : memref<10240x128xf32, #tpu.memory_space<vmem_shared>> -> memref<128x128xf32, #tpu.memory_space<vmem_shared>>
      tpu.enqueue_dma source(%arg6 : memref<128x128xf32, #tpu.memory_space<vmem>>) target(%dma_start3A_45 : memref<128x128xf32, #tpu.memory_space<vmem_shared>>) target_semaphore(%run_scoped3A : memref<!tpu.dma_semaphore, #tpu.memory_space<semaphore_mem>>)
      %dma_wait3A = arith.constant 0 : i32
      %dma_wait3A_46 = tpu.memref_slice %arg8[%add3A_11, %dma_wait3A] : memref<10240x128xf32, #tpu.memory_space<vmem_shared>> -> memref<128x128xf32, #tpu.memory_space<vmem_shared>>
      %dma_wait3A_47 = arith.constant 0 : i32
      %dma_wait3A_48 = tpu.memref_slice %arg8[%add3A_11, %dma_wait3A_47] : memref<10240x128xf32, #tpu.memory_space<vmem_shared>> -> memref<128x128xf32, #tpu.memory_space<vmem_shared>>
      tpu.wait_dma2 semaphore(%run_scoped3A : memref<!tpu.dma_semaphore, #tpu.memory_space<semaphore_mem>>) src(%arg6 : memref<128x128xf32, #tpu.memory_space<vmem>>) dst(%dma_wait3A_48 : memref<128x128xf32, #tpu.memory_space<vmem_shared>>)
      tpu.yield
    }) : () -> ()
    %add3A_12 = arith.constant 384 : i32
    %add3A_13 = arith.addi %mul3A_6, %add3A_12 : i32
    "tpu.region"() ({
      %run_scoped3A = tpu.sem_alloc : memref<!tpu.dma_semaphore, #tpu.memory_space<semaphore_mem>>
      %dma_start3A = arith.constant 0 : i32
      %dma_start3A_43 = tpu.memref_slice %arg8[%add3A_13, %dma_start3A] : memref<10240x128xf32, #tpu.memory_space<vmem_shared>> -> memref<128x128xf32, #tpu.memory_space<vmem_shared>>
      %dma_start3A_44 = arith.constant 0 : i32
      %dma_start3A_45 = tpu.memref_slice %arg8[%add3A_13, %dma_start3A_44] : memref<10240x128xf32, #tpu.memory_space<vmem_shared>> -> memref<128x128xf32, #tpu.memory_space<vmem_shared>>
      tpu.enqueue_dma source(%arg6 : memref<128x128xf32, #tpu.memory_space<vmem>>) target(%dma_start3A_45 : memref<128x128xf32, #tpu.memory_space<vmem_shared>>) target_semaphore(%run_scoped3A : memref<!tpu.dma_semaphore, #tpu.memory_space<semaphore_mem>>)
      %dma_wait3A = arith.constant 0 : i32
      %dma_wait3A_46 = tpu.memref_slice %arg8[%add3A_13, %dma_wait3A] : memref<10240x128xf32, #tpu.memory_space<vmem_shared>> -> memref<128x128xf32, #tpu.memory_space<vmem_shared>>
      %dma_wait3A_47 = arith.constant 0 : i32
      %dma_wait3A_48 = tpu.memref_slice %arg8[%add3A_13, %dma_wait3A_47] : memref<10240x128xf32, #tpu.memory_space<vmem_shared>> -> memref<128x128xf32, #tpu.memory_space<vmem_shared>>
      tpu.wait_dma2 semaphore(%run_scoped3A : memref<!tpu.dma_semaphore, #tpu.memory_space<semaphore_mem>>) src(%arg6 : memref<128x128xf32, #tpu.memory_space<vmem>>) dst(%dma_wait3A_48 : memref<128x128xf32, #tpu.memory_space<vmem_shared>>)
      tpu.yield
    }) : () -> ()
    %add3A_14 = arith.constant 512 : i32
    %add3A_15 = arith.addi %mul3A_6, %add3A_14 : i32
    "tpu.region"() ({
      %run_scoped3A = tpu.sem_alloc : memref<!tpu.dma_semaphore, #tpu.memory_space<semaphore_mem>>
      %dma_start3A = arith.constant 0 : i32
      %dma_start3A_43 = tpu.memref_slice %arg8[%add3A_15, %dma_start3A] : memref<10240x128xf32, #tpu.memory_space<vmem_shared>> -> memref<128x128xf32, #tpu.memory_space<vmem_shared>>
      %dma_start3A_44 = arith.constant 0 : i32
      %dma_start3A_45 = tpu.memref_slice %arg8[%add3A_15, %dma_start3A_44] : memref<10240x128xf32, #tpu.memory_space<vmem_shared>> -> memref<128x128xf32, #tpu.memory_space<vmem_shared>>
      tpu.enqueue_dma source(%arg6 : memref<128x128xf32, #tpu.memory_space<vmem>>) target(%dma_start3A_45 : memref<128x128xf32, #tpu.memory_space<vmem_shared>>) target_semaphore(%run_scoped3A : memref<!tpu.dma_semaphore, #tpu.memory_space<semaphore_mem>>)
      %dma_wait3A = arith.constant 0 : i32
      %dma_wait3A_46 = tpu.memref_slice %arg8[%add3A_15, %dma_wait3A] : memref<10240x128xf32, #tpu.memory_space<vmem_shared>> -> memref<128x128xf32, #tpu.memory_space<vmem_shared>>
      %dma_wait3A_47 = arith.constant 0 : i32
      %dma_wait3A_48 = tpu.memref_slice %arg8[%add3A_15, %dma_wait3A_47] : memref<10240x128xf32, #tpu.memory_space<vmem_shared>> -> memref<128x128xf32, #tpu.memory_space<vmem_shared>>
      tpu.wait_dma2 semaphore(%run_scoped3A : memref<!tpu.dma_semaphore, #tpu.memory_space<semaphore_mem>>) src(%arg6 : memref<128x128xf32, #tpu.memory_space<vmem>>) dst(%dma_wait3A_48 : memref<128x128xf32, #tpu.memory_space<vmem_shared>>)
      tpu.yield
    }) : () -> ()
    %barrier3A = arith.constant 0 : index
    tpu.barrier barrier_id(%barrier3A)
    %scan3A_16 = arith.constant 0 : i32
    %scan3A_17 = arith.constant 0 : i32
    %scan3A_18 = arith.constant 10 : i32
    %scan3A_19 = arith.addi %scan3A_17, %scan3A_18 : i32
    %scan3A_20 = arith.constant 1 : i32
    scf.for %scan3A_43 = %scan3A_17 to %scan3A_19 step %scan3A_20  : i32 {
      "tpu.region"() ({
        %run_scoped3A_409 = tpu.sem_alloc : memref<!tpu.dma_semaphore, #tpu.memory_space<semaphore_mem>>
        %dma_start3A_410 = arith.constant 0 : i32
        %dma_start3A_411 = arith.constant 0 : i32
        %dma_start3A_412 = arith.constant 0 : i32
        %dma_start3A_413 = tpu.memref_slice %arg3[%arg0, %arg1, %scan3A_43, %dma_start3A_410, %dma_start3A_411, %dma_start3A_412] : memref<2x16x10x2x8x128xi32, #tpu.memory_space<hbm>> -> memref<1x1x1x2x8x128xi32, #tpu.memory_space<hbm>>
        %dma_start3A_414 = tpu.memref_squeeze %dma_start3A_413 : memref<1x1x1x2x8x128xi32, #tpu.memory_space<hbm>> -> memref<2x8x128xi32, #tpu.memory_space<hbm>>
        %dma_start3A_415 = arith.constant 0 : i32
        %dma_start3A_416 = arith.constant 0 : i32
        %dma_start3A_417 = arith.constant 0 : i32
        %dma_start3A_418 = tpu.memref_slice %arg3[%arg0, %arg1, %scan3A_43, %dma_start3A_415, %dma_start3A_416, %dma_start3A_417] : memref<2x16x10x2x8x128xi32, #tpu.memory_space<hbm>> -> memref<1x1x1x2x8x128xi32, #tpu.memory_space<hbm>>
        %dma_start3A_419 = tpu.memref_squeeze %dma_start3A_418 : memref<1x1x1x2x8x128xi32, #tpu.memory_space<hbm>> -> memref<2x8x128xi32, #tpu.memory_space<hbm>>
        tpu.enqueue_dma source(%dma_start3A_419 : memref<2x8x128xi32, #tpu.memory_space<hbm>>) target(%arg5 : memref<2x8x128xi32, #tpu.memory_space<vmem>>) target_semaphore(%run_scoped3A_409 : memref<!tpu.dma_semaphore, #tpu.memory_space<semaphore_mem>>)
        %dma_wait3A_420 = arith.constant 0 : i32
        %dma_wait3A_421 = arith.constant 0 : i32
        %dma_wait3A_422 = arith.constant 0 : i32
        %dma_wait3A_423 = tpu.memref_slice %arg3[%arg0, %arg1, %scan3A_43, %dma_wait3A_420, %dma_wait3A_421, %dma_wait3A_422] : memref<2x16x10x2x8x128xi32, #tpu.memory_space<hbm>> -> memref<1x1x1x2x8x128xi32, #tpu.memory_space<hbm>>
        %dma_wait3A_424 = tpu.memref_squeeze %dma_wait3A_423 : memref<1x1x1x2x8x128xi32, #tpu.memory_space<hbm>> -> memref<2x8x128xi32, #tpu.memory_space<hbm>>
        %dma_wait3A_425 = arith.constant 0 : i32
        %dma_wait3A_426 = arith.constant 0 : i32
        %dma_wait3A_427 = arith.constant 0 : i32
        %dma_wait3A_428 = tpu.memref_slice %arg3[%arg0, %arg1, %scan3A_43, %dma_wait3A_425, %dma_wait3A_426, %dma_wait3A_427] : memref<2x16x10x2x8x128xi32, #tpu.memory_space<hbm>> -> memref<1x1x1x2x8x128xi32, #tpu.memory_space<hbm>>
        %dma_wait3A_429 = tpu.memref_squeeze %dma_wait3A_428 : memref<1x1x1x2x8x128xi32, #tpu.memory_space<hbm>> -> memref<2x8x128xi32, #tpu.memory_space<hbm>>
        tpu.wait_dma2 semaphore(%run_scoped3A_409 : memref<!tpu.dma_semaphore, #tpu.memory_space<semaphore_mem>>) src(%dma_wait3A_429 : memref<2x8x128xi32, #tpu.memory_space<hbm>>) dst(%arg5 : memref<2x8x128xi32, #tpu.memory_space<vmem>>)
        tpu.yield
      }) : () -> ()
      %dma_start3A = arith.constant 0 : i32
      %dma_start3A_44 = arith.constant 0 : i32
      %dma_start3A_45 = arith.constant 0 : i32
      %dma_start3A_46 = arith.constant 0 : i32
      %dma_start3A_47 = tpu.memref_slice %arg6[%dma_start3A_45, %dma_start3A_46] : memref<128x128xf32, #tpu.memory_space<vmem>> -> memref<64x128xf32, #tpu.memory_space<vmem>>
      %dma_start3A_48 = arith.constant 0 : i32
      %dma_start3A_49 = tpu.memref_slice %arg5[%dma_start3A, %dma_start3A_44, %dma_start3A_48] : memref<2x8x128xi32, #tpu.memory_space<vmem>> -> memref<1x1x64xi32, #tpu.memory_space<vmem>>
      %dma_start3A_50 = tpu.memref_squeeze %dma_start3A_49 : memref<1x1x64xi32, #tpu.memory_space<vmem>> -> memref<64xi32, #tpu.memory_space<vmem>>
      %dma_start3A_51 = arith.constant 0 : i32
      %dma_start3A_52 = arith.constant 0 : i32
      %dma_start3A_53 = tpu.memref_slice %arg2[%dma_start3A_51, %dma_start3A_52] : memref<20000x128xf32, #tpu.memory_space<hbm>> -> memref<20000x128xf32, #tpu.memory_space<hbm>>
      tpu.enqueue_indirect_dma source(%dma_start3A_53 : memref<20000x128xf32, #tpu.memory_space<hbm>>) target(%dma_start3A_47 : memref<64x128xf32, #tpu.memory_space<vmem>>) offsets(%dma_start3A_50 : memref<64xi32, #tpu.memory_space<vmem>>) semaphore(%arg9 : memref<!tpu.dma_semaphore, #tpu.memory_space<semaphore_mem>>)
      %dma_start3A_54 = arith.constant 0 : i32
      %dma_start3A_55 = arith.constant 0 : i32
      %dma_start3A_56 = arith.constant 64 : i32
      %dma_start3A_57 = arith.constant 0 : i32
      %dma_start3A_58 = tpu.memref_slice %arg6[%dma_start3A_56, %dma_start3A_57] : memref<128x128xf32, #tpu.memory_space<vmem>> -> memref<64x128xf32, #tpu.memory_space<vmem>>
      %dma_start3A_59 = arith.constant 64 : i32
      %dma_start3A_60 = tpu.memref_slice %arg5[%dma_start3A_54, %dma_start3A_55, %dma_start3A_59] : memref<2x8x128xi32, #tpu.memory_space<vmem>> -> memref<1x1x64xi32, #tpu.memory_space<vmem>>
      %dma_start3A_61 = tpu.memref_squeeze %dma_start3A_60 : memref<1x1x64xi32, #tpu.memory_space<vmem>> -> memref<64xi32, #tpu.memory_space<vmem>>
      %dma_start3A_62 = arith.constant 0 : i32
      %dma_start3A_63 = arith.constant 0 : i32
      %dma_start3A_64 = tpu.memref_slice %arg2[%dma_start3A_62, %dma_start3A_63] : memref<20000x128xf32, #tpu.memory_space<hbm>> -> memref<20000x128xf32, #tpu.memory_space<hbm>>
      tpu.enqueue_indirect_dma source(%dma_start3A_64 : memref<20000x128xf32, #tpu.memory_space<hbm>>) target(%dma_start3A_58 : memref<64x128xf32, #tpu.memory_space<vmem>>) offsets(%dma_start3A_61 : memref<64xi32, #tpu.memory_space<vmem>>) semaphore(%arg11 : memref<!tpu.dma_semaphore, #tpu.memory_space<semaphore_mem>>)
      %dma_start3A_65 = arith.constant 0 : i32
      %dma_start3A_66 = arith.constant 1 : i32
      %dma_start3A_67 = arith.constant 0 : i32
      %dma_start3A_68 = arith.constant 0 : i32
      %dma_start3A_69 = tpu.memref_slice %arg7[%dma_start3A_67, %dma_start3A_68] : memref<128x128xf32, #tpu.memory_space<vmem>> -> memref<64x128xf32, #tpu.memory_space<vmem>>
      %dma_start3A_70 = arith.constant 0 : i32
      %dma_start3A_71 = tpu.memref_slice %arg5[%dma_start3A_65, %dma_start3A_66, %dma_start3A_70] : memref<2x8x128xi32, #tpu.memory_space<vmem>> -> memref<1x1x64xi32, #tpu.memory_space<vmem>>
      %dma_start3A_72 = tpu.memref_squeeze %dma_start3A_71 : memref<1x1x64xi32, #tpu.memory_space<vmem>> -> memref<64xi32, #tpu.memory_space<vmem>>
      %dma_start3A_73 = arith.constant 0 : i32
      %dma_start3A_74 = arith.constant 0 : i32
      %dma_start3A_75 = tpu.memref_slice %arg2[%dma_start3A_73, %dma_start3A_74] : memref<20000x128xf32, #tpu.memory_space<hbm>> -> memref<20000x128xf32, #tpu.memory_space<hbm>>
      tpu.enqueue_indirect_dma source(%dma_start3A_75 : memref<20000x128xf32, #tpu.memory_space<hbm>>) target(%dma_start3A_69 : memref<64x128xf32, #tpu.memory_space<vmem>>) offsets(%dma_start3A_72 : memref<64xi32, #tpu.memory_space<vmem>>) semaphore(%arg10 : memref<!tpu.dma_semaphore, #tpu.memory_space<semaphore_mem>>)
      %dma_start3A_76 = arith.constant 0 : i32
      %dma_start3A_77 = arith.constant 1 : i32
      %dma_start3A_78 = arith.constant 64 : i32
      %dma_start3A_79 = arith.constant 0 : i32
      %dma_start3A_80 = tpu.memref_slice %arg7[%dma_start3A_78, %dma_start3A_79] : memref<128x128xf32, #tpu.memory_space<vmem>> -> memref<64x128xf32, #tpu.memory_space<vmem>>
      %dma_start3A_81 = arith.constant 64 : i32
      %dma_start3A_82 = tpu.memref_slice %arg5[%dma_start3A_76, %dma_start3A_77, %dma_start3A_81] : memref<2x8x128xi32, #tpu.memory_space<vmem>> -> memref<1x1x64xi32, #tpu.memory_space<vmem>>
      %dma_start3A_83 = tpu.memref_squeeze %dma_start3A_82 : memref<1x1x64xi32, #tpu.memory_space<vmem>> -> memref<64xi32, #tpu.memory_space<vmem>>
      %dma_start3A_84 = arith.constant 0 : i32
      %dma_start3A_85 = arith.constant 0 : i32
      %dma_start3A_86 = tpu.memref_slice %arg2[%dma_start3A_84, %dma_start3A_85] : memref<20000x128xf32, #tpu.memory_space<hbm>> -> memref<20000x128xf32, #tpu.memory_space<hbm>>
      tpu.enqueue_indirect_dma source(%dma_start3A_86 : memref<20000x128xf32, #tpu.memory_space<hbm>>) target(%dma_start3A_80 : memref<64x128xf32, #tpu.memory_space<vmem>>) offsets(%dma_start3A_83 : memref<64xi32, #tpu.memory_space<vmem>>) semaphore(%arg12 : memref<!tpu.dma_semaphore, #tpu.memory_space<semaphore_mem>>)
      %dma_wait3A = arith.constant 0 : i32
      %dma_wait3A_87 = arith.constant 0 : i32
      %dma_wait3A_88 = arith.constant 0 : i32
      %dma_wait3A_89 = arith.constant 0 : i32
      %dma_wait3A_90 = tpu.memref_slice %arg6[%dma_wait3A_88, %dma_wait3A_89] : memref<128x128xf32, #tpu.memory_space<vmem>> -> memref<64x128xf32, #tpu.memory_space<vmem>>
      %dma_wait3A_91 = arith.constant 0 : i32
      %dma_wait3A_92 = tpu.memref_slice %arg5[%dma_wait3A, %dma_wait3A_87, %dma_wait3A_91] : memref<2x8x128xi32, #tpu.memory_space<vmem>> -> memref<1x1x64xi32, #tpu.memory_space<vmem>>
      %dma_wait3A_93 = tpu.memref_squeeze %dma_wait3A_92 : memref<1x1x64xi32, #tpu.memory_space<vmem>> -> memref<64xi32, #tpu.memory_space<vmem>>
      %dma_wait3A_94 = arith.constant 0 : i32
      %dma_wait3A_95 = arith.constant 0 : i32
      %dma_wait3A_96 = tpu.memref_slice %arg2[%dma_wait3A_94, %dma_wait3A_95] : memref<20000x128xf32, #tpu.memory_space<hbm>> -> memref<20000x128xf32, #tpu.memory_space<hbm>>
      tpu.wait_indirect_dma semaphore(%arg9 : memref<!tpu.dma_semaphore, #tpu.memory_space<semaphore_mem>>) src(%dma_wait3A_96 : memref<20000x128xf32, #tpu.memory_space<hbm>>) dst(%dma_wait3A_90 : memref<64x128xf32, #tpu.memory_space<vmem>>)
      %dma_wait3A_97 = arith.constant 0 : i32
      %dma_wait3A_98 = arith.constant 0 : i32
      %dma_wait3A_99 = arith.constant 64 : i32
      %dma_wait3A_100 = arith.constant 0 : i32
      %dma_wait3A_101 = tpu.memref_slice %arg6[%dma_wait3A_99, %dma_wait3A_100] : memref<128x128xf32, #tpu.memory_space<vmem>> -> memref<64x128xf32, #tpu.memory_space<vmem>>
      %dma_wait3A_102 = arith.constant 64 : i32
      %dma_wait3A_103 = tpu.memref_slice %arg5[%dma_wait3A_97, %dma_wait3A_98, %dma_wait3A_102] : memref<2x8x128xi32, #tpu.memory_space<vmem>> -> memref<1x1x64xi32, #tpu.memory_space<vmem>>
      %dma_wait3A_104 = tpu.memref_squeeze %dma_wait3A_103 : memref<1x1x64xi32, #tpu.memory_space<vmem>> -> memref<64xi32, #tpu.memory_space<vmem>>
      %dma_wait3A_105 = arith.constant 0 : i32
      %dma_wait3A_106 = arith.constant 0 : i32
      %dma_wait3A_107 = tpu.memref_slice %arg2[%dma_wait3A_105, %dma_wait3A_106] : memref<20000x128xf32, #tpu.memory_space<hbm>> -> memref<20000x128xf32, #tpu.memory_space<hbm>>
      tpu.wait_indirect_dma semaphore(%arg11 : memref<!tpu.dma_semaphore, #tpu.memory_space<semaphore_mem>>) src(%dma_wait3A_107 : memref<20000x128xf32, #tpu.memory_space<hbm>>) dst(%dma_wait3A_101 : memref<64x128xf32, #tpu.memory_space<vmem>>)
      %run_scoped3A = arith.constant 1 : i32
      %run_scoped3A_108 = arith.constant 0 : i32
      "tpu.region"() ({
        %run_scoped3A_409 = tpu.sem_alloc : memref<!tpu.dma_semaphore, #tpu.memory_space<semaphore_mem>>
        %dma_start3A_410 = arith.constant 0 : i32
        %dma_start3A_411 = tpu.memref_slice %arg5[%run_scoped3A, %run_scoped3A_108, %dma_start3A_410] : memref<2x8x128xi32, #tpu.memory_space<vmem>> -> memref<1x1x128xi32, #tpu.memory_space<vmem>>
        %dma_start3A_412 = tpu.memref_squeeze %dma_start3A_411 : memref<1x1x128xi32, #tpu.memory_space<vmem>> -> memref<128xi32, #tpu.memory_space<vmem>>
        %dma_start3A_413 = arith.constant 0 : i32
        %dma_start3A_414 = arith.constant 0 : i32
        %dma_start3A_415 = tpu.memref_slice %arg8[%dma_start3A_413, %dma_start3A_414] : memref<10240x128xf32, #tpu.memory_space<vmem_shared>> -> memref<10240x128xf32, #tpu.memory_space<vmem_shared>>
        tpu.enqueue_indirect_dma source(%arg6 : memref<128x128xf32, #tpu.memory_space<vmem>>) target(%dma_start3A_415 : memref<10240x128xf32, #tpu.memory_space<vmem_shared>>) offsets(%dma_start3A_412 : memref<128xi32, #tpu.memory_space<vmem>>) semaphore(%run_scoped3A_409 : memref<!tpu.dma_semaphore, #tpu.memory_space<semaphore_mem>>) {add = true}
        %dma_wait3A_416 = arith.constant 0 : i32
        %dma_wait3A_417 = tpu.memref_slice %arg5[%run_scoped3A, %run_scoped3A_108, %dma_wait3A_416] : memref<2x8x128xi32, #tpu.memory_space<vmem>> -> memref<1x1x128xi32, #tpu.memory_space<vmem>>
        %dma_wait3A_418 = tpu.memref_squeeze %dma_wait3A_417 : memref<1x1x128xi32, #tpu.memory_space<vmem>> -> memref<128xi32, #tpu.memory_space<vmem>>
        %dma_wait3A_419 = arith.constant 0 : i32
        %dma_wait3A_420 = arith.constant 0 : i32
        %dma_wait3A_421 = tpu.memref_slice %arg8[%dma_wait3A_419, %dma_wait3A_420] : memref<10240x128xf32, #tpu.memory_space<vmem_shared>> -> memref<10240x128xf32, #tpu.memory_space<vmem_shared>>
        tpu.wait_indirect_dma semaphore(%run_scoped3A_409 : memref<!tpu.dma_semaphore, #tpu.memory_space<semaphore_mem>>) src(%arg6 : memref<128x128xf32, #tpu.memory_space<vmem>>) dst(%dma_wait3A_421 : memref<10240x128xf32, #tpu.memory_space<vmem_shared>>)
        tpu.yield
      }) : () -> ()
      %dma_start3A_109 = arith.constant 0 : i32
      %dma_start3A_110 = arith.constant 2 : i32
      %dma_start3A_111 = arith.constant 0 : i32
      %dma_start3A_112 = arith.constant 0 : i32
      %dma_start3A_113 = tpu.memref_slice %arg6[%dma_start3A_111, %dma_start3A_112] : memref<128x128xf32, #tpu.memory_space<vmem>> -> memref<64x128xf32, #tpu.memory_space<vmem>>
      %dma_start3A_114 = arith.constant 0 : i32
      %dma_start3A_115 = tpu.memref_slice %arg5[%dma_start3A_109, %dma_start3A_110, %dma_start3A_114] : memref<2x8x128xi32, #tpu.memory_space<vmem>> -> memref<1x1x64xi32, #tpu.memory_space<vmem>>
      %dma_start3A_116 = tpu.memref_squeeze %dma_start3A_115 : memref<1x1x64xi32, #tpu.memory_space<vmem>> -> memref<64xi32, #tpu.memory_space<vmem>>
      %dma_start3A_117 = arith.constant 0 : i32
      %dma_start3A_118 = arith.constant 0 : i32
      %dma_start3A_119 = tpu.memref_slice %arg2[%dma_start3A_117, %dma_start3A_118] : memref<20000x128xf32, #tpu.memory_space<hbm>> -> memref<20000x128xf32, #tpu.memory_space<hbm>>
      tpu.enqueue_indirect_dma source(%dma_start3A_119 : memref<20000x128xf32, #tpu.memory_space<hbm>>) target(%dma_start3A_113 : memref<64x128xf32, #tpu.memory_space<vmem>>) offsets(%dma_start3A_116 : memref<64xi32, #tpu.memory_space<vmem>>) semaphore(%arg9 : memref<!tpu.dma_semaphore, #tpu.memory_space<semaphore_mem>>)
      %dma_start3A_120 = arith.constant 0 : i32
      %dma_start3A_121 = arith.constant 2 : i32
      %dma_start3A_122 = arith.constant 64 : i32
      %dma_start3A_123 = arith.constant 0 : i32
      %dma_start3A_124 = tpu.memref_slice %arg6[%dma_start3A_122, %dma_start3A_123] : memref<128x128xf32, #tpu.memory_space<vmem>> -> memref<64x128xf32, #tpu.memory_space<vmem>>
      %dma_start3A_125 = arith.constant 64 : i32
      %dma_start3A_126 = tpu.memref_slice %arg5[%dma_start3A_120, %dma_start3A_121, %dma_start3A_125] : memref<2x8x128xi32, #tpu.memory_space<vmem>> -> memref<1x1x64xi32, #tpu.memory_space<vmem>>
      %dma_start3A_127 = tpu.memref_squeeze %dma_start3A_126 : memref<1x1x64xi32, #tpu.memory_space<vmem>> -> memref<64xi32, #tpu.memory_space<vmem>>
      %dma_start3A_128 = arith.constant 0 : i32
      %dma_start3A_129 = arith.constant 0 : i32
      %dma_start3A_130 = tpu.memref_slice %arg2[%dma_start3A_128, %dma_start3A_129] : memref<20000x128xf32, #tpu.memory_space<hbm>> -> memref<20000x128xf32, #tpu.memory_space<hbm>>
      tpu.enqueue_indirect_dma source(%dma_start3A_130 : memref<20000x128xf32, #tpu.memory_space<hbm>>) target(%dma_start3A_124 : memref<64x128xf32, #tpu.memory_space<vmem>>) offsets(%dma_start3A_127 : memref<64xi32, #tpu.memory_space<vmem>>) semaphore(%arg11 : memref<!tpu.dma_semaphore, #tpu.memory_space<semaphore_mem>>)
      %dma_wait3A_131 = arith.constant 0 : i32
      %dma_wait3A_132 = arith.constant 1 : i32
      %dma_wait3A_133 = arith.constant 0 : i32
      %dma_wait3A_134 = arith.constant 0 : i32
      %dma_wait3A_135 = tpu.memref_slice %arg7[%dma_wait3A_133, %dma_wait3A_134] : memref<128x128xf32, #tpu.memory_space<vmem>> -> memref<64x128xf32, #tpu.memory_space<vmem>>
      %dma_wait3A_136 = arith.constant 0 : i32
      %dma_wait3A_137 = tpu.memref_slice %arg5[%dma_wait3A_131, %dma_wait3A_132, %dma_wait3A_136] : memref<2x8x128xi32, #tpu.memory_space<vmem>> -> memref<1x1x64xi32, #tpu.memory_space<vmem>>
      %dma_wait3A_138 = tpu.memref_squeeze %dma_wait3A_137 : memref<1x1x64xi32, #tpu.memory_space<vmem>> -> memref<64xi32, #tpu.memory_space<vmem>>
      %dma_wait3A_139 = arith.constant 0 : i32
      %dma_wait3A_140 = arith.constant 0 : i32
      %dma_wait3A_141 = tpu.memref_slice %arg2[%dma_wait3A_139, %dma_wait3A_140] : memref<20000x128xf32, #tpu.memory_space<hbm>> -> memref<20000x128xf32, #tpu.memory_space<hbm>>
      tpu.wait_indirect_dma semaphore(%arg10 : memref<!tpu.dma_semaphore, #tpu.memory_space<semaphore_mem>>) src(%dma_wait3A_141 : memref<20000x128xf32, #tpu.memory_space<hbm>>) dst(%dma_wait3A_135 : memref<64x128xf32, #tpu.memory_space<vmem>>)
      %dma_wait3A_142 = arith.constant 0 : i32
      %dma_wait3A_143 = arith.constant 1 : i32
      %dma_wait3A_144 = arith.constant 64 : i32
      %dma_wait3A_145 = arith.constant 0 : i32
      %dma_wait3A_146 = tpu.memref_slice %arg7[%dma_wait3A_144, %dma_wait3A_145] : memref<128x128xf32, #tpu.memory_space<vmem>> -> memref<64x128xf32, #tpu.memory_space<vmem>>
      %dma_wait3A_147 = arith.constant 64 : i32
      %dma_wait3A_148 = tpu.memref_slice %arg5[%dma_wait3A_142, %dma_wait3A_143, %dma_wait3A_147] : memref<2x8x128xi32, #tpu.memory_space<vmem>> -> memref<1x1x64xi32, #tpu.memory_space<vmem>>
      %dma_wait3A_149 = tpu.memref_squeeze %dma_wait3A_148 : memref<1x1x64xi32, #tpu.memory_space<vmem>> -> memref<64xi32, #tpu.memory_space<vmem>>
      %dma_wait3A_150 = arith.constant 0 : i32
      %dma_wait3A_151 = arith.constant 0 : i32
      %dma_wait3A_152 = tpu.memref_slice %arg2[%dma_wait3A_150, %dma_wait3A_151] : memref<20000x128xf32, #tpu.memory_space<hbm>> -> memref<20000x128xf32, #tpu.memory_space<hbm>>
      tpu.wait_indirect_dma semaphore(%arg12 : memref<!tpu.dma_semaphore, #tpu.memory_space<semaphore_mem>>) src(%dma_wait3A_152 : memref<20000x128xf32, #tpu.memory_space<hbm>>) dst(%dma_wait3A_146 : memref<64x128xf32, #tpu.memory_space<vmem>>)
      %run_scoped3A_153 = arith.constant 1 : i32
      %run_scoped3A_154 = arith.constant 1 : i32
      "tpu.region"() ({
        %run_scoped3A_409 = tpu.sem_alloc : memref<!tpu.dma_semaphore, #tpu.memory_space<semaphore_mem>>
        %dma_start3A_410 = arith.constant 0 : i32
        %dma_start3A_411 = tpu.memref_slice %arg5[%run_scoped3A_153, %run_scoped3A_154, %dma_start3A_410] : memref<2x8x128xi32, #tpu.memory_space<vmem>> -> memref<1x1x128xi32, #tpu.memory_space<vmem>>
        %dma_start3A_412 = tpu.memref_squeeze %dma_start3A_411 : memref<1x1x128xi32, #tpu.memory_space<vmem>> -> memref<128xi32, #tpu.memory_space<vmem>>
        %dma_start3A_413 = arith.constant 0 : i32
        %dma_start3A_414 = arith.constant 0 : i32
        %dma_start3A_415 = tpu.memref_slice %arg8[%dma_start3A_413, %dma_start3A_414] : memref<10240x128xf32, #tpu.memory_space<vmem_shared>> -> memref<10240x128xf32, #tpu.memory_space<vmem_shared>>
        tpu.enqueue_indirect_dma source(%arg7 : memref<128x128xf32, #tpu.memory_space<vmem>>) target(%dma_start3A_415 : memref<10240x128xf32, #tpu.memory_space<vmem_shared>>) offsets(%dma_start3A_412 : memref<128xi32, #tpu.memory_space<vmem>>) semaphore(%run_scoped3A_409 : memref<!tpu.dma_semaphore, #tpu.memory_space<semaphore_mem>>) {add = true}
        %dma_wait3A_416 = arith.constant 0 : i32
        %dma_wait3A_417 = tpu.memref_slice %arg5[%run_scoped3A_153, %run_scoped3A_154, %dma_wait3A_416] : memref<2x8x128xi32, #tpu.memory_space<vmem>> -> memref<1x1x128xi32, #tpu.memory_space<vmem>>
        %dma_wait3A_418 = tpu.memref_squeeze %dma_wait3A_417 : memref<1x1x128xi32, #tpu.memory_space<vmem>> -> memref<128xi32, #tpu.memory_space<vmem>>
        %dma_wait3A_419 = arith.constant 0 : i32
        %dma_wait3A_420 = arith.constant 0 : i32
        %dma_wait3A_421 = tpu.memref_slice %arg8[%dma_wait3A_419, %dma_wait3A_420] : memref<10240x128xf32, #tpu.memory_space<vmem_shared>> -> memref<10240x128xf32, #tpu.memory_space<vmem_shared>>
        tpu.wait_indirect_dma semaphore(%run_scoped3A_409 : memref<!tpu.dma_semaphore, #tpu.memory_space<semaphore_mem>>) src(%arg7 : memref<128x128xf32, #tpu.memory_space<vmem>>) dst(%dma_wait3A_421 : memref<10240x128xf32, #tpu.memory_space<vmem_shared>>)
        tpu.yield
      }) : () -> ()
      %dma_start3A_155 = arith.constant 0 : i32
      %dma_start3A_156 = arith.constant 3 : i32
      %dma_start3A_157 = arith.constant 0 : i32
      %dma_start3A_158 = arith.constant 0 : i32
      %dma_start3A_159 = tpu.memref_slice %arg7[%dma_start3A_157, %dma_start3A_158] : memref<128x128xf32, #tpu.memory_space<vmem>> -> memref<64x128xf32, #tpu.memory_space<vmem>>
      %dma_start3A_160 = arith.constant 0 : i32
      %dma_start3A_161 = tpu.memref_slice %arg5[%dma_start3A_155, %dma_start3A_156, %dma_start3A_160] : memref<2x8x128xi32, #tpu.memory_space<vmem>> -> memref<1x1x64xi32, #tpu.memory_space<vmem>>
      %dma_start3A_162 = tpu.memref_squeeze %dma_start3A_161 : memref<1x1x64xi32, #tpu.memory_space<vmem>> -> memref<64xi32, #tpu.memory_space<vmem>>
      %dma_start3A_163 = arith.constant 0 : i32
      %dma_start3A_164 = arith.constant 0 : i32
      %dma_start3A_165 = tpu.memref_slice %arg2[%dma_start3A_163, %dma_start3A_164] : memref<20000x128xf32, #tpu.memory_space<hbm>> -> memref<20000x128xf32, #tpu.memory_space<hbm>>
      tpu.enqueue_indirect_dma source(%dma_start3A_165 : memref<20000x128xf32, #tpu.memory_space<hbm>>) target(%dma_start3A_159 : memref<64x128xf32, #tpu.memory_space<vmem>>) offsets(%dma_start3A_162 : memref<64xi32, #tpu.memory_space<vmem>>) semaphore(%arg10 : memref<!tpu.dma_semaphore, #tpu.memory_space<semaphore_mem>>)
      %dma_start3A_166 = arith.constant 0 : i32
      %dma_start3A_167 = arith.constant 3 : i32
      %dma_start3A_168 = arith.constant 64 : i32
      %dma_start3A_169 = arith.constant 0 : i32
      %dma_start3A_170 = tpu.memref_slice %arg7[%dma_start3A_168, %dma_start3A_169] : memref<128x128xf32, #tpu.memory_space<vmem>> -> memref<64x128xf32, #tpu.memory_space<vmem>>
      %dma_start3A_171 = arith.constant 64 : i32
      %dma_start3A_172 = tpu.memref_slice %arg5[%dma_start3A_166, %dma_start3A_167, %dma_start3A_171] : memref<2x8x128xi32, #tpu.memory_space<vmem>> -> memref<1x1x64xi32, #tpu.memory_space<vmem>>
      %dma_start3A_173 = tpu.memref_squeeze %dma_start3A_172 : memref<1x1x64xi32, #tpu.memory_space<vmem>> -> memref<64xi32, #tpu.memory_space<vmem>>
      %dma_start3A_174 = arith.constant 0 : i32
      %dma_start3A_175 = arith.constant 0 : i32
      %dma_start3A_176 = tpu.memref_slice %arg2[%dma_start3A_174, %dma_start3A_175] : memref<20000x128xf32, #tpu.memory_space<hbm>> -> memref<20000x128xf32, #tpu.memory_space<hbm>>
      tpu.enqueue_indirect_dma source(%dma_start3A_176 : memref<20000x128xf32, #tpu.memory_space<hbm>>) target(%dma_start3A_170 : memref<64x128xf32, #tpu.memory_space<vmem>>) offsets(%dma_start3A_173 : memref<64xi32, #tpu.memory_space<vmem>>) semaphore(%arg12 : memref<!tpu.dma_semaphore, #tpu.memory_space<semaphore_mem>>)
      %dma_wait3A_177 = arith.constant 0 : i32
      %dma_wait3A_178 = arith.constant 2 : i32
      %dma_wait3A_179 = arith.constant 0 : i32
      %dma_wait3A_180 = arith.constant 0 : i32
      %dma_wait3A_181 = tpu.memref_slice %arg6[%dma_wait3A_179, %dma_wait3A_180] : memref<128x128xf32, #tpu.memory_space<vmem>> -> memref<64x128xf32, #tpu.memory_space<vmem>>
      %dma_wait3A_182 = arith.constant 0 : i32
      %dma_wait3A_183 = tpu.memref_slice %arg5[%dma_wait3A_177, %dma_wait3A_178, %dma_wait3A_182] : memref<2x8x128xi32, #tpu.memory_space<vmem>> -> memref<1x1x64xi32, #tpu.memory_space<vmem>>
      %dma_wait3A_184 = tpu.memref_squeeze %dma_wait3A_183 : memref<1x1x64xi32, #tpu.memory_space<vmem>> -> memref<64xi32, #tpu.memory_space<vmem>>
      %dma_wait3A_185 = arith.constant 0 : i32
      %dma_wait3A_186 = arith.constant 0 : i32
      %dma_wait3A_187 = tpu.memref_slice %arg2[%dma_wait3A_185, %dma_wait3A_186] : memref<20000x128xf32, #tpu.memory_space<hbm>> -> memref<20000x128xf32, #tpu.memory_space<hbm>>
      tpu.wait_indirect_dma semaphore(%arg9 : memref<!tpu.dma_semaphore, #tpu.memory_space<semaphore_mem>>) src(%dma_wait3A_187 : memref<20000x128xf32, #tpu.memory_space<hbm>>) dst(%dma_wait3A_181 : memref<64x128xf32, #tpu.memory_space<vmem>>)
      %dma_wait3A_188 = arith.constant 0 : i32
      %dma_wait3A_189 = arith.constant 2 : i32
      %dma_wait3A_190 = arith.constant 64 : i32
      %dma_wait3A_191 = arith.constant 0 : i32
      %dma_wait3A_192 = tpu.memref_slice %arg6[%dma_wait3A_190, %dma_wait3A_191] : memref<128x128xf32, #tpu.memory_space<vmem>> -> memref<64x128xf32, #tpu.memory_space<vmem>>
      %dma_wait3A_193 = arith.constant 64 : i32
      %dma_wait3A_194 = tpu.memref_slice %arg5[%dma_wait3A_188, %dma_wait3A_189, %dma_wait3A_193] : memref<2x8x128xi32, #tpu.memory_space<vmem>> -> memref<1x1x64xi32, #tpu.memory_space<vmem>>
      %dma_wait3A_195 = tpu.memref_squeeze %dma_wait3A_194 : memref<1x1x64xi32, #tpu.memory_space<vmem>> -> memref<64xi32, #tpu.memory_space<vmem>>
      %dma_wait3A_196 = arith.constant 0 : i32
      %dma_wait3A_197 = arith.constant 0 : i32
      %dma_wait3A_198 = tpu.memref_slice %arg2[%dma_wait3A_196, %dma_wait3A_197] : memref<20000x128xf32, #tpu.memory_space<hbm>> -> memref<20000x128xf32, #tpu.memory_space<hbm>>
      tpu.wait_indirect_dma semaphore(%arg11 : memref<!tpu.dma_semaphore, #tpu.memory_space<semaphore_mem>>) src(%dma_wait3A_198 : memref<20000x128xf32, #tpu.memory_space<hbm>>) dst(%dma_wait3A_192 : memref<64x128xf32, #tpu.memory_space<vmem>>)
      %run_scoped3A_199 = arith.constant 1 : i32
      %run_scoped3A_200 = arith.constant 2 : i32
      "tpu.region"() ({
        %run_scoped3A_409 = tpu.sem_alloc : memref<!tpu.dma_semaphore, #tpu.memory_space<semaphore_mem>>
        %dma_start3A_410 = arith.constant 0 : i32
        %dma_start3A_411 = tpu.memref_slice %arg5[%run_scoped3A_199, %run_scoped3A_200, %dma_start3A_410] : memref<2x8x128xi32, #tpu.memory_space<vmem>> -> memref<1x1x128xi32, #tpu.memory_space<vmem>>
        %dma_start3A_412 = tpu.memref_squeeze %dma_start3A_411 : memref<1x1x128xi32, #tpu.memory_space<vmem>> -> memref<128xi32, #tpu.memory_space<vmem>>
        %dma_start3A_413 = arith.constant 0 : i32
        %dma_start3A_414 = arith.constant 0 : i32
        %dma_start3A_415 = tpu.memref_slice %arg8[%dma_start3A_413, %dma_start3A_414] : memref<10240x128xf32, #tpu.memory_space<vmem_shared>> -> memref<10240x128xf32, #tpu.memory_space<vmem_shared>>
        tpu.enqueue_indirect_dma source(%arg6 : memref<128x128xf32, #tpu.memory_space<vmem>>) target(%dma_start3A_415 : memref<10240x128xf32, #tpu.memory_space<vmem_shared>>) offsets(%dma_start3A_412 : memref<128xi32, #tpu.memory_space<vmem>>) semaphore(%run_scoped3A_409 : memref<!tpu.dma_semaphore, #tpu.memory_space<semaphore_mem>>) {add = true}
        %dma_wait3A_416 = arith.constant 0 : i32
        %dma_wait3A_417 = tpu.memref_slice %arg5[%run_scoped3A_199, %run_scoped3A_200, %dma_wait3A_416] : memref<2x8x128xi32, #tpu.memory_space<vmem>> -> memref<1x1x128xi32, #tpu.memory_space<vmem>>
        %dma_wait3A_418 = tpu.memref_squeeze %dma_wait3A_417 : memref<1x1x128xi32, #tpu.memory_space<vmem>> -> memref<128xi32, #tpu.memory_space<vmem>>
        %dma_wait3A_419 = arith.constant 0 : i32
        %dma_wait3A_420 = arith.constant 0 : i32
        %dma_wait3A_421 = tpu.memref_slice %arg8[%dma_wait3A_419, %dma_wait3A_420] : memref<10240x128xf32, #tpu.memory_space<vmem_shared>> -> memref<10240x128xf32, #tpu.memory_space<vmem_shared>>
        tpu.wait_indirect_dma semaphore(%run_scoped3A_409 : memref<!tpu.dma_semaphore, #tpu.memory_space<semaphore_mem>>) src(%arg6 : memref<128x128xf32, #tpu.memory_space<vmem>>) dst(%dma_wait3A_421 : memref<10240x128xf32, #tpu.memory_space<vmem_shared>>)
        tpu.yield
      }) : () -> ()
      %dma_start3A_201 = arith.constant 0 : i32
      %dma_start3A_202 = arith.constant 4 : i32
      %dma_start3A_203 = arith.constant 0 : i32
      %dma_start3A_204 = arith.constant 0 : i32
      %dma_start3A_205 = tpu.memref_slice %arg6[%dma_start3A_203, %dma_start3A_204] : memref<128x128xf32, #tpu.memory_space<vmem>> -> memref<64x128xf32, #tpu.memory_space<vmem>>
      %dma_start3A_206 = arith.constant 0 : i32
      %dma_start3A_207 = tpu.memref_slice %arg5[%dma_start3A_201, %dma_start3A_202, %dma_start3A_206] : memref<2x8x128xi32, #tpu.memory_space<vmem>> -> memref<1x1x64xi32, #tpu.memory_space<vmem>>
      %dma_start3A_208 = tpu.memref_squeeze %dma_start3A_207 : memref<1x1x64xi32, #tpu.memory_space<vmem>> -> memref<64xi32, #tpu.memory_space<vmem>>
      %dma_start3A_209 = arith.constant 0 : i32
      %dma_start3A_210 = arith.constant 0 : i32
      %dma_start3A_211 = tpu.memref_slice %arg2[%dma_start3A_209, %dma_start3A_210] : memref<20000x128xf32, #tpu.memory_space<hbm>> -> memref<20000x128xf32, #tpu.memory_space<hbm>>
      tpu.enqueue_indirect_dma source(%dma_start3A_211 : memref<20000x128xf32, #tpu.memory_space<hbm>>) target(%dma_start3A_205 : memref<64x128xf32, #tpu.memory_space<vmem>>) offsets(%dma_start3A_208 : memref<64xi32, #tpu.memory_space<vmem>>) semaphore(%arg9 : memref<!tpu.dma_semaphore, #tpu.memory_space<semaphore_mem>>)
      %dma_start3A_212 = arith.constant 0 : i32
      %dma_start3A_213 = arith.constant 4 : i32
      %dma_start3A_214 = arith.constant 64 : i32
      %dma_start3A_215 = arith.constant 0 : i32
      %dma_start3A_216 = tpu.memref_slice %arg6[%dma_start3A_214, %dma_start3A_215] : memref<128x128xf32, #tpu.memory_space<vmem>> -> memref<64x128xf32, #tpu.memory_space<vmem>>
      %dma_start3A_217 = arith.constant 64 : i32
      %dma_start3A_218 = tpu.memref_slice %arg5[%dma_start3A_212, %dma_start3A_213, %dma_start3A_217] : memref<2x8x128xi32, #tpu.memory_space<vmem>> -> memref<1x1x64xi32, #tpu.memory_space<vmem>>
      %dma_start3A_219 = tpu.memref_squeeze %dma_start3A_218 : memref<1x1x64xi32, #tpu.memory_space<vmem>> -> memref<64xi32, #tpu.memory_space<vmem>>
      %dma_start3A_220 = arith.constant 0 : i32
      %dma_start3A_221 = arith.constant 0 : i32
      %dma_start3A_222 = tpu.memref_slice %arg2[%dma_start3A_220, %dma_start3A_221] : memref<20000x128xf32, #tpu.memory_space<hbm>> -> memref<20000x128xf32, #tpu.memory_space<hbm>>
      tpu.enqueue_indirect_dma source(%dma_start3A_222 : memref<20000x128xf32, #tpu.memory_space<hbm>>) target(%dma_start3A_216 : memref<64x128xf32, #tpu.memory_space<vmem>>) offsets(%dma_start3A_219 : memref<64xi32, #tpu.memory_space<vmem>>) semaphore(%arg11 : memref<!tpu.dma_semaphore, #tpu.memory_space<semaphore_mem>>)
      %dma_wait3A_223 = arith.constant 0 : i32
      %dma_wait3A_224 = arith.constant 3 : i32
      %dma_wait3A_225 = arith.constant 0 : i32
      %dma_wait3A_226 = arith.constant 0 : i32
      %dma_wait3A_227 = tpu.memref_slice %arg7[%dma_wait3A_225, %dma_wait3A_226] : memref<128x128xf32, #tpu.memory_space<vmem>> -> memref<64x128xf32, #tpu.memory_space<vmem>>
      %dma_wait3A_228 = arith.constant 0 : i32
      %dma_wait3A_229 = tpu.memref_slice %arg5[%dma_wait3A_223, %dma_wait3A_224, %dma_wait3A_228] : memref<2x8x128xi32, #tpu.memory_space<vmem>> -> memref<1x1x64xi32, #tpu.memory_space<vmem>>
      %dma_wait3A_230 = tpu.memref_squeeze %dma_wait3A_229 : memref<1x1x64xi32, #tpu.memory_space<vmem>> -> memref<64xi32, #tpu.memory_space<vmem>>
      %dma_wait3A_231 = arith.constant 0 : i32
      %dma_wait3A_232 = arith.constant 0 : i32
      %dma_wait3A_233 = tpu.memref_slice %arg2[%dma_wait3A_231, %dma_wait3A_232] : memref<20000x128xf32, #tpu.memory_space<hbm>> -> memref<20000x128xf32, #tpu.memory_space<hbm>>
      tpu.wait_indirect_dma semaphore(%arg10 : memref<!tpu.dma_semaphore, #tpu.memory_space<semaphore_mem>>) src(%dma_wait3A_233 : memref<20000x128xf32, #tpu.memory_space<hbm>>) dst(%dma_wait3A_227 : memref<64x128xf32, #tpu.memory_space<vmem>>)
      %dma_wait3A_234 = arith.constant 0 : i32
      %dma_wait3A_235 = arith.constant 3 : i32
      %dma_wait3A_236 = arith.constant 64 : i32
      %dma_wait3A_237 = arith.constant 0 : i32
      %dma_wait3A_238 = tpu.memref_slice %arg7[%dma_wait3A_236, %dma_wait3A_237] : memref<128x128xf32, #tpu.memory_space<vmem>> -> memref<64x128xf32, #tpu.memory_space<vmem>>
      %dma_wait3A_239 = arith.constant 64 : i32
      %dma_wait3A_240 = tpu.memref_slice %arg5[%dma_wait3A_234, %dma_wait3A_235, %dma_wait3A_239] : memref<2x8x128xi32, #tpu.memory_space<vmem>> -> memref<1x1x64xi32, #tpu.memory_space<vmem>>
      %dma_wait3A_241 = tpu.memref_squeeze %dma_wait3A_240 : memref<1x1x64xi32, #tpu.memory_space<vmem>> -> memref<64xi32, #tpu.memory_space<vmem>>
      %dma_wait3A_242 = arith.constant 0 : i32
      %dma_wait3A_243 = arith.constant 0 : i32
      %dma_wait3A_244 = tpu.memref_slice %arg2[%dma_wait3A_242, %dma_wait3A_243] : memref<20000x128xf32, #tpu.memory_space<hbm>> -> memref<20000x128xf32, #tpu.memory_space<hbm>>
      tpu.wait_indirect_dma semaphore(%arg12 : memref<!tpu.dma_semaphore, #tpu.memory_space<semaphore_mem>>) src(%dma_wait3A_244 : memref<20000x128xf32, #tpu.memory_space<hbm>>) dst(%dma_wait3A_238 : memref<64x128xf32, #tpu.memory_space<vmem>>)
      %run_scoped3A_245 = arith.constant 1 : i32
      %run_scoped3A_246 = arith.constant 3 : i32
      "tpu.region"() ({
        %run_scoped3A_409 = tpu.sem_alloc : memref<!tpu.dma_semaphore, #tpu.memory_space<semaphore_mem>>
        %dma_start3A_410 = arith.constant 0 : i32
        %dma_start3A_411 = tpu.memref_slice %arg5[%run_scoped3A_245, %run_scoped3A_246, %dma_start3A_410] : memref<2x8x128xi32, #tpu.memory_space<vmem>> -> memref<1x1x128xi32, #tpu.memory_space<vmem>>
        %dma_start3A_412 = tpu.memref_squeeze %dma_start3A_411 : memref<1x1x128xi32, #tpu.memory_space<vmem>> -> memref<128xi32, #tpu.memory_space<vmem>>
        %dma_start3A_413 = arith.constant 0 : i32
        %dma_start3A_414 = arith.constant 0 : i32
        %dma_start3A_415 = tpu.memref_slice %arg8[%dma_start3A_413, %dma_start3A_414] : memref<10240x128xf32, #tpu.memory_space<vmem_shared>> -> memref<10240x128xf32, #tpu.memory_space<vmem_shared>>
        tpu.enqueue_indirect_dma source(%arg7 : memref<128x128xf32, #tpu.memory_space<vmem>>) target(%dma_start3A_415 : memref<10240x128xf32, #tpu.memory_space<vmem_shared>>) offsets(%dma_start3A_412 : memref<128xi32, #tpu.memory_space<vmem>>) semaphore(%run_scoped3A_409 : memref<!tpu.dma_semaphore, #tpu.memory_space<semaphore_mem>>) {add = true}
        %dma_wait3A_416 = arith.constant 0 : i32
        %dma_wait3A_417 = tpu.memref_slice %arg5[%run_scoped3A_245, %run_scoped3A_246, %dma_wait3A_416] : memref<2x8x128xi32, #tpu.memory_space<vmem>> -> memref<1x1x128xi32, #tpu.memory_space<vmem>>
        %dma_wait3A_418 = tpu.memref_squeeze %dma_wait3A_417 : memref<1x1x128xi32, #tpu.memory_space<vmem>> -> memref<128xi32, #tpu.memory_space<vmem>>
        %dma_wait3A_419 = arith.constant 0 : i32
        %dma_wait3A_420 = arith.constant 0 : i32
        %dma_wait3A_421 = tpu.memref_slice %arg8[%dma_wait3A_419, %dma_wait3A_420] : memref<10240x128xf32, #tpu.memory_space<vmem_shared>> -> memref<10240x128xf32, #tpu.memory_space<vmem_shared>>
        tpu.wait_indirect_dma semaphore(%run_scoped3A_409 : memref<!tpu.dma_semaphore, #tpu.memory_space<semaphore_mem>>) src(%arg7 : memref<128x128xf32, #tpu.memory_space<vmem>>) dst(%dma_wait3A_421 : memref<10240x128xf32, #tpu.memory_space<vmem_shared>>)
        tpu.yield
      }) : () -> ()
      %dma_start3A_247 = arith.constant 0 : i32
      %dma_start3A_248 = arith.constant 5 : i32
      %dma_start3A_249 = arith.constant 0 : i32
      %dma_start3A_250 = arith.constant 0 : i32
      %dma_start3A_251 = tpu.memref_slice %arg7[%dma_start3A_249, %dma_start3A_250] : memref<128x128xf32, #tpu.memory_space<vmem>> -> memref<64x128xf32, #tpu.memory_space<vmem>>
      %dma_start3A_252 = arith.constant 0 : i32
      %dma_start3A_253 = tpu.memref_slice %arg5[%dma_start3A_247, %dma_start3A_248, %dma_start3A_252] : memref<2x8x128xi32, #tpu.memory_space<vmem>> -> memref<1x1x64xi32, #tpu.memory_space<vmem>>
      %dma_start3A_254 = tpu.memref_squeeze %dma_start3A_253 : memref<1x1x64xi32, #tpu.memory_space<vmem>> -> memref<64xi32, #tpu.memory_space<vmem>>
      %dma_start3A_255 = arith.constant 0 : i32
      %dma_start3A_256 = arith.constant 0 : i32
      %dma_start3A_257 = tpu.memref_slice %arg2[%dma_start3A_255, %dma_start3A_256] : memref<20000x128xf32, #tpu.memory_space<hbm>> -> memref<20000x128xf32, #tpu.memory_space<hbm>>
      tpu.enqueue_indirect_dma source(%dma_start3A_257 : memref<20000x128xf32, #tpu.memory_space<hbm>>) target(%dma_start3A_251 : memref<64x128xf32, #tpu.memory_space<vmem>>) offsets(%dma_start3A_254 : memref<64xi32, #tpu.memory_space<vmem>>) semaphore(%arg10 : memref<!tpu.dma_semaphore, #tpu.memory_space<semaphore_mem>>)
      %dma_start3A_258 = arith.constant 0 : i32
      %dma_start3A_259 = arith.constant 5 : i32
      %dma_start3A_260 = arith.constant 64 : i32
      %dma_start3A_261 = arith.constant 0 : i32
      %dma_start3A_262 = tpu.memref_slice %arg7[%dma_start3A_260, %dma_start3A_261] : memref<128x128xf32, #tpu.memory_space<vmem>> -> memref<64x128xf32, #tpu.memory_space<vmem>>
      %dma_start3A_263 = arith.constant 64 : i32
      %dma_start3A_264 = tpu.memref_slice %arg5[%dma_start3A_258, %dma_start3A_259, %dma_start3A_263] : memref<2x8x128xi32, #tpu.memory_space<vmem>> -> memref<1x1x64xi32, #tpu.memory_space<vmem>>
      %dma_start3A_265 = tpu.memref_squeeze %dma_start3A_264 : memref<1x1x64xi32, #tpu.memory_space<vmem>> -> memref<64xi32, #tpu.memory_space<vmem>>
      %dma_start3A_266 = arith.constant 0 : i32
      %dma_start3A_267 = arith.constant 0 : i32
      %dma_start3A_268 = tpu.memref_slice %arg2[%dma_start3A_266, %dma_start3A_267] : memref<20000x128xf32, #tpu.memory_space<hbm>> -> memref<20000x128xf32, #tpu.memory_space<hbm>>
      tpu.enqueue_indirect_dma source(%dma_start3A_268 : memref<20000x128xf32, #tpu.memory_space<hbm>>) target(%dma_start3A_262 : memref<64x128xf32, #tpu.memory_space<vmem>>) offsets(%dma_start3A_265 : memref<64xi32, #tpu.memory_space<vmem>>) semaphore(%arg12 : memref<!tpu.dma_semaphore, #tpu.memory_space<semaphore_mem>>)
      %dma_wait3A_269 = arith.constant 0 : i32
      %dma_wait3A_270 = arith.constant 4 : i32
      %dma_wait3A_271 = arith.constant 0 : i32
      %dma_wait3A_272 = arith.constant 0 : i32
      %dma_wait3A_273 = tpu.memref_slice %arg6[%dma_wait3A_271, %dma_wait3A_272] : memref<128x128xf32, #tpu.memory_space<vmem>> -> memref<64x128xf32, #tpu.memory_space<vmem>>
      %dma_wait3A_274 = arith.constant 0 : i32
      %dma_wait3A_275 = tpu.memref_slice %arg5[%dma_wait3A_269, %dma_wait3A_270, %dma_wait3A_274] : memref<2x8x128xi32, #tpu.memory_space<vmem>> -> memref<1x1x64xi32, #tpu.memory_space<vmem>>
      %dma_wait3A_276 = tpu.memref_squeeze %dma_wait3A_275 : memref<1x1x64xi32, #tpu.memory_space<vmem>> -> memref<64xi32, #tpu.memory_space<vmem>>
      %dma_wait3A_277 = arith.constant 0 : i32
      %dma_wait3A_278 = arith.constant 0 : i32
      %dma_wait3A_279 = tpu.memref_slice %arg2[%dma_wait3A_277, %dma_wait3A_278] : memref<20000x128xf32, #tpu.memory_space<hbm>> -> memref<20000x128xf32, #tpu.memory_space<hbm>>
      tpu.wait_indirect_dma semaphore(%arg9 : memref<!tpu.dma_semaphore, #tpu.memory_space<semaphore_mem>>) src(%dma_wait3A_279 : memref<20000x128xf32, #tpu.memory_space<hbm>>) dst(%dma_wait3A_273 : memref<64x128xf32, #tpu.memory_space<vmem>>)
      %dma_wait3A_280 = arith.constant 0 : i32
      %dma_wait3A_281 = arith.constant 4 : i32
      %dma_wait3A_282 = arith.constant 64 : i32
      %dma_wait3A_283 = arith.constant 0 : i32
      %dma_wait3A_284 = tpu.memref_slice %arg6[%dma_wait3A_282, %dma_wait3A_283] : memref<128x128xf32, #tpu.memory_space<vmem>> -> memref<64x128xf32, #tpu.memory_space<vmem>>
      %dma_wait3A_285 = arith.constant 64 : i32
      %dma_wait3A_286 = tpu.memref_slice %arg5[%dma_wait3A_280, %dma_wait3A_281, %dma_wait3A_285] : memref<2x8x128xi32, #tpu.memory_space<vmem>> -> memref<1x1x64xi32, #tpu.memory_space<vmem>>
      %dma_wait3A_287 = tpu.memref_squeeze %dma_wait3A_286 : memref<1x1x64xi32, #tpu.memory_space<vmem>> -> memref<64xi32, #tpu.memory_space<vmem>>
      %dma_wait3A_288 = arith.constant 0 : i32
      %dma_wait3A_289 = arith.constant 0 : i32
      %dma_wait3A_290 = tpu.memref_slice %arg2[%dma_wait3A_288, %dma_wait3A_289] : memref<20000x128xf32, #tpu.memory_space<hbm>> -> memref<20000x128xf32, #tpu.memory_space<hbm>>
      tpu.wait_indirect_dma semaphore(%arg11 : memref<!tpu.dma_semaphore, #tpu.memory_space<semaphore_mem>>) src(%dma_wait3A_290 : memref<20000x128xf32, #tpu.memory_space<hbm>>) dst(%dma_wait3A_284 : memref<64x128xf32, #tpu.memory_space<vmem>>)
      %run_scoped3A_291 = arith.constant 1 : i32
      %run_scoped3A_292 = arith.constant 4 : i32
      "tpu.region"() ({
        %run_scoped3A_409 = tpu.sem_alloc : memref<!tpu.dma_semaphore, #tpu.memory_space<semaphore_mem>>
        %dma_start3A_410 = arith.constant 0 : i32
        %dma_start3A_411 = tpu.memref_slice %arg5[%run_scoped3A_291, %run_scoped3A_292, %dma_start3A_410] : memref<2x8x128xi32, #tpu.memory_space<vmem>> -> memref<1x1x128xi32, #tpu.memory_space<vmem>>
        %dma_start3A_412 = tpu.memref_squeeze %dma_start3A_411 : memref<1x1x128xi32, #tpu.memory_space<vmem>> -> memref<128xi32, #tpu.memory_space<vmem>>
        %dma_start3A_413 = arith.constant 0 : i32
        %dma_start3A_414 = arith.constant 0 : i32
        %dma_start3A_415 = tpu.memref_slice %arg8[%dma_start3A_413, %dma_start3A_414] : memref<10240x128xf32, #tpu.memory_space<vmem_shared>> -> memref<10240x128xf32, #tpu.memory_space<vmem_shared>>
        tpu.enqueue_indirect_dma source(%arg6 : memref<128x128xf32, #tpu.memory_space<vmem>>) target(%dma_start3A_415 : memref<10240x128xf32, #tpu.memory_space<vmem_shared>>) offsets(%dma_start3A_412 : memref<128xi32, #tpu.memory_space<vmem>>) semaphore(%run_scoped3A_409 : memref<!tpu.dma_semaphore, #tpu.memory_space<semaphore_mem>>) {add = true}
        %dma_wait3A_416 = arith.constant 0 : i32
        %dma_wait3A_417 = tpu.memref_slice %arg5[%run_scoped3A_291, %run_scoped3A_292, %dma_wait3A_416] : memref<2x8x128xi32, #tpu.memory_space<vmem>> -> memref<1x1x128xi32, #tpu.memory_space<vmem>>
        %dma_wait3A_418 = tpu.memref_squeeze %dma_wait3A_417 : memref<1x1x128xi32, #tpu.memory_space<vmem>> -> memref<128xi32, #tpu.memory_space<vmem>>
        %dma_wait3A_419 = arith.constant 0 : i32
        %dma_wait3A_420 = arith.constant 0 : i32
        %dma_wait3A_421 = tpu.memref_slice %arg8[%dma_wait3A_419, %dma_wait3A_420] : memref<10240x128xf32, #tpu.memory_space<vmem_shared>> -> memref<10240x128xf32, #tpu.memory_space<vmem_shared>>
        tpu.wait_indirect_dma semaphore(%run_scoped3A_409 : memref<!tpu.dma_semaphore, #tpu.memory_space<semaphore_mem>>) src(%arg6 : memref<128x128xf32, #tpu.memory_space<vmem>>) dst(%dma_wait3A_421 : memref<10240x128xf32, #tpu.memory_space<vmem_shared>>)
        tpu.yield
      }) : () -> ()
      %dma_start3A_293 = arith.constant 0 : i32
      %dma_start3A_294 = arith.constant 6 : i32
      %dma_start3A_295 = arith.constant 0 : i32
      %dma_start3A_296 = arith.constant 0 : i32
      %dma_start3A_297 = tpu.memref_slice %arg6[%dma_start3A_295, %dma_start3A_296] : memref<128x128xf32, #tpu.memory_space<vmem>> -> memref<64x128xf32, #tpu.memory_space<vmem>>
      %dma_start3A_298 = arith.constant 0 : i32
      %dma_start3A_299 = tpu.memref_slice %arg5[%dma_start3A_293, %dma_start3A_294, %dma_start3A_298] : memref<2x8x128xi32, #tpu.memory_space<vmem>> -> memref<1x1x64xi32, #tpu.memory_space<vmem>>
      %dma_start3A_300 = tpu.memref_squeeze %dma_start3A_299 : memref<1x1x64xi32, #tpu.memory_space<vmem>> -> memref<64xi32, #tpu.memory_space<vmem>>
      %dma_start3A_301 = arith.constant 0 : i32
      %dma_start3A_302 = arith.constant 0 : i32
      %dma_start3A_303 = tpu.memref_slice %arg2[%dma_start3A_301, %dma_start3A_302] : memref<20000x128xf32, #tpu.memory_space<hbm>> -> memref<20000x128xf32, #tpu.memory_space<hbm>>
      tpu.enqueue_indirect_dma source(%dma_start3A_303 : memref<20000x128xf32, #tpu.memory_space<hbm>>) target(%dma_start3A_297 : memref<64x128xf32, #tpu.memory_space<vmem>>) offsets(%dma_start3A_300 : memref<64xi32, #tpu.memory_space<vmem>>) semaphore(%arg9 : memref<!tpu.dma_semaphore, #tpu.memory_space<semaphore_mem>>)
      %dma_start3A_304 = arith.constant 0 : i32
      %dma_start3A_305 = arith.constant 6 : i32
      %dma_start3A_306 = arith.constant 64 : i32
      %dma_start3A_307 = arith.constant 0 : i32
      %dma_start3A_308 = tpu.memref_slice %arg6[%dma_start3A_306, %dma_start3A_307] : memref<128x128xf32, #tpu.memory_space<vmem>> -> memref<64x128xf32, #tpu.memory_space<vmem>>
      %dma_start3A_309 = arith.constant 64 : i32
      %dma_start3A_310 = tpu.memref_slice %arg5[%dma_start3A_304, %dma_start3A_305, %dma_start3A_309] : memref<2x8x128xi32, #tpu.memory_space<vmem>> -> memref<1x1x64xi32, #tpu.memory_space<vmem>>
      %dma_start3A_311 = tpu.memref_squeeze %dma_start3A_310 : memref<1x1x64xi32, #tpu.memory_space<vmem>> -> memref<64xi32, #tpu.memory_space<vmem>>
      %dma_start3A_312 = arith.constant 0 : i32
      %dma_start3A_313 = arith.constant 0 : i32
      %dma_start3A_314 = tpu.memref_slice %arg2[%dma_start3A_312, %dma_start3A_313] : memref<20000x128xf32, #tpu.memory_space<hbm>> -> memref<20000x128xf32, #tpu.memory_space<hbm>>
      tpu.enqueue_indirect_dma source(%dma_start3A_314 : memref<20000x128xf32, #tpu.memory_space<hbm>>) target(%dma_start3A_308 : memref<64x128xf32, #tpu.memory_space<vmem>>) offsets(%dma_start3A_311 : memref<64xi32, #tpu.memory_space<vmem>>) semaphore(%arg11 : memref<!tpu.dma_semaphore, #tpu.memory_space<semaphore_mem>>)
      %dma_wait3A_315 = arith.constant 0 : i32
      %dma_wait3A_316 = arith.constant 5 : i32
      %dma_wait3A_317 = arith.constant 0 : i32
      %dma_wait3A_318 = arith.constant 0 : i32
      %dma_wait3A_319 = tpu.memref_slice %arg7[%dma_wait3A_317, %dma_wait3A_318] : memref<128x128xf32, #tpu.memory_space<vmem>> -> memref<64x128xf32, #tpu.memory_space<vmem>>
      %dma_wait3A_320 = arith.constant 0 : i32
      %dma_wait3A_321 = tpu.memref_slice %arg5[%dma_wait3A_315, %dma_wait3A_316, %dma_wait3A_320] : memref<2x8x128xi32, #tpu.memory_space<vmem>> -> memref<1x1x64xi32, #tpu.memory_space<vmem>>
      %dma_wait3A_322 = tpu.memref_squeeze %dma_wait3A_321 : memref<1x1x64xi32, #tpu.memory_space<vmem>> -> memref<64xi32, #tpu.memory_space<vmem>>
      %dma_wait3A_323 = arith.constant 0 : i32
      %dma_wait3A_324 = arith.constant 0 : i32
      %dma_wait3A_325 = tpu.memref_slice %arg2[%dma_wait3A_323, %dma_wait3A_324] : memref<20000x128xf32, #tpu.memory_space<hbm>> -> memref<20000x128xf32, #tpu.memory_space<hbm>>
      tpu.wait_indirect_dma semaphore(%arg10 : memref<!tpu.dma_semaphore, #tpu.memory_space<semaphore_mem>>) src(%dma_wait3A_325 : memref<20000x128xf32, #tpu.memory_space<hbm>>) dst(%dma_wait3A_319 : memref<64x128xf32, #tpu.memory_space<vmem>>)
      %dma_wait3A_326 = arith.constant 0 : i32
      %dma_wait3A_327 = arith.constant 5 : i32
      %dma_wait3A_328 = arith.constant 64 : i32
      %dma_wait3A_329 = arith.constant 0 : i32
      %dma_wait3A_330 = tpu.memref_slice %arg7[%dma_wait3A_328, %dma_wait3A_329] : memref<128x128xf32, #tpu.memory_space<vmem>> -> memref<64x128xf32, #tpu.memory_space<vmem>>
      %dma_wait3A_331 = arith.constant 64 : i32
      %dma_wait3A_332 = tpu.memref_slice %arg5[%dma_wait3A_326, %dma_wait3A_327, %dma_wait3A_331] : memref<2x8x128xi32, #tpu.memory_space<vmem>> -> memref<1x1x64xi32, #tpu.memory_space<vmem>>
      %dma_wait3A_333 = tpu.memref_squeeze %dma_wait3A_332 : memref<1x1x64xi32, #tpu.memory_space<vmem>> -> memref<64xi32, #tpu.memory_space<vmem>>
      %dma_wait3A_334 = arith.constant 0 : i32
      %dma_wait3A_335 = arith.constant 0 : i32
      %dma_wait3A_336 = tpu.memref_slice %arg2[%dma_wait3A_334, %dma_wait3A_335] : memref<20000x128xf32, #tpu.memory_space<hbm>> -> memref<20000x128xf32, #tpu.memory_space<hbm>>
      tpu.wait_indirect_dma semaphore(%arg12 : memref<!tpu.dma_semaphore, #tpu.memory_space<semaphore_mem>>) src(%dma_wait3A_336 : memref<20000x128xf32, #tpu.memory_space<hbm>>) dst(%dma_wait3A_330 : memref<64x128xf32, #tpu.memory_space<vmem>>)
      %run_scoped3A_337 = arith.constant 1 : i32
      %run_scoped3A_338 = arith.constant 5 : i32
      "tpu.region"() ({
        %run_scoped3A_409 = tpu.sem_alloc : memref<!tpu.dma_semaphore, #tpu.memory_space<semaphore_mem>>
        %dma_start3A_410 = arith.constant 0 : i32
        %dma_start3A_411 = tpu.memref_slice %arg5[%run_scoped3A_337, %run_scoped3A_338, %dma_start3A_410] : memref<2x8x128xi32, #tpu.memory_space<vmem>> -> memref<1x1x128xi32, #tpu.memory_space<vmem>>
        %dma_start3A_412 = tpu.memref_squeeze %dma_start3A_411 : memref<1x1x128xi32, #tpu.memory_space<vmem>> -> memref<128xi32, #tpu.memory_space<vmem>>
        %dma_start3A_413 = arith.constant 0 : i32
        %dma_start3A_414 = arith.constant 0 : i32
        %dma_start3A_415 = tpu.memref_slice %arg8[%dma_start3A_413, %dma_start3A_414] : memref<10240x128xf32, #tpu.memory_space<vmem_shared>> -> memref<10240x128xf32, #tpu.memory_space<vmem_shared>>
        tpu.enqueue_indirect_dma source(%arg7 : memref<128x128xf32, #tpu.memory_space<vmem>>) target(%dma_start3A_415 : memref<10240x128xf32, #tpu.memory_space<vmem_shared>>) offsets(%dma_start3A_412 : memref<128xi32, #tpu.memory_space<vmem>>) semaphore(%run_scoped3A_409 : memref<!tpu.dma_semaphore, #tpu.memory_space<semaphore_mem>>) {add = true}
        %dma_wait3A_416 = arith.constant 0 : i32
        %dma_wait3A_417 = tpu.memref_slice %arg5[%run_scoped3A_337, %run_scoped3A_338, %dma_wait3A_416] : memref<2x8x128xi32, #tpu.memory_space<vmem>> -> memref<1x1x128xi32, #tpu.memory_space<vmem>>
        %dma_wait3A_418 = tpu.memref_squeeze %dma_wait3A_417 : memref<1x1x128xi32, #tpu.memory_space<vmem>> -> memref<128xi32, #tpu.memory_space<vmem>>
        %dma_wait3A_419 = arith.constant 0 : i32
        %dma_wait3A_420 = arith.constant 0 : i32
        %dma_wait3A_421 = tpu.memref_slice %arg8[%dma_wait3A_419, %dma_wait3A_420] : memref<10240x128xf32, #tpu.memory_space<vmem_shared>> -> memref<10240x128xf32, #tpu.memory_space<vmem_shared>>
        tpu.wait_indirect_dma semaphore(%run_scoped3A_409 : memref<!tpu.dma_semaphore, #tpu.memory_space<semaphore_mem>>) src(%arg7 : memref<128x128xf32, #tpu.memory_space<vmem>>) dst(%dma_wait3A_421 : memref<10240x128xf32, #tpu.memory_space<vmem_shared>>)
        tpu.yield
      }) : () -> ()
      %dma_start3A_339 = arith.constant 0 : i32
      %dma_start3A_340 = arith.constant 7 : i32
      %dma_start3A_341 = arith.constant 0 : i32
      %dma_start3A_342 = arith.constant 0 : i32
      %dma_start3A_343 = tpu.memref_slice %arg7[%dma_start3A_341, %dma_start3A_342] : memref<128x128xf32, #tpu.memory_space<vmem>> -> memref<64x128xf32, #tpu.memory_space<vmem>>
      %dma_start3A_344 = arith.constant 0 : i32
      %dma_start3A_345 = tpu.memref_slice %arg5[%dma_start3A_339, %dma_start3A_340, %dma_start3A_344] : memref<2x8x128xi32, #tpu.memory_space<vmem>> -> memref<1x1x64xi32, #tpu.memory_space<vmem>>
      %dma_start3A_346 = tpu.memref_squeeze %dma_start3A_345 : memref<1x1x64xi32, #tpu.memory_space<vmem>> -> memref<64xi32, #tpu.memory_space<vmem>>
      %dma_start3A_347 = arith.constant 0 : i32
      %dma_start3A_348 = arith.constant 0 : i32
      %dma_start3A_349 = tpu.memref_slice %arg2[%dma_start3A_347, %dma_start3A_348] : memref<20000x128xf32, #tpu.memory_space<hbm>> -> memref<20000x128xf32, #tpu.memory_space<hbm>>
      tpu.enqueue_indirect_dma source(%dma_start3A_349 : memref<20000x128xf32, #tpu.memory_space<hbm>>) target(%dma_start3A_343 : memref<64x128xf32, #tpu.memory_space<vmem>>) offsets(%dma_start3A_346 : memref<64xi32, #tpu.memory_space<vmem>>) semaphore(%arg10 : memref<!tpu.dma_semaphore, #tpu.memory_space<semaphore_mem>>)
      %dma_start3A_350 = arith.constant 0 : i32
      %dma_start3A_351 = arith.constant 7 : i32
      %dma_start3A_352 = arith.constant 64 : i32
      %dma_start3A_353 = arith.constant 0 : i32
      %dma_start3A_354 = tpu.memref_slice %arg7[%dma_start3A_352, %dma_start3A_353] : memref<128x128xf32, #tpu.memory_space<vmem>> -> memref<64x128xf32, #tpu.memory_space<vmem>>
      %dma_start3A_355 = arith.constant 64 : i32
      %dma_start3A_356 = tpu.memref_slice %arg5[%dma_start3A_350, %dma_start3A_351, %dma_start3A_355] : memref<2x8x128xi32, #tpu.memory_space<vmem>> -> memref<1x1x64xi32, #tpu.memory_space<vmem>>
      %dma_start3A_357 = tpu.memref_squeeze %dma_start3A_356 : memref<1x1x64xi32, #tpu.memory_space<vmem>> -> memref<64xi32, #tpu.memory_space<vmem>>
      %dma_start3A_358 = arith.constant 0 : i32
      %dma_start3A_359 = arith.constant 0 : i32
      %dma_start3A_360 = tpu.memref_slice %arg2[%dma_start3A_358, %dma_start3A_359] : memref<20000x128xf32, #tpu.memory_space<hbm>> -> memref<20000x128xf32, #tpu.memory_space<hbm>>
      tpu.enqueue_indirect_dma source(%dma_start3A_360 : memref<20000x128xf32, #tpu.memory_space<hbm>>) target(%dma_start3A_354 : memref<64x128xf32, #tpu.memory_space<vmem>>) offsets(%dma_start3A_357 : memref<64xi32, #tpu.memory_space<vmem>>) semaphore(%arg12 : memref<!tpu.dma_semaphore, #tpu.memory_space<semaphore_mem>>)
      %dma_wait3A_361 = arith.constant 0 : i32
      %dma_wait3A_362 = arith.constant 6 : i32
      %dma_wait3A_363 = arith.constant 0 : i32
      %dma_wait3A_364 = arith.constant 0 : i32
      %dma_wait3A_365 = tpu.memref_slice %arg6[%dma_wait3A_363, %dma_wait3A_364] : memref<128x128xf32, #tpu.memory_space<vmem>> -> memref<64x128xf32, #tpu.memory_space<vmem>>
      %dma_wait3A_366 = arith.constant 0 : i32
      %dma_wait3A_367 = tpu.memref_slice %arg5[%dma_wait3A_361, %dma_wait3A_362, %dma_wait3A_366] : memref<2x8x128xi32, #tpu.memory_space<vmem>> -> memref<1x1x64xi32, #tpu.memory_space<vmem>>
      %dma_wait3A_368 = tpu.memref_squeeze %dma_wait3A_367 : memref<1x1x64xi32, #tpu.memory_space<vmem>> -> memref<64xi32, #tpu.memory_space<vmem>>
      %dma_wait3A_369 = arith.constant 0 : i32
      %dma_wait3A_370 = arith.constant 0 : i32
      %dma_wait3A_371 = tpu.memref_slice %arg2[%dma_wait3A_369, %dma_wait3A_370] : memref<20000x128xf32, #tpu.memory_space<hbm>> -> memref<20000x128xf32, #tpu.memory_space<hbm>>
      tpu.wait_indirect_dma semaphore(%arg9 : memref<!tpu.dma_semaphore, #tpu.memory_space<semaphore_mem>>) src(%dma_wait3A_371 : memref<20000x128xf32, #tpu.memory_space<hbm>>) dst(%dma_wait3A_365 : memref<64x128xf32, #tpu.memory_space<vmem>>)
      %dma_wait3A_372 = arith.constant 0 : i32
      %dma_wait3A_373 = arith.constant 6 : i32
      %dma_wait3A_374 = arith.constant 64 : i32
      %dma_wait3A_375 = arith.constant 0 : i32
      %dma_wait3A_376 = tpu.memref_slice %arg6[%dma_wait3A_374, %dma_wait3A_375] : memref<128x128xf32, #tpu.memory_space<vmem>> -> memref<64x128xf32, #tpu.memory_space<vmem>>
      %dma_wait3A_377 = arith.constant 64 : i32
      %dma_wait3A_378 = tpu.memref_slice %arg5[%dma_wait3A_372, %dma_wait3A_373, %dma_wait3A_377] : memref<2x8x128xi32, #tpu.memory_space<vmem>> -> memref<1x1x64xi32, #tpu.memory_space<vmem>>
      %dma_wait3A_379 = tpu.memref_squeeze %dma_wait3A_378 : memref<1x1x64xi32, #tpu.memory_space<vmem>> -> memref<64xi32, #tpu.memory_space<vmem>>
      %dma_wait3A_380 = arith.constant 0 : i32
      %dma_wait3A_381 = arith.constant 0 : i32
      %dma_wait3A_382 = tpu.memref_slice %arg2[%dma_wait3A_380, %dma_wait3A_381] : memref<20000x128xf32, #tpu.memory_space<hbm>> -> memref<20000x128xf32, #tpu.memory_space<hbm>>
      tpu.wait_indirect_dma semaphore(%arg11 : memref<!tpu.dma_semaphore, #tpu.memory_space<semaphore_mem>>) src(%dma_wait3A_382 : memref<20000x128xf32, #tpu.memory_space<hbm>>) dst(%dma_wait3A_376 : memref<64x128xf32, #tpu.memory_space<vmem>>)
      %run_scoped3A_383 = arith.constant 1 : i32
      %run_scoped3A_384 = arith.constant 6 : i32
      "tpu.region"() ({
        %run_scoped3A_409 = tpu.sem_alloc : memref<!tpu.dma_semaphore, #tpu.memory_space<semaphore_mem>>
        %dma_start3A_410 = arith.constant 0 : i32
        %dma_start3A_411 = tpu.memref_slice %arg5[%run_scoped3A_383, %run_scoped3A_384, %dma_start3A_410] : memref<2x8x128xi32, #tpu.memory_space<vmem>> -> memref<1x1x128xi32, #tpu.memory_space<vmem>>
        %dma_start3A_412 = tpu.memref_squeeze %dma_start3A_411 : memref<1x1x128xi32, #tpu.memory_space<vmem>> -> memref<128xi32, #tpu.memory_space<vmem>>
        %dma_start3A_413 = arith.constant 0 : i32
        %dma_start3A_414 = arith.constant 0 : i32
        %dma_start3A_415 = tpu.memref_slice %arg8[%dma_start3A_413, %dma_start3A_414] : memref<10240x128xf32, #tpu.memory_space<vmem_shared>> -> memref<10240x128xf32, #tpu.memory_space<vmem_shared>>
        tpu.enqueue_indirect_dma source(%arg6 : memref<128x128xf32, #tpu.memory_space<vmem>>) target(%dma_start3A_415 : memref<10240x128xf32, #tpu.memory_space<vmem_shared>>) offsets(%dma_start3A_412 : memref<128xi32, #tpu.memory_space<vmem>>) semaphore(%run_scoped3A_409 : memref<!tpu.dma_semaphore, #tpu.memory_space<semaphore_mem>>) {add = true}
        %dma_wait3A_416 = arith.constant 0 : i32
        %dma_wait3A_417 = tpu.memref_slice %arg5[%run_scoped3A_383, %run_scoped3A_384, %dma_wait3A_416] : memref<2x8x128xi32, #tpu.memory_space<vmem>> -> memref<1x1x128xi32, #tpu.memory_space<vmem>>
        %dma_wait3A_418 = tpu.memref_squeeze %dma_wait3A_417 : memref<1x1x128xi32, #tpu.memory_space<vmem>> -> memref<128xi32, #tpu.memory_space<vmem>>
        %dma_wait3A_419 = arith.constant 0 : i32
        %dma_wait3A_420 = arith.constant 0 : i32
        %dma_wait3A_421 = tpu.memref_slice %arg8[%dma_wait3A_419, %dma_wait3A_420] : memref<10240x128xf32, #tpu.memory_space<vmem_shared>> -> memref<10240x128xf32, #tpu.memory_space<vmem_shared>>
        tpu.wait_indirect_dma semaphore(%run_scoped3A_409 : memref<!tpu.dma_semaphore, #tpu.memory_space<semaphore_mem>>) src(%arg6 : memref<128x128xf32, #tpu.memory_space<vmem>>) dst(%dma_wait3A_421 : memref<10240x128xf32, #tpu.memory_space<vmem_shared>>)
        tpu.yield
      }) : () -> ()
      %dma_wait3A_385 = arith.constant 0 : i32
      %dma_wait3A_386 = arith.constant 7 : i32
      %dma_wait3A_387 = arith.constant 0 : i32
      %dma_wait3A_388 = arith.constant 0 : i32
      %dma_wait3A_389 = tpu.memref_slice %arg7[%dma_wait3A_387, %dma_wait3A_388] : memref<128x128xf32, #tpu.memory_space<vmem>> -> memref<64x128xf32, #tpu.memory_space<vmem>>
      %dma_wait3A_390 = arith.constant 0 : i32
      %dma_wait3A_391 = tpu.memref_slice %arg5[%dma_wait3A_385, %dma_wait3A_386, %dma_wait3A_390] : memref<2x8x128xi32, #tpu.memory_space<vmem>> -> memref<1x1x64xi32, #tpu.memory_space<vmem>>
      %dma_wait3A_392 = tpu.memref_squeeze %dma_wait3A_391 : memref<1x1x64xi32, #tpu.memory_space<vmem>> -> memref<64xi32, #tpu.memory_space<vmem>>
      %dma_wait3A_393 = arith.constant 0 : i32
      %dma_wait3A_394 = arith.constant 0 : i32
      %dma_wait3A_395 = tpu.memref_slice %arg2[%dma_wait3A_393, %dma_wait3A_394] : memref<20000x128xf32, #tpu.memory_space<hbm>> -> memref<20000x128xf32, #tpu.memory_space<hbm>>
      tpu.wait_indirect_dma semaphore(%arg10 : memref<!tpu.dma_semaphore, #tpu.memory_space<semaphore_mem>>) src(%dma_wait3A_395 : memref<20000x128xf32, #tpu.memory_space<hbm>>) dst(%dma_wait3A_389 : memref<64x128xf32, #tpu.memory_space<vmem>>)
      %dma_wait3A_396 = arith.constant 0 : i32
      %dma_wait3A_397 = arith.constant 7 : i32
      %dma_wait3A_398 = arith.constant 64 : i32
      %dma_wait3A_399 = arith.constant 0 : i32
      %dma_wait3A_400 = tpu.memref_slice %arg7[%dma_wait3A_398, %dma_wait3A_399] : memref<128x128xf32, #tpu.memory_space<vmem>> -> memref<64x128xf32, #tpu.memory_space<vmem>>
      %dma_wait3A_401 = arith.constant 64 : i32
      %dma_wait3A_402 = tpu.memref_slice %arg5[%dma_wait3A_396, %dma_wait3A_397, %dma_wait3A_401] : memref<2x8x128xi32, #tpu.memory_space<vmem>> -> memref<1x1x64xi32, #tpu.memory_space<vmem>>
      %dma_wait3A_403 = tpu.memref_squeeze %dma_wait3A_402 : memref<1x1x64xi32, #tpu.memory_space<vmem>> -> memref<64xi32, #tpu.memory_space<vmem>>
      %dma_wait3A_404 = arith.constant 0 : i32
      %dma_wait3A_405 = arith.constant 0 : i32
      %dma_wait3A_406 = tpu.memref_slice %arg2[%dma_wait3A_404, %dma_wait3A_405] : memref<20000x128xf32, #tpu.memory_space<hbm>> -> memref<20000x128xf32, #tpu.memory_space<hbm>>
      tpu.wait_indirect_dma semaphore(%arg12 : memref<!tpu.dma_semaphore, #tpu.memory_space<semaphore_mem>>) src(%dma_wait3A_406 : memref<20000x128xf32, #tpu.memory_space<hbm>>) dst(%dma_wait3A_400 : memref<64x128xf32, #tpu.memory_space<vmem>>)
      %run_scoped3A_407 = arith.constant 1 : i32
      %run_scoped3A_408 = arith.constant 7 : i32
      "tpu.region"() ({
        %run_scoped3A_409 = tpu.sem_alloc : memref<!tpu.dma_semaphore, #tpu.memory_space<semaphore_mem>>
        %dma_start3A_410 = arith.constant 0 : i32
        %dma_start3A_411 = tpu.memref_slice %arg5[%run_scoped3A_407, %run_scoped3A_408, %dma_start3A_410] : memref<2x8x128xi32, #tpu.memory_space<vmem>> -> memref<1x1x128xi32, #tpu.memory_space<vmem>>
        %dma_start3A_412 = tpu.memref_squeeze %dma_start3A_411 : memref<1x1x128xi32, #tpu.memory_space<vmem>> -> memref<128xi32, #tpu.memory_space<vmem>>
        %dma_start3A_413 = arith.constant 0 : i32
        %dma_start3A_414 = arith.constant 0 : i32
        %dma_start3A_415 = tpu.memref_slice %arg8[%dma_start3A_413, %dma_start3A_414] : memref<10240x128xf32, #tpu.memory_space<vmem_shared>> -> memref<10240x128xf32, #tpu.memory_space<vmem_shared>>
        tpu.enqueue_indirect_dma source(%arg7 : memref<128x128xf32, #tpu.memory_space<vmem>>) target(%dma_start3A_415 : memref<10240x128xf32, #tpu.memory_space<vmem_shared>>) offsets(%dma_start3A_412 : memref<128xi32, #tpu.memory_space<vmem>>) semaphore(%run_scoped3A_409 : memref<!tpu.dma_semaphore, #tpu.memory_space<semaphore_mem>>) {add = true}
        %dma_wait3A_416 = arith.constant 0 : i32
        %dma_wait3A_417 = tpu.memref_slice %arg5[%run_scoped3A_407, %run_scoped3A_408, %dma_wait3A_416] : memref<2x8x128xi32, #tpu.memory_space<vmem>> -> memref<1x1x128xi32, #tpu.memory_space<vmem>>
        %dma_wait3A_418 = tpu.memref_squeeze %dma_wait3A_417 : memref<1x1x128xi32, #tpu.memory_space<vmem>> -> memref<128xi32, #tpu.memory_space<vmem>>
        %dma_wait3A_419 = arith.constant 0 : i32
        %dma_wait3A_420 = arith.constant 0 : i32
        %dma_wait3A_421 = tpu.memref_slice %arg8[%dma_wait3A_419, %dma_wait3A_420] : memref<10240x128xf32, #tpu.memory_space<vmem_shared>> -> memref<10240x128xf32, #tpu.memory_space<vmem_shared>>
        tpu.wait_indirect_dma semaphore(%run_scoped3A_409 : memref<!tpu.dma_semaphore, #tpu.memory_space<semaphore_mem>>) src(%arg7 : memref<128x128xf32, #tpu.memory_space<vmem>>) dst(%dma_wait3A_421 : memref<10240x128xf32, #tpu.memory_space<vmem_shared>>)
        tpu.yield
      }) : () -> ()
    }
    %scan3A_21 = arith.constant 10 : i32
    %barrier3A_22 = arith.constant 0 : index
    tpu.barrier barrier_id(%barrier3A_22)
    %add3A_23 = arith.constant 0 : i32
    %add3A_24 = arith.addi %mul3A_6, %add3A_23 : i32
    %add3A_25 = arith.constant 0 : i32
    %add3A_26 = arith.addi %mul3A_6, %add3A_25 : i32
    "tpu.region"() ({
      %run_scoped3A = tpu.sem_alloc : memref<!tpu.dma_semaphore, #tpu.memory_space<semaphore_mem>>
      %dma_start3A = arith.constant 0 : i32
      %dma_start3A_43 = tpu.memref_slice %arg4[%arg0, %add3A_26, %dma_start3A] : memref<2x10240x128xf32, #tpu.memory_space<hbm>> -> memref<1x128x128xf32, #tpu.memory_space<hbm>>
      %dma_start3A_44 = tpu.memref_squeeze %dma_start3A_43 : memref<1x128x128xf32, #tpu.memory_space<hbm>> -> memref<128x128xf32, #tpu.memory_space<hbm>>
      %dma_start3A_45 = arith.constant 0 : i32
      %dma_start3A_46 = tpu.memref_slice %arg8[%add3A_24, %dma_start3A_45] : memref<10240x128xf32, #tpu.memory_space<vmem_shared>> -> memref<128x128xf32, #tpu.memory_space<vmem_shared>>
      tpu.enqueue_dma source(%dma_start3A_46 : memref<128x128xf32, #tpu.memory_space<vmem_shared>>) target(%dma_start3A_44 : memref<128x128xf32, #tpu.memory_space<hbm>>) target_semaphore(%run_scoped3A : memref<!tpu.dma_semaphore, #tpu.memory_space<semaphore_mem>>)
      %dma_wait3A = arith.constant 0 : i32
      %dma_wait3A_47 = tpu.memref_slice %arg4[%arg0, %add3A_26, %dma_wait3A] : memref<2x10240x128xf32, #tpu.memory_space<hbm>> -> memref<1x128x128xf32, #tpu.memory_space<hbm>>
      %dma_wait3A_48 = tpu.memref_squeeze %dma_wait3A_47 : memref<1x128x128xf32, #tpu.memory_space<hbm>> -> memref<128x128xf32, #tpu.memory_space<hbm>>
      %dma_wait3A_49 = arith.constant 0 : i32
      %dma_wait3A_50 = tpu.memref_slice %arg8[%add3A_24, %dma_wait3A_49] : memref<10240x128xf32, #tpu.memory_space<vmem_shared>> -> memref<128x128xf32, #tpu.memory_space<vmem_shared>>
      tpu.wait_dma2 semaphore(%run_scoped3A : memref<!tpu.dma_semaphore, #tpu.memory_space<semaphore_mem>>) src(%dma_wait3A_50 : memref<128x128xf32, #tpu.memory_space<vmem_shared>>) dst(%dma_wait3A_48 : memref<128x128xf32, #tpu.memory_space<hbm>>)
      tpu.yield
    }) : () -> ()
    %add3A_27 = arith.constant 128 : i32
    %add3A_28 = arith.addi %mul3A_6, %add3A_27 : i32
    %add3A_29 = arith.constant 128 : i32
    %add3A_30 = arith.addi %mul3A_6, %add3A_29 : i32
    "tpu.region"() ({
      %run_scoped3A = tpu.sem_alloc : memref<!tpu.dma_semaphore, #tpu.memory_space<semaphore_mem>>
      %dma_start3A = arith.constant 0 : i32
      %dma_start3A_43 = tpu.memref_slice %arg4[%arg0, %add3A_30, %dma_start3A] : memref<2x10240x128xf32, #tpu.memory_space<hbm>> -> memref<1x128x128xf32, #tpu.memory_space<hbm>>
      %dma_start3A_44 = tpu.memref_squeeze %dma_start3A_43 : memref<1x128x128xf32, #tpu.memory_space<hbm>> -> memref<128x128xf32, #tpu.memory_space<hbm>>
      %dma_start3A_45 = arith.constant 0 : i32
      %dma_start3A_46 = tpu.memref_slice %arg8[%add3A_28, %dma_start3A_45] : memref<10240x128xf32, #tpu.memory_space<vmem_shared>> -> memref<128x128xf32, #tpu.memory_space<vmem_shared>>
      tpu.enqueue_dma source(%dma_start3A_46 : memref<128x128xf32, #tpu.memory_space<vmem_shared>>) target(%dma_start3A_44 : memref<128x128xf32, #tpu.memory_space<hbm>>) target_semaphore(%run_scoped3A : memref<!tpu.dma_semaphore, #tpu.memory_space<semaphore_mem>>)
      %dma_wait3A = arith.constant 0 : i32
      %dma_wait3A_47 = tpu.memref_slice %arg4[%arg0, %add3A_30, %dma_wait3A] : memref<2x10240x128xf32, #tpu.memory_space<hbm>> -> memref<1x128x128xf32, #tpu.memory_space<hbm>>
      %dma_wait3A_48 = tpu.memref_squeeze %dma_wait3A_47 : memref<1x128x128xf32, #tpu.memory_space<hbm>> -> memref<128x128xf32, #tpu.memory_space<hbm>>
      %dma_wait3A_49 = arith.constant 0 : i32
      %dma_wait3A_50 = tpu.memref_slice %arg8[%add3A_28, %dma_wait3A_49] : memref<10240x128xf32, #tpu.memory_space<vmem_shared>> -> memref<128x128xf32, #tpu.memory_space<vmem_shared>>
      tpu.wait_dma2 semaphore(%run_scoped3A : memref<!tpu.dma_semaphore, #tpu.memory_space<semaphore_mem>>) src(%dma_wait3A_50 : memref<128x128xf32, #tpu.memory_space<vmem_shared>>) dst(%dma_wait3A_48 : memref<128x128xf32, #tpu.memory_space<hbm>>)
      tpu.yield
    }) : () -> ()
    %add3A_31 = arith.constant 256 : i32
    %add3A_32 = arith.addi %mul3A_6, %add3A_31 : i32
    %add3A_33 = arith.constant 256 : i32
    %add3A_34 = arith.addi %mul3A_6, %add3A_33 : i32
    "tpu.region"() ({
      %run_scoped3A = tpu.sem_alloc : memref<!tpu.dma_semaphore, #tpu.memory_space<semaphore_mem>>
      %dma_start3A = arith.constant 0 : i32
      %dma_start3A_43 = tpu.memref_slice %arg4[%arg0, %add3A_34, %dma_start3A] : memref<2x10240x128xf32, #tpu.memory_space<hbm>> -> memref<1x128x128xf32, #tpu.memory_space<hbm>>
      %dma_start3A_44 = tpu.memref_squeeze %dma_start3A_43 : memref<1x128x128xf32, #tpu.memory_space<hbm>> -> memref<128x128xf32, #tpu.memory_space<hbm>>
      %dma_start3A_45 = arith.constant 0 : i32
      %dma_start3A_46 = tpu.memref_slice %arg8[%add3A_32, %dma_start3A_45] : memref<10240x128xf32, #tpu.memory_space<vmem_shared>> -> memref<128x128xf32, #tpu.memory_space<vmem_shared>>
      tpu.enqueue_dma source(%dma_start3A_46 : memref<128x128xf32, #tpu.memory_space<vmem_shared>>) target(%dma_start3A_44 : memref<128x128xf32, #tpu.memory_space<hbm>>) target_semaphore(%run_scoped3A : memref<!tpu.dma_semaphore, #tpu.memory_space<semaphore_mem>>)
      %dma_wait3A = arith.constant 0 : i32
      %dma_wait3A_47 = tpu.memref_slice %arg4[%arg0, %add3A_34, %dma_wait3A] : memref<2x10240x128xf32, #tpu.memory_space<hbm>> -> memref<1x128x128xf32, #tpu.memory_space<hbm>>
      %dma_wait3A_48 = tpu.memref_squeeze %dma_wait3A_47 : memref<1x128x128xf32, #tpu.memory_space<hbm>> -> memref<128x128xf32, #tpu.memory_space<hbm>>
      %dma_wait3A_49 = arith.constant 0 : i32
      %dma_wait3A_50 = tpu.memref_slice %arg8[%add3A_32, %dma_wait3A_49] : memref<10240x128xf32, #tpu.memory_space<vmem_shared>> -> memref<128x128xf32, #tpu.memory_space<vmem_shared>>
      tpu.wait_dma2 semaphore(%run_scoped3A : memref<!tpu.dma_semaphore, #tpu.memory_space<semaphore_mem>>) src(%dma_wait3A_50 : memref<128x128xf32, #tpu.memory_space<vmem_shared>>) dst(%dma_wait3A_48 : memref<128x128xf32, #tpu.memory_space<hbm>>)
      tpu.yield
    }) : () -> ()
    %add3A_35 = arith.constant 384 : i32
    %add3A_36 = arith.addi %mul3A_6, %add3A_35 : i32
    %add3A_37 = arith.constant 384 : i32
    %add3A_38 = arith.addi %mul3A_6, %add3A_37 : i32
    "tpu.region"() ({
      %run_scoped3A = tpu.sem_alloc : memref<!tpu.dma_semaphore, #tpu.memory_space<semaphore_mem>>
      %dma_start3A = arith.constant 0 : i32
      %dma_start3A_43 = tpu.memref_slice %arg4[%arg0, %add3A_38, %dma_start3A] : memref<2x10240x128xf32, #tpu.memory_space<hbm>> -> memref<1x128x128xf32, #tpu.memory_space<hbm>>
      %dma_start3A_44 = tpu.memref_squeeze %dma_start3A_43 : memref<1x128x128xf32, #tpu.memory_space<hbm>> -> memref<128x128xf32, #tpu.memory_space<hbm>>
      %dma_start3A_45 = arith.constant 0 : i32
      %dma_start3A_46 = tpu.memref_slice %arg8[%add3A_36, %dma_start3A_45] : memref<10240x128xf32, #tpu.memory_space<vmem_shared>> -> memref<128x128xf32, #tpu.memory_space<vmem_shared>>
      tpu.enqueue_dma source(%dma_start3A_46 : memref<128x128xf32, #tpu.memory_space<vmem_shared>>) target(%dma_start3A_44 : memref<128x128xf32, #tpu.memory_space<hbm>>) target_semaphore(%run_scoped3A : memref<!tpu.dma_semaphore, #tpu.memory_space<semaphore_mem>>)
      %dma_wait3A = arith.constant 0 : i32
      %dma_wait3A_47 = tpu.memref_slice %arg4[%arg0, %add3A_38, %dma_wait3A] : memref<2x10240x128xf32, #tpu.memory_space<hbm>> -> memref<1x128x128xf32, #tpu.memory_space<hbm>>
      %dma_wait3A_48 = tpu.memref_squeeze %dma_wait3A_47 : memref<1x128x128xf32, #tpu.memory_space<hbm>> -> memref<128x128xf32, #tpu.memory_space<hbm>>
      %dma_wait3A_49 = arith.constant 0 : i32
      %dma_wait3A_50 = tpu.memref_slice %arg8[%add3A_36, %dma_wait3A_49] : memref<10240x128xf32, #tpu.memory_space<vmem_shared>> -> memref<128x128xf32, #tpu.memory_space<vmem_shared>>
      tpu.wait_dma2 semaphore(%run_scoped3A : memref<!tpu.dma_semaphore, #tpu.memory_space<semaphore_mem>>) src(%dma_wait3A_50 : memref<128x128xf32, #tpu.memory_space<vmem_shared>>) dst(%dma_wait3A_48 : memref<128x128xf32, #tpu.memory_space<hbm>>)
      tpu.yield
    }) : () -> ()
    %add3A_39 = arith.constant 512 : i32
    %add3A_40 = arith.addi %mul3A_6, %add3A_39 : i32
    %add3A_41 = arith.constant 512 : i32
    %add3A_42 = arith.addi %mul3A_6, %add3A_41 : i32
    "tpu.region"() ({
      %run_scoped3A = tpu.sem_alloc : memref<!tpu.dma_semaphore, #tpu.memory_space<semaphore_mem>>
      %dma_start3A = arith.constant 0 : i32
      %dma_start3A_43 = tpu.memref_slice %arg4[%arg0, %add3A_42, %dma_start3A] : memref<2x10240x128xf32, #tpu.memory_space<hbm>> -> memref<1x128x128xf32, #tpu.memory_space<hbm>>
      %dma_start3A_44 = tpu.memref_squeeze %dma_start3A_43 : memref<1x128x128xf32, #tpu.memory_space<hbm>> -> memref<128x128xf32, #tpu.memory_space<hbm>>
      %dma_start3A_45 = arith.constant 0 : i32
      %dma_start3A_46 = tpu.memref_slice %arg8[%add3A_40, %dma_start3A_45] : memref<10240x128xf32, #tpu.memory_space<vmem_shared>> -> memref<128x128xf32, #tpu.memory_space<vmem_shared>>
      tpu.enqueue_dma source(%dma_start3A_46 : memref<128x128xf32, #tpu.memory_space<vmem_shared>>) target(%dma_start3A_44 : memref<128x128xf32, #tpu.memory_space<hbm>>) target_semaphore(%run_scoped3A : memref<!tpu.dma_semaphore, #tpu.memory_space<semaphore_mem>>)
      %dma_wait3A = arith.constant 0 : i32
      %dma_wait3A_47 = tpu.memref_slice %arg4[%arg0, %add3A_42, %dma_wait3A] : memref<2x10240x128xf32, #tpu.memory_space<hbm>> -> memref<1x128x128xf32, #tpu.memory_space<hbm>>
      %dma_wait3A_48 = tpu.memref_squeeze %dma_wait3A_47 : memref<1x128x128xf32, #tpu.memory_space<hbm>> -> memref<128x128xf32, #tpu.memory_space<hbm>>
      %dma_wait3A_49 = arith.constant 0 : i32
      %dma_wait3A_50 = tpu.memref_slice %arg8[%add3A_40, %dma_wait3A_49] : memref<10240x128xf32, #tpu.memory_space<vmem_shared>> -> memref<128x128xf32, #tpu.memory_space<vmem_shared>>
      tpu.wait_dma2 semaphore(%run_scoped3A : memref<!tpu.dma_semaphore, #tpu.memory_space<semaphore_mem>>) src(%dma_wait3A_50 : memref<128x128xf32, #tpu.memory_space<vmem_shared>>) dst(%dma_wait3A_48 : memref<128x128xf32, #tpu.memory_space<hbm>>)
      tpu.yield
    }) : () -> ()
    return
  }
}

module attributes {stable_mosaic.version = 14 : i64} {
  func.func @body(%arg0: i32, %arg1: memref<1000x32xf32, #tpu.memory_space<vmem>>, %arg2: memref<1000x256xf32, #tpu.memory_space<vmem>>, %arg3: memref<1000x1xf32, #tpu.memory_space<vmem>>, %arg4: memref<1000x256xf32, #tpu.memory_space<vmem>>) attributes {dimension_semantics = [#tpu.dimension_semantics<arbitrary>], iteration_bounds = array<i64: 10>, scalar_prefetch = 0 : i64, scratch_operands = 0 : i64, tpu.core_type = #tpu.core_type<tc>, window_params = [{transform_indices = @transform_0, window_bounds = array<i64: 1000, 32>}, {transform_indices = @transform_1, window_bounds = array<i64: 1000, 256>}, {transform_indices = @transform_2, window_bounds = array<i64: 1000, 1>}, {transform_indices = @transform_3, window_bounds = array<i64: 1000, 256>}]} {
    %get3A = arith.constant 0 : index
    %get3A_0 = arith.constant 0 : index
    %get3A_1 = vector.load %arg1[%get3A, %get3A_0] : memref<1000x32xf32, #tpu.memory_space<vmem>>, vector<1000x32xf32>
    %reduce_sum3A = arith.constant dense<0.000000e+00> : vector<1000xf32>
    %reduce_sum3A_2 = vector.multi_reduction <add>, %get3A_1, %reduce_sum3A [1] : vector<1000x32xf32> to vector<1000xf32>
    %add3A = arith.constant 1.000000e+00 : f32
    %add3A_3 = vector.broadcast %add3A : f32 to vector<1000xf32>
    %add3A_4 = arith.addf %reduce_sum3A_2, %add3A_3 : vector<1000xf32>
    %rsqrt3A = math.rsqrt %add3A_4 : vector<1000xf32>
    %broadcast_in_dim3A = vector.shape_cast %rsqrt3A : vector<1000xf32> to vector<1000x1xf32>
    %swap3A = arith.constant 0 : index
    %swap3A_5 = arith.constant 0 : index
    %swap3A_6 = vector.load %arg3[%swap3A, %swap3A_5] : memref<1000x1xf32, #tpu.memory_space<vmem>>, vector<1000x1xf32>
    tpu.vector_store %arg3[%swap3A, %swap3A_5], %broadcast_in_dim3A {strides = array<i32>} : memref<1000x1xf32, #tpu.memory_space<vmem>>, vector<1000x1xf32>,
    %get3A_7 = arith.constant 0 : index
    %get3A_8 = arith.constant 0 : index
    %get3A_9 = vector.load %arg2[%get3A_7, %get3A_8] : memref<1000x256xf32, #tpu.memory_space<vmem>>, vector<1000x256xf32>
    %broadcast_in_dim3A_10 = vector.shape_cast %rsqrt3A : vector<1000xf32> to vector<1000x1xf32>
    %mul3A = vector.broadcast %broadcast_in_dim3A_10 : vector<1000x1xf32> to vector<1000x256xf32>
    %mul3A_11 = arith.mulf %get3A_9, %mul3A : vector<1000x256xf32>
    %swap3A_12 = arith.constant 0 : index
    %swap3A_13 = arith.constant 0 : index
    %swap3A_14 = vector.load %arg4[%swap3A_12, %swap3A_13] : memref<1000x256xf32, #tpu.memory_space<vmem>>, vector<1000x256xf32>
    tpu.vector_store %arg4[%swap3A_12, %swap3A_13], %mul3A_11 {strides = array<i32>} : memref<1000x256xf32, #tpu.memory_space<vmem>>, vector<1000x256xf32>,
    return
  }
  func.func @transform_0(%arg0: i32) -> (i32, i32) {
    %c0_i32 = arith.constant 0 : i32
    %c0_i32_0 = arith.constant 0 : i32
    return %arg0, %c0_i32 : i32, i32
  }
  func.func @transform_1(%arg0: i32) -> (i32, i32) {
    %c0_i32 = arith.constant 0 : i32
    %c0_i32_0 = arith.constant 0 : i32
    return %arg0, %c0_i32 : i32, i32
  }
  func.func @transform_2(%arg0: i32) -> (i32, i32) {
    %c0_i32 = arith.constant 0 : i32
    %c0_i32_0 = arith.constant 0 : i32
    return %arg0, %c0_i32 : i32, i32
  }
  func.func @transform_3(%arg0: i32) -> (i32, i32) {
    %c0_i32 = arith.constant 0 : i32
    %c0_i32_0 = arith.constant 0 : i32
    return %arg0, %c0_i32 : i32, i32
  }
}

module attributes {stable_mosaic.version = 14 : i64} {
  func.func @body(%arg0: i32, %arg1: memref<2x1000x128xf32, #tpu.memory_space<vmem>>, %arg2: memref<1000x256xf32, #tpu.memory_space<vmem>>, %arg3: memref<1000x1xf32, #tpu.memory_space<vmem>>, %arg4: memref<256x512xf32, #tpu.memory_space<vmem>>, %arg5: memref<1x512xf32, #tpu.memory_space<vmem>>, %arg6: memref<512x256xf32, #tpu.memory_space<vmem>>, %arg7: memref<1000x256xf32, #tpu.memory_space<vmem>>) attributes {dimension_semantics = [#tpu.dimension_semantics<arbitrary>], iteration_bounds = array<i64: 10>, scalar_prefetch = 0 : i64, scratch_operands = 0 : i64, tpu.core_type = #tpu.core_type<tc>, window_params = [{transform_indices = @transform_0, window_bounds = array<i64: 2, 1000, 128>}, {transform_indices = @transform_1, window_bounds = array<i64: 1000, 256>}, {transform_indices = @transform_2, window_bounds = array<i64: 1000, 1>}, {pipeline_mode = #tpu.pipeline_mode<synchronous>, transform_indices = @transform_3, window_bounds = array<i64: 256, 512>}, {pipeline_mode = #tpu.pipeline_mode<synchronous>, transform_indices = @transform_4, window_bounds = array<i64: 1, 512>}, {pipeline_mode = #tpu.pipeline_mode<synchronous>, transform_indices = @transform_5, window_bounds = array<i64: 512, 256>}, {transform_indices = @transform_6, window_bounds = array<i64: 1000, 256>}]} {
    %get3A = arith.constant 0 : index
    %get3A_0 = arith.constant 0 : index
    %get3A_1 = arith.constant 0 : index
    %get3A_2 = vector.load %arg1[%get3A, %get3A_0, %get3A_1] : memref<2x1000x128xf32, #tpu.memory_space<vmem>>, vector<2x1000x128xf32>
    %slice3A = vector.extract_strided_slice %get3A_2 {offsets = [0, 0, 0], sizes = [1, 1000, 128], strides = [1, 1, 1]} : vector<2x1000x128xf32> to vector<1x1000x128xf32>
    %squeeze3A = vector.shape_cast %slice3A : vector<1x1000x128xf32> to vector<1000x128xf32>
    %slice3A_3 = vector.extract_strided_slice %get3A_2 {offsets = [1, 0, 0], sizes = [1, 1000, 128], strides = [1, 1, 1]} : vector<2x1000x128xf32> to vector<1x1000x128xf32>
    %squeeze3A_4 = vector.shape_cast %slice3A_3 : vector<1x1000x128xf32> to vector<1000x128xf32>
    %concatenate3A = tpu.concatenate %squeeze3A, %squeeze3A_4 in 1 : vector<1000x128xf32>, vector<1000x128xf32> -> vector<1000x256xf32>
    %get3A_5 = arith.constant 0 : index
    %get3A_6 = arith.constant 0 : index
    %get3A_7 = vector.load %arg2[%get3A_5, %get3A_6] : memref<1000x256xf32, #tpu.memory_space<vmem>>, vector<1000x256xf32>
    %add3A = arith.addf %concatenate3A, %get3A_7 : vector<1000x256xf32>
    %get3A_8 = arith.constant 0 : index
    %get3A_9 = arith.constant 0 : index
    %get3A_10 = vector.load %arg3[%get3A_8, %get3A_9] : memref<1000x1xf32, #tpu.memory_space<vmem>>, vector<1000x1xf32>
    %mul3A = vector.broadcast %get3A_10 : vector<1000x1xf32> to vector<1000x256xf32>
    %mul3A_11 = arith.mulf %add3A, %mul3A : vector<1000x256xf32>
    %get3A_12 = arith.constant 0 : index
    %get3A_13 = arith.constant 0 : index
    %get3A_14 = vector.load %arg4[%get3A_12, %get3A_13] : memref<256x512xf32, #tpu.memory_space<vmem>>, vector<256x512xf32>
    %dot_general3A = arith.constant dense<0.000000e+00> : vector<1000x512xf32>
    %dot_general3A_15 = tpu.matmul %mul3A_11, %get3A_14, %dot_general3A {dimension_numbers = #tpu.dot_dimension_numbers<[1], [0], [0], [1], [0, 0, 1, 1], [], []>, precision = #tpu.contract_precision<fp32>, transpose_lhs_hint = false} : vector<1000x256xf32>, vector<256x512xf32>, vector<1000x512xf32> -> vector<1000x512xf32>
    %get3A_16 = arith.constant 0 : index
    %get3A_17 = arith.constant 0 : index
    %get3A_18 = vector.load %arg5[%get3A_16, %get3A_17] : memref<1x512xf32, #tpu.memory_space<vmem>>, vector<1x512xf32>
    %add3A_19 = vector.broadcast %get3A_18 : vector<1x512xf32> to vector<1000x512xf32>
    %add3A_20 = arith.addf %dot_general3A_15, %add3A_19 : vector<1000x512xf32>
    %max3A = arith.constant 0.000000e+00 : f32
    %max3A_21 = vector.broadcast %max3A : f32 to vector<1000x512xf32>
    %max3A_22 = arith.maximumf %add3A_20, %max3A_21 : vector<1000x512xf32>
    %get3A_23 = arith.constant 0 : index
    %get3A_24 = arith.constant 0 : index
    %get3A_25 = vector.load %arg6[%get3A_23, %get3A_24] : memref<512x256xf32, #tpu.memory_space<vmem>>, vector<512x256xf32>
    %dot_general3A_26 = arith.constant dense<0.000000e+00> : vector<1000x256xf32>
    %dot_general3A_27 = tpu.matmul %max3A_22, %get3A_25, %dot_general3A_26 {dimension_numbers = #tpu.dot_dimension_numbers<[1], [0], [0], [1], [0, 0, 1, 1], [], []>, precision = #tpu.contract_precision<fp32>, transpose_lhs_hint = false} : vector<1000x512xf32>, vector<512x256xf32>, vector<1000x256xf32> -> vector<1000x256xf32>
    %get3A_28 = arith.constant 0 : index
    %get3A_29 = arith.constant 0 : index
    %get3A_30 = vector.load %arg3[%get3A_28, %get3A_29] : memref<1000x1xf32, #tpu.memory_space<vmem>>, vector<1000x1xf32>
    %mul3A_31 = vector.broadcast %get3A_30 : vector<1000x1xf32> to vector<1000x256xf32>
    %mul3A_32 = arith.mulf %dot_general3A_27, %mul3A_31 : vector<1000x256xf32>
    %swap3A = arith.constant 0 : index
    %swap3A_33 = arith.constant 0 : index
    %swap3A_34 = vector.load %arg7[%swap3A, %swap3A_33] : memref<1000x256xf32, #tpu.memory_space<vmem>>, vector<1000x256xf32>
    tpu.vector_store %arg7[%swap3A, %swap3A_33], %mul3A_32 {strides = array<i32>} : memref<1000x256xf32, #tpu.memory_space<vmem>>, vector<1000x256xf32>,
    return
  }
  func.func @transform_0(%arg0: i32) -> (i32, i32, i32) {
    %c0_i32 = arith.constant 0 : i32
    %c0_i32_0 = arith.constant 0 : i32
    %c0_i32_1 = arith.constant 0 : i32
    return %c0_i32, %arg0, %c0_i32_0 : i32, i32, i32
  }
  func.func @transform_1(%arg0: i32) -> (i32, i32) {
    %c0_i32 = arith.constant 0 : i32
    %c0_i32_0 = arith.constant 0 : i32
    return %arg0, %c0_i32 : i32, i32
  }
  func.func @transform_2(%arg0: i32) -> (i32, i32) {
    %c0_i32 = arith.constant 0 : i32
    %c0_i32_0 = arith.constant 0 : i32
    return %arg0, %c0_i32 : i32, i32
  }
  func.func @transform_3(%arg0: i32) -> (i32, i32) {
    %c0_i32 = arith.constant 0 : i32
    %c0_i32_0 = arith.constant 0 : i32
    %c0_i32_1 = arith.constant 0 : i32
    return %c0_i32, %c0_i32_0 : i32, i32
  }
  func.func @transform_4(%arg0: i32) -> (i32, i32) {
    %c0_i32 = arith.constant 0 : i32
    %c0_i32_0 = arith.constant 0 : i32
    %c0_i32_1 = arith.constant 0 : i32
    return %c0_i32, %c0_i32_0 : i32, i32
  }
  func.func @transform_5(%arg0: i32) -> (i32, i32) {
    %c0_i32 = arith.constant 0 : i32
    %c0_i32_0 = arith.constant 0 : i32
    %c0_i32_1 = arith.constant 0 : i32
    return %c0_i32, %c0_i32_0 : i32, i32
  }
  func.func @transform_6(%arg0: i32) -> (i32, i32) {
    %c0_i32 = arith.constant 0 : i32
    %c0_i32_0 = arith.constant 0 : i32
    return %arg0, %c0_i32 : i32, i32
  }
}

module attributes {stable_mosaic.version = 14 : i64} {
  func.func @body(%arg0: i32, %arg1: memref<2x1000x128xf32, #tpu.memory_space<vmem>>, %arg2: memref<1000x256xf32, #tpu.memory_space<vmem>>, %arg3: memref<1000x1xf32, #tpu.memory_space<vmem>>, %arg4: memref<1x256xf32, #tpu.memory_space<vmem>>, %arg5: memref<1x256xf32, #tpu.memory_space<vmem>>) attributes {dimension_semantics = [#tpu.dimension_semantics<arbitrary>], iteration_bounds = array<i64: 10>, scalar_prefetch = 0 : i64, scratch_operands = 0 : i64, tpu.core_type = #tpu.core_type<tc>, window_params = [{transform_indices = @transform_0, window_bounds = array<i64: 2, 1000, 128>}, {transform_indices = @transform_1, window_bounds = array<i64: 1000, 256>}, {transform_indices = @transform_2, window_bounds = array<i64: 1000, 1>}, {pipeline_mode = #tpu.pipeline_mode<synchronous>, transform_indices = @transform_3, window_bounds = array<i64: 1, 256>}, {pipeline_mode = #tpu.pipeline_mode<synchronous>, transform_indices = @transform_4, window_bounds = array<i64: 1, 256>}]} {
    %get3A = arith.constant 0 : index
    %get3A_0 = arith.constant 0 : index
    %get3A_1 = arith.constant 0 : index
    %get3A_2 = vector.load %arg1[%get3A, %get3A_0, %get3A_1] : memref<2x1000x128xf32, #tpu.memory_space<vmem>>, vector<2x1000x128xf32>
    %slice3A = vector.extract_strided_slice %get3A_2 {offsets = [0, 0, 0], sizes = [1, 1000, 128], strides = [1, 1, 1]} : vector<2x1000x128xf32> to vector<1x1000x128xf32>
    %squeeze3A = vector.shape_cast %slice3A : vector<1x1000x128xf32> to vector<1000x128xf32>
    %slice3A_3 = vector.extract_strided_slice %get3A_2 {offsets = [1, 0, 0], sizes = [1, 1000, 128], strides = [1, 1, 1]} : vector<2x1000x128xf32> to vector<1x1000x128xf32>
    %squeeze3A_4 = vector.shape_cast %slice3A_3 : vector<1x1000x128xf32> to vector<1000x128xf32>
    %concatenate3A = tpu.concatenate %squeeze3A, %squeeze3A_4 in 1 : vector<1000x128xf32>, vector<1000x128xf32> -> vector<1000x256xf32>
    %get3A_5 = arith.constant 0 : index
    %get3A_6 = arith.constant 0 : index
    %get3A_7 = vector.load %arg2[%get3A_5, %get3A_6] : memref<1000x256xf32, #tpu.memory_space<vmem>>, vector<1000x256xf32>
    %add3A = arith.addf %concatenate3A, %get3A_7 : vector<1000x256xf32>
    %get3A_8 = arith.constant 0 : index
    %get3A_9 = arith.constant 0 : index
    %get3A_10 = vector.load %arg3[%get3A_8, %get3A_9] : memref<1000x1xf32, #tpu.memory_space<vmem>>, vector<1000x1xf32>
    %mul3A = vector.broadcast %get3A_10 : vector<1000x1xf32> to vector<1000x256xf32>
    %mul3A_11 = arith.mulf %add3A, %mul3A : vector<1000x256xf32>
    %get3A_12 = arith.constant 0 : index
    %get3A_13 = arith.constant 0 : index
    %get3A_14 = vector.load %arg4[%get3A_12, %get3A_13] : memref<1x256xf32, #tpu.memory_space<vmem>>, vector<1x256xf32>
    %add3A_15 = vector.broadcast %get3A_14 : vector<1x256xf32> to vector<1000x256xf32>
    %add3A_16 = arith.addf %mul3A_11, %add3A_15 : vector<1000x256xf32>
    %max3A = arith.constant 0.000000e+00 : f32
    %max3A_17 = vector.broadcast %max3A : f32 to vector<1000x256xf32>
    %max3A_18 = arith.maximumf %add3A_16, %max3A_17 : vector<1000x256xf32>
    %reduce_sum3A = arith.constant dense<0.000000e+00> : vector<256xf32>
    %reduce_sum3A_19 = vector.multi_reduction <add>, %max3A_18, %reduce_sum3A [0] : vector<1000x256xf32> to vector<256xf32>
    %broadcast_in_dim3A = vector.shape_cast %reduce_sum3A_19 : vector<256xf32> to vector<1x256xf32>
    %eq3A = arith.constant 0 : i32
    %eq3A_20 = arith.cmpi eq, %arg0, %eq3A : i32
    %convert_element_type3A = arith.extui %eq3A_20 : i1 to i32
    %cond3A = arith.constant 0 : i32
    %cond3A_21 = arith.cmpi ne, %convert_element_type3A, %cond3A : i32
    scf.if %cond3A_21 {
      %swap3A = arith.constant 0 : index
      %swap3A_31 = arith.constant 0 : index
      %swap3A_32 = vector.load %arg5[%swap3A, %swap3A_31] : memref<1x256xf32, #tpu.memory_space<vmem>>, vector<1x256xf32>
      tpu.vector_store %arg5[%swap3A, %swap3A_31], %broadcast_in_dim3A {strides = array<i32>} : memref<1x256xf32, #tpu.memory_space<vmem>>, vector<1x256xf32>,
    } else {
    }
    %gt3A = arith.constant 0 : i32
    %gt3A_22 = arith.cmpi sgt, %arg0, %gt3A : i32
    %convert_element_type3A_23 = arith.extui %gt3A_22 : i1 to i32
    %cond3A_24 = arith.constant 0 : i32
    %cond3A_25 = arith.cmpi ne, %convert_element_type3A_23, %cond3A_24 : i32
    scf.if %cond3A_25 {
      %get3A_31 = arith.constant 0 : index
      %get3A_32 = arith.constant 0 : index
      %get3A_33 = vector.load %arg5[%get3A_31, %get3A_32] : memref<1x256xf32, #tpu.memory_space<vmem>>, vector<1x256xf32>
      %add3A_34 = arith.addf %get3A_33, %broadcast_in_dim3A : vector<1x256xf32>
      %swap3A = arith.constant 0 : index
      %swap3A_35 = arith.constant 0 : index
      %swap3A_36 = vector.load %arg5[%swap3A, %swap3A_35] : memref<1x256xf32, #tpu.memory_space<vmem>>, vector<1x256xf32>
      tpu.vector_store %arg5[%swap3A, %swap3A_35], %add3A_34 {strides = array<i32>} : memref<1x256xf32, #tpu.memory_space<vmem>>, vector<1x256xf32>,
    } else {
    }
    %eq3A_26 = arith.constant 9 : i32
    %eq3A_27 = arith.cmpi eq, %arg0, %eq3A_26 : i32
    %convert_element_type3A_28 = arith.extui %eq3A_27 : i1 to i32
    %cond3A_29 = arith.constant 0 : i32
    %cond3A_30 = arith.cmpi ne, %convert_element_type3A_28, %cond3A_29 : i32
    scf.if %cond3A_30 {
      %get3A_31 = arith.constant 0 : index
      %get3A_32 = arith.constant 0 : index
      %get3A_33 = vector.load %arg5[%get3A_31, %get3A_32] : memref<1x256xf32, #tpu.memory_space<vmem>>, vector<1x256xf32>
      %mul3A_34 = arith.constant 9.99999974E-5 : f32
      %mul3A_35 = vector.broadcast %mul3A_34 : f32 to vector<1x256xf32>
      %mul3A_36 = arith.mulf %get3A_33, %mul3A_35 : vector<1x256xf32>
      %swap3A = arith.constant 0 : index
      %swap3A_37 = arith.constant 0 : index
      %swap3A_38 = vector.load %arg5[%swap3A, %swap3A_37] : memref<1x256xf32, #tpu.memory_space<vmem>>, vector<1x256xf32>
      tpu.vector_store %arg5[%swap3A, %swap3A_37], %mul3A_36 {strides = array<i32>} : memref<1x256xf32, #tpu.memory_space<vmem>>, vector<1x256xf32>,
    } else {
    }
    return
  }
  func.func @transform_0(%arg0: i32) -> (i32, i32, i32) {
    %c0_i32 = arith.constant 0 : i32
    %c0_i32_0 = arith.constant 0 : i32
    %c0_i32_1 = arith.constant 0 : i32
    return %c0_i32, %arg0, %c0_i32_0 : i32, i32, i32
  }
  func.func @transform_1(%arg0: i32) -> (i32, i32) {
    %c0_i32 = arith.constant 0 : i32
    %c0_i32_0 = arith.constant 0 : i32
    return %arg0, %c0_i32 : i32, i32
  }
  func.func @transform_2(%arg0: i32) -> (i32, i32) {
    %c0_i32 = arith.constant 0 : i32
    %c0_i32_0 = arith.constant 0 : i32
    return %arg0, %c0_i32 : i32, i32
  }
  func.func @transform_3(%arg0: i32) -> (i32, i32) {
    %c0_i32 = arith.constant 0 : i32
    %c0_i32_0 = arith.constant 0 : i32
    %c0_i32_1 = arith.constant 0 : i32
    return %c0_i32, %c0_i32_0 : i32, i32
  }
  func.func @transform_4(%arg0: i32) -> (i32, i32) {
    %c0_i32 = arith.constant 0 : i32
    %c0_i32_0 = arith.constant 0 : i32
    %c0_i32_1 = arith.constant 0 : i32
    return %c0_i32, %c0_i32_0 : i32, i32
  }
}

</mosaic_0001>

<sc_bundles>
// kernel: kernel.11.cloned.1.call-start
scs
__scs_entry_jumppad:
0x0: {  	(pc) =	sbr.rel $0x88, $3  }
0x1: {  	(tag) =	ssettag $0x0;
	lr =	simm.s32 $0x1  }
0x2: {  	[smem:$0x3F9B] =	sst lr;
	_ =	strace $0xD0000000  }
0x3: {  	_ = 	snop  }
0x4: {  	_ = 	snop  }
0x5: {  	_ = 	snop  }
0x6: {  	_ = 	snop  }
0x7: {  	_ = 	snop  }
__scs_overlays_trampoline_lowered:
0x8: {  	[smem:$0x3FAA] =	sst s0  }
0x9: {  	[smem:$0x3FAB] =	sst s1  }
0xa: {  	[smem:$0x3FAC] =	sst s2  }
0xb: {  	[smem:$0x3FAD] =	sst s3  }
0xc: {  	[smem:$0x3FAE] =	sst s4  }
0xd: {  	[smem:$0x3FAF] =	sst s5  }
0xe: {  	[smem:$0x3FB0] =	sst s6  }
0xf: {  	[smem:$0x3FB1] =	sst s7  }
0x10: {  	[smem:$0x3FB2] =	sst s8  }
0x11: {  	[smem:$0x3FB3] =	sst s9;
	s0 =	simm.s32 @!p0 $0x0  }
0x12: {  	s1 =	sld [smem:$0x3F99];
	s0 =	simm.s32 @p0 $0x1  }
0x13: {  	[smem:$0x3FB4] =	sst s0;
	s0 =	simm.s32 @!p1 $0x0  }
0x14: {  	s2 =	sld [smem:$0x3F98];
	s0 =	simm.s32 @p1 $0x1  }
0x15: {  	[smem:$0x3FB5] =	sst s0;
	s0 =	simm.s32 @!p2 $0x0  }
0x16: {  	s3 =	sld [smem:$0x3FDB];
	s0 =	simm.s32 @p2 $0x1  }
0x17: {  	s4 =	simm.s32 $0x1BF5;
	[smem:$0x3FB7] =	sst s0  }
0x18: {  	s0 =	sld [smem:$0x3F9A];
	_ =	swait.ge [sflag:s4], $0x0  }
0x19: {  	s7 =	sld [smem:$0x3F9B]  }
0x1a: {  	s8 =	sadd.s32 $0xFFFFE003, lr  }
0x1b: {  	s9 =	sadd.s32 $0xFFFFFEF7, lr;
	s5 =	simm.s32 $0xFFFFFFFF;
	p2 =	slt.u32 s8, $0xFFFFF086  }
0x1c: {  	p1 =	slt.u32 s9, $0xF7A;
	s5 =	simm.s32 @!p2 $0x0  }
0x1d: {  	s5 =	simm.s32 @p1 $0x1;
	p0 =	seq.s32 s7, s2  }
0x1e: {  	s7 =	smul.u32 @!p0 $0xF7A, s2;
	p2 =	seq.s32 @!p0 s5, $0x0  }
0x1f: {  	s9 =	smul.u32 $0xF7A, s1;
	s8 =	simm.s32 @!p0 $0x1BF5;
	p2 =	por !p2, p0  }
0x20: {  	[sflag:s8] =	ssyncset.s32 @!p0 $0xFFFFF086;
	s6 =	sadd.s32 @!p0 s3, s7;
	s7 =	simm.s32 @!p0 $0x108  }
0x21: {  	s3 =	sadd.s32 s3, s9;
	s6 =	sadd.s32 @!p0 $0x88, s6;
	s7 =	simm.s32 @p2 $0x1082  }
0x22: {  	[simem:s7], [sflag:s8] =	dma.local @!p0 [hbm:s6], $0xF7A  }
0x23: {  	s9 =	sor.u32 $0xD0000000, s2;
	s6 =	simm.s32 $0x108;
	_ =	swait.ge @!p0 [sflag:s8], $0x0  }
0x24: {  	s3 =	sadd.s32 $0x88, s3;
	s6 =	simm.s32 @!p1 $0x1082;
	[sflag:s4] =	ssyncset.s32 $0xFFFFF086  }
0x25: {  	[simem:s6], [sflag:s4] =	dma.local [hbm:s3], $0xF7A  }
0x26: {  	[smem:$0x3F9B] =	sst s1;
	(tag) =	ssettag s2;
	_ =	strace s9  }
0x27: {  	s1 =	sld [smem:$0x3FAB]  }
0x28: {  	s2 =	sld [smem:$0x3FAC]  }
0x29: {  	s4 =	sld [smem:$0x3FAE]  }
0x2a: {  	p0 =	seq.s32 s5, $0x0;
	s5 =	sld [smem:$0x3FAF]  }
0x2b: {  	s6 =	sld [smem:$0x3FB0]  }
0x2c: {  	s7 =	sld [smem:$0x3FB1]  }
0x2d: {  	s3 =	simm.s32 $0x108;
	s8 =	sld [smem:$0x3FB2]  }
0x2e: {  	s3 =	simm.s32 @!p0 $0x1082;
	s9 =	sld [smem:$0x3FB3]  }
0x2f: {  	lr =	sadd.s32 s0, s3;
	s0 =	sld [smem:$0x3FAA]  }
0x30: {  	s3 =	sld [smem:$0x3FAD]  }
0x31: {  	[smem:$0x3FB6] =	sst s10  }
0x32: {  	s10 =	sld [smem:$0x3FB4];
	_ =	sdelay $0x3  }
0x33: {  	p0 =	seq.s32 s10, $0x1;
	s10 =	sld [smem:$0x3FB6];
	_ =	sdelay $0x3  }
0x34: {  	[smem:$0x3FB6] =	sst s10  }
0x35: {  	s10 =	sld [smem:$0x3FB5];
	_ =	sdelay $0x3  }
0x36: {  	p1 =	seq.s32 s10, $0x1;
	s10 =	sld [smem:$0x3FB6];
	_ =	sdelay $0x3  }
0x37: {  	[smem:$0x3FB6] =	sst s10  }
0x38: {  	s10 =	sld [smem:$0x3FB7]  }
0x39: {  	_ = 	snop;
	(pc) =	sbr.ind lr, $3  }
0x3a: {  	_ = 	snop  }
0x3b: {  	_ = 	snop  }
0x3c: {  	p2 =	seq.s32 s10, $0x1;
	s10 =	sld [smem:$0x3FB6]  }
0x3d: {  	_ =	shalt  }
0x3e: {  	_ =	shalt  }
0x3f: {  	_ =	shalt  }
0x40: {  	_ =	shalt  }
0x41: {  	_ =	shalt  }
0x42: {  	_ =	shalt  }
0x43: {  	_ =	shalt  }
0x44: {  	_ =	shalt  }
0x45: {  	_ =	shalt  }
0x46: {  	_ =	shalt  }
0x47: {  	_ =	shalt  }
0x48: {  	_ =	shalt  }
0x49: {  	_ =	shalt  }
0x4a: {  	_ =	shalt  }
0x4b: {  	_ =	shalt  }
0x4c: {  	_ =	shalt  }
0x4d: {  	_ =	shalt  }
0x4e: {  	_ =	shalt  }
0x4f: {  	_ =	shalt  }
0x50: {  	_ =	shalt  }
0x51: {  	_ =	shalt  }
0x52: {  	_ =	shalt  }
0x53: {  	_ =	shalt  }
0x54: {  	_ =	shalt  }
0x55: {  	_ =	shalt  }
0x56: {  	_ =	shalt  }
0x57: {  	_ =	shalt  }
0x58: {  	_ =	shalt  }
0x59: {  	_ =	shalt  }
0x5a: {  	_ =	shalt  }
0x5b: {  	_ =	shalt  }
0x5c: {  	_ =	shalt  }
0x5d: {  	_ =	shalt  }
0x5e: {  	_ =	shalt  }
0x5f: {  	_ =	shalt  }
0x60: {  	_ =	shalt  }
0x61: {  	_ =	shalt  }
0x62: {  	_ =	shalt  }
0x63: {  	_ =	shalt  }
0x64: {  	_ =	shalt  }
0x65: {  	_ =	shalt  }
0x66: {  	_ =	shalt  }
0x67: {  	_ =	shalt  }
0x68: {  	_ =	shalt  }
0x69: {  	_ =	shalt  }
0x6a: {  	_ =	shalt  }
0x6b: {  	_ =	shalt  }
0x6c: {  	_ =	shalt  }
0x6d: {  	_ =	shalt  }
0x6e: {  	_ =	shalt  }
0x6f: {  	_ =	shalt  }
0x70: {  	_ =	shalt  }
0x71: {  	_ =	shalt  }
0x72: {  	_ =	shalt  }
0x73: {  	_ =	shalt  }
0x74: {  	_ =	shalt  }
0x75: {  	_ =	shalt  }
0x76: {  	_ =	shalt  }
0x77: {  	_ =	shalt  }
0x78: {  	_ =	shalt  }
0x79: {  	_ =	shalt  }
0x7a: {  	_ =	shalt  }
0x7b: {  	_ =	shalt  }
0x7c: {  	_ =	shalt  }
0x7d: {  	_ =	shalt  }
0x7e: {  	_ =	shalt  }
0x7f: {  	_ =	shalt  }
0x80: {  	_ =	shalt  }
0x81: {  	_ =	shalt  }
0x82: {  	_ =	shalt  }
0x83: {  	_ =	shalt  }
0x84: {  	_ =	shalt  }
0x85: {  	_ =	shalt  }
0x86: {  	_ =	shalt  }
0x87: {  	_ =	shalt  }
.Lfunc_end0:
.L_simem_size_0:
called_computation.1_lowered:
.L_overlay_start_0:
0x88: {  	s2 =	sld [smem:$0x3FD9]  }
0x89: {  	s3 =	sld [smem:$0x3FFE];
	_ =	sdelay $0x1  }
0x8a: {  	s1 =	srdreg.scid  }
0x8b: {  	s0 =	sand.u32 $0x1, s1  }
0x8c: {  	s16 =	sshll.u32 s0, $0xA;
	s2 =	sadd.s32 s3, s2  }
0x8d: {  	s2 =	sadd.s32 s2, s16  }
0x8e: {  	[smem:$0x3FC2] =	sst s2  }
0x8f: {  	_ = 	snop  }
0x90: {  	(tm) =	ssettm $0x1  }
0x91: {  	s17 =	sld [smem:$0x3FFB];
	_ =	sdelay $0x3  }
0x92: {  	_ =	strace s17  }
0x93: {  	s2 =	sld [smem:$0x3FFC];
	_ =	sdelay $0x3  }
0x94: {  	_ =	strace s2  }
0x95: {  	s2 =	sld [smem:$0x3FFD];
	_ =	sdelay $0x3  }
0x96: {  	_ =	strace s2  }
0x97: {  	_ =	strace $0x8FFFFFFF  }
0x98: {  	s18 =	sld [smem:$0x3FDB];
	_ =	sdelay $0x1  }
0x99: {  	s19 =	simm.s32 $_scs_section_size  }
0x9a: {  	s4 =	simm.s32 $_size__tile_overlayer_lowered;
	s5 =	simm.s32 $_tile_overlayer_lowered  }
0x9b: {  	s22 =	simm.s32 $0x1BFF;
	s21 =	sshll.u32 s5, $0x1;
	s2 =	sadd.s32 s19, s18  }
0x9c: {  	s6 =	simm.s32 $0x0;
	s20 =	sshll.u32 s4, $0x1;
	s4 =	sadd.s32 s21, s2  }
0x9d: {  	[timem:s6], [sflag:s22] =	dma.local [hbm:s4], s20  }
0x9e: {  	_ =	swait.ge [sflag:s22], s20  }
0x9f: {  	s3 =	ssub.s32 $0x0, s20;
	[sflag:s22] =	ssyncset.done $0x0  }
0xa0: {  	[sflag:s22] =	ssyncadd.s32 s3;
	_ =	sdelay $0x1  }
0xa1: {  	s23 =	simm.s32 $0x1B8B  }
0xa2: {  	_ =	swait.ge [sflag:s23], $0x1  }
0xa3: {  	[sflag:s23] =	ssyncset.done $0x0  }
0xa4: {  	s25 =	simm.s32 $0x1B8E;
	s24 =	sld [smem:$0x3FFE];
	[sflag:s23] =	ssyncadd.s32 $0xFFFFFFFF  }
0xa5: {  	s26 =	simm.s32 $execute0_lowered;
	[smem:$0x3FD2] =	sst s25  }
0xa6: {  	s4 =	sshll.u32 s26, $0x1;
	_ =	strace $0x80000049;
	[dreg:$0x1] =	wrdreg $0xFFFFFFFF  }
0xa7: {  	s28 =	simm.s32 $_size_execute0_lowered;
	s2 =	sadd.s32 s2, s4;
	[dreg:$0x0] =	wrdreg $0x0  }
0xa8: {  	s4 =	sshll.u32 s28, $0x1;
	[dreg:$0x2] =	wrdreg s2  }
0xa9: {  	[dreg:$0x3] =	wrdreg s4  }
0xaa: {  	[dreg:$0x4] =	wrdreg $0xC0  }
0xab: {  	_ =	task [dreg:s6], $0x5FFFF  }
0xac: {  	[dreg:$0x1] =	wrdreg $0xFFFFFFFF  }
0xad: {  	[dreg:$0x0] =	wrdreg $0x60  }
0xae: {  	[dreg:$0x2] =	wrdreg s24  }
0xaf: {  	[dreg:$0x3] =	wrdreg $0x88000  }
0xb0: {  	[dreg:$0x4] =	wrdreg $0x9  }
0xb1: {  	_ =	task.clear_ibuf [dreg:s6], $0x5FFFF;
	_ =	strace $0x90000049  }
0xb2: {  	s29 =	simm.s32 $0x9;
	_ =	strace $0x8000004B  }
0xb3: {  	_ =	swait.ge [sflag:s29], $0x1  }
0xb4: {  	[sflag:s29] =	ssyncadd.s32 $0xFFFFFFFF  }
0xb5: {  	_ =	strace $0x9000004B  }
0xb6: {  	_ =	sfence  }
0xb7: {  	s30 =	sld [smem:$0x0];
	_ =	sdelay $0x2  }
0xb8: {  	s31 =	sshll.u32 s1, $0xD;
	s1 =	sshrl.u32 s1, $0x2  }
0xb9: {  	s3 =	sand.u32 $0x4000, s31;
	s1 =	sadd.s32 s1, s30  }
0xba: {  	s0 =	sor.u32 s3, s0;
	s1 =	sshll.u32 s1, $0x11  }
0xbb: {  	s0 =	sor.u32 s1, s0  }
0xbc: {  	s0 =	sadd.s32 $0x8F2B, s0  }
0xbd: {  	[sflag:s0] =	ssyncadd.remote.s32 $0x1  }
0xbe: {  	_ =	sfence.sel $0xFFFF  }
0xbf: {  	[dreg:$0x0] =	wrdreg $0xFFFFFFFF;
	(pc) =	sbr.abs _section_cstart, $3  }
0xc0: {  	[dreg:$0x1] =	wrdreg $0xFFFFFFFF  }
0xc1: {  	_ =	task.clear_ibuf [dreg:s6], $0x2FFFF;
	_ =	strace $0x9FFFFFFF  }
0xc2: {  	(tm) =	ssettm $0x7FFFFFFF  }
0xc3: {  	_ =	shalt  }
tec
execute0_lowered:
.L_overlay_start_1:
0x0: {  	(tag) =	ssettag $0x1  }
0x1: {  	s0 =	rddreg [dreg:$0x0]  }
0x2: {  	s1 =	srdreg.scid;
	s2 =	rddreg [dreg:$0x1]  }
0x3: {  	s8 =	stileid.u32;
	s3 =	simm.s32 $0x0;
	s20 =	simm.s32 $0xC0  }
0x4: {  	s21 =	simm.s32 $0x400;
	s22 =	simm.s32 $0x100;
	s23 =	simm.s32 $0x140  }
0x5: {  	s24 =	simm.s32 $0x480;
	s29 =	simm.s32 $0x200;
	s5 =	smul.u32 $0x5000, s8  }
0x6: {  	s30 =	simm.s32 $0x240;
	s31 =	simm.s32 $0x580;
	s6 =	smul.u32 $0x50000, s8  }
0x7: {  	s1 =	sand.u32 $0x1, s1;
	[smem:$0x7FF] =	sst s3;
	s8 =	smul.u32 $0x14000, s8  }
0x8: {  	s4 =	smul.u32 $0x50000, s1;
	_ =	strace $0x8000004A;
	[dreg:$0x4] =	wrdreg s20  }
0x9: {  	s7 =	ssub.s32 $0x2, s1;
	s1 =	smul.u32 $0x140000, s1;
	[dreg:$0x5] =	wrdreg s21  }
0xa: {  	s20 =	simm.s32 $0x80;
	s21 =	simm.s32 $0x4800;
	[dreg:$0x6] =	wrdreg s22  }
0xb: {  	s22 =	simm.s32 $0x6800;
	[dreg:$0x7] =	wrdreg s23;
	s23 =	simm.s32 $0x1  }
0xc: {  	[dreg:$0x8] =	wrdreg s24;
	s24 =	simm.s32 $0x3;
	s9 =	sshrl.u32 s7, $0x1  }
0xd: {  	s6 =	sshrl.u32 s6, $0x2;
	s25 =	sadd.s32 $0x4000, s8;
	s26 =	sadd.s32 $0x8000, s8  }
0xe: {  	s10 =	sadd.s32 $0xC000, s8;
	s14 =	sadd.s32 $0x10000, s8;
	s5 =	sadd.s32 s5, s4  }
0xf: {  	s4 =	sadd.s32 $0x72400, s0;
	s7 =	ssub.s32 s7, s9;
	s28 =	sadd.s32 s6, s2  }
0x10: {  	s11 =	sadd.s32 s25, s2;
	s12 =	sadd.s32 s26, s2;
	s13 =	sadd.s32 s10, s2  }
0x11: {  	s8 =	sadd.s32 s8, s1;
	s6 =	sadd.s32 s1, s25;
	s15 =	sadd.s32 s1, s26  }
0x12: {  	s16 =	sadd.s32 s1, s10;
	s1 =	sadd.s32 s1, s14;
	[dreg:$0xc] =	wrdreg s11  }
0x13: {  	s25 =	simm.s32 $0x180;
	s26 =	simm.s32 $0x1C0;
	[dreg:$0xd] =	wrdreg s12  }
0x14: {  	s10 =	simm.s32 $0x600;
	s5 =	sshrl.u32 s5, $0x3;
	[dreg:$0xe] =	wrdreg s13  }
0x15: {  	s12 =	sadd.s32 s14, s2;
	s8 =	sshrl.u32 s8, $0x3;
	s6 =	sshrl.u32 s6, $0x3  }
0x16: {  	s17 =	sshrl.u32 s16, $0x3;
	s1 =	sshrl.u32 s1, $0x3;
	[dreg:$0x9] =	wrdreg s25  }
0x17: {  	s19 =	smax.u32 s7, $0x1;
	s16 =	simm.s32 $0x800;
	[dreg:$0xa] =	wrdreg s26  }
0x18: {  	s25 =	simm.s32 $0x2;
	s26 =	simm.s32 $0x4;
	s11 =	simm.s32 $0x300  }
0x19: {  	s13 =	simm.s32 $0x680;
	s14 =	simm.s32 $0x380;
	[dreg:$0xb] =	wrdreg s28  }
0x1a: {  	s5 =	sadd.s32 s5, s0;
	s0 =	sadd.s32 $0xC0600, s0;
	[dreg:$0xf] =	wrdreg s12  }
0x1b: {  	[dreg:$0x15] =	wrdreg s19;
	s19 =	simm.s32 $0x2800;
	s8 =	sadd.s32 s0, s8  }
0x1c: {  	s12 =	simm.s32 $0x340;
	s6 =	sadd.s32 s0, s6;
	[dreg:$0x10] =	wrdreg s8  }
0x1d: {  	s18 =	sadd.s32 $0x10200, s5;
	s5 =	simm.s32 $0x700;
	[dreg:$0x11] =	wrdreg s6  }
0x1e: {  	s6 =	sshrl.u32 s15, $0x3;
	[dreg:$0x3] =	wrdreg s18;
	s18 =	simm.s32 $0x40  }
0x1f: {  	s15 =	simm.s32 $0x3C0;
	s8 =	simm.s32 $0x0;
	s6 =	sadd.s32 s0, s6  }
0x20: {  	[dreg:$0x12] =	wrdreg s6;
	s6 =	sadd.s32 s0, s17;
	s0 =	sadd.s32 s0, s1  }
0x21: {  	s17 =	simm.s32 $0x5;
	s1 =	simm.s32 $0x2C0;
	[dreg:$0x13] =	wrdreg s6  }
0x22: {  	v0 =	vimm.f32 $0.0e+00;
	[dreg:$0x14] =	wrdreg s0;
	s0 =	simm.s32 $0x280;
	s6 =	simm.s32 $0x780  }
.LBB2_1:
0x23: {  	[dreg:$0x16] =	wrdreg s8;
	s8 =	simm.s32 $0x0;
	s9 =	simm.s32 $0x200  }
.LBB2_2:
0x24: {  	p0 =	sne.s32 s9, $0xFE00;
	[tilespmem:s8+$0x870] =	vst v0  }
0x25: {  	[tilespmem:s8+$0x800] =	vst v0  }
0x26: {  	[tilespmem:s8+$0x810] =	vst v0  }
.Ltmp0:
0x27: {  	[tilespmem:s8+$0x820] =	vst v0;
	(pc) =	sbr.rel @p0 .LBB2_2-.Ltmp0, $4  }
0x28: {  	[tilespmem:s8+$0x830] =	vst v0  }
0x29: {  	[tilespmem:s8+$0x840] =	vst v0  }
0x2a: {  	[tilespmem:s8+$0x850] =	vst v0  }
0x2b: {  	[tilespmem:s8+$0x860] =	vst v0;
	s8 =	sshra.s32 s9, $0x2;
	s9 =	sadd.s32 $0x200, s9  }
0x2c: {  	[tilespmem:s8+$0x870] =	vst v0  }
0x2d: {  	[tilespmem:s8+$0x800] =	vst v0  }
0x2e: {  	[tilespmem:s8+$0x810] =	vst v0  }
0x2f: {  	[tilespmem:s8+$0x820] =	vst v0  }
0x30: {  	[tilespmem:s8+$0x830] =	vst v0  }
0x31: {  	[tilespmem:s8+$0x840] =	vst v0  }
0x32: {  	[tilespmem:s8+$0x850] =	vst v0  }
0x33: {  	[tilespmem:s8+$0x860] =	vst v0  }
0x34: {  	[spmem:s28] =	stream.linear.scatter [tilespmem:s16], [sflag:$0x5], $0x4000, $0x38;
	[tilespmem:$0x1C800] =	vst v63  }
0x35: {  	_ =	swait.ge [sflag:s17], $0x4000  }
0x36: {  	[sflag:s17] =	ssyncset.done $0x0  }
0x37: {  	s7 =	rddreg [dreg:$0xc];
	[sflag:s17] =	ssyncadd.s32 $0xFFFFC000  }
0x38: {  	[spmem:s7] =	stream.linear.scatter [tilespmem:s16], [sflag:$0x5], $0x4000, $0x38;
	[tilespmem:$0x1C800] =	vst v63  }
0x39: {  	_ =	swait.ge [sflag:s17], $0x4000  }
0x3a: {  	[sflag:s17] =	ssyncset.done $0x0  }
0x3b: {  	s8 =	rddreg [dreg:$0xd];
	[sflag:s17] =	ssyncadd.s32 $0xFFFFC000  }
0x3c: {  	[spmem:s8] =	stream.linear.scatter [tilespmem:s16], [sflag:$0x5], $0x4000, $0x38;
	[tilespmem:$0x1C800] =	vst v63  }
0x3d: {  	_ =	swait.ge [sflag:s17], $0x4000  }
0x3e: {  	[sflag:s17] =	ssyncset.done $0x0  }
0x3f: {  	s9 =	rddreg [dreg:$0xe];
	[sflag:s17] =	ssyncadd.s32 $0xFFFFC000  }
0x40: {  	[spmem:s9] =	stream.linear.scatter [tilespmem:s16], [sflag:$0x5], $0x4000, $0x38;
	[tilespmem:$0x1C800] =	vst v63  }
0x41: {  	_ =	swait.ge [sflag:s17], $0x4000  }
0x42: {  	[sflag:s17] =	ssyncset.done $0x0  }
0x43: {  	s28 =	rddreg [dreg:$0xf];
	[sflag:s17] =	ssyncadd.s32 $0xFFFFC000  }
0x44: {  	[spmem:s28] =	stream.linear.scatter [tilespmem:s16], [sflag:$0x5], $0x4000, $0x38;
	[tilespmem:$0x1C800] =	vst v63  }
0x45: {  	_ =	swait.ge [sflag:s17], $0x4000  }
0x46: {  	[sflag:s17] =	ssyncset.done $0x0  }
0x47: {  	[sflag:s17] =	ssyncadd.s32 $0xFFFFC000  }
0x48: {  	[bflag:$0x0] =	sbarrier.arrive $0xFFFF  }
0x49: {  	s8 =	rddreg [dreg:$0x3]  }
0x4a: {  	s7 =	sadd.s32 $0x0, s8  }
0x4b: {  	[tilespmem:s3], [sflag:$0x5] =	stream.linear.gather [hbm4b:s7+s3], $0x800, $0x38;
	[tilespmem:$0x1C800] =	vst v63  }
0x4c: {  	_ =	swait.ge [sflag:s17], $0x800  }
0x4d: {  	[sflag:s17] =	ssyncset.done $0x0  }
0x4e: {  	[sflag:s17] =	ssyncadd.s32 $0xFFFFF800  }
0x4f: {  	[tilespmem:s16], [sflag:$0x1] =	stream.indirect.gather [hbm4b:s4+s18], $0x80, s3, s18, $0xb8;
	[tilespmem:$0x1C800] =	vst v63  }
0x50: {  	_ = 	snop  }
0x51: {  	[tilespmem:s19], [sflag:$0x3] =	stream.indirect.gather [hbm4b:s4+s18], $0x80, s18, s18, $0xb8;
	[tilespmem:$0x1C800] =	vst v63  }
0x52: {  	_ = 	snop  }
0x53: {  	[tilespmem:s21], [sflag:$0x2] =	stream.indirect.gather [hbm4b:s4+s18], $0x80, s20, s18, $0xb8;
	[tilespmem:$0x1C800] =	vst v63  }
0x54: {  	s9 =	rddreg [dreg:$0x4]  }
0x55: {  	[tilespmem:s22], [sflag:$0x4] =	stream.indirect.gather [hbm4b:s4+s18], $0x80, s9, s18, $0xb8;
	[tilespmem:$0x1C800] =	vst v63  }
0x56: {  	_ =	swait.ge [sflag:s23], $0x2000  }
0x57: {  	[sflag:s23] =	ssyncset.done $0x0  }
0x58: {  	[sflag:s23] =	ssyncadd.s32 $0xFFFFE000  }
0x59: {  	_ =	swait.ge [sflag:s24], $0x2000  }
0x5a: {  	[sflag:s24] =	ssyncset.done $0x0  }
0x5b: {  	s28 =	rddreg [dreg:$0x5];
	[sflag:s24] =	ssyncadd.s32 $0xFFFFE000  }
0x5c: {  	[spmem:s2] =	stream.indirect.scatter.add.f32 [tilespmem:s16], [sflag:$0x5], $0x80, s28, s20, $0xb8;
	[tilespmem:$0x1C800] =	vst v63  }
0x5d: {  	_ =	swait.ge [sflag:s17], $0x4000  }
0x5e: {  	[sflag:s17] =	ssyncset.done $0x0  }
0x5f: {  	s8 =	rddreg [dreg:$0x6];
	[sflag:s17] =	ssyncadd.s32 $0xFFFFC000  }
0x60: {  	[tilespmem:s16], [sflag:$0x1] =	stream.indirect.gather [hbm4b:s4+s18], $0x80, s8, s18, $0xb8;
	[tilespmem:$0x1C800] =	vst v63  }
0x61: {  	s9 =	rddreg [dreg:$0x7]  }
0x62: {  	[tilespmem:s19], [sflag:$0x3] =	stream.indirect.gather [hbm4b:s4+s18], $0x80, s9, s18, $0xb8;
	[tilespmem:$0x1C800] =	vst v63  }
0x63: {  	_ =	swait.ge [sflag:s25], $0x2000  }
0x64: {  	[sflag:s25] =	ssyncset.done $0x0  }
0x65: {  	[sflag:s25] =	ssyncadd.s32 $0xFFFFE000  }
0x66: {  	_ =	swait.ge [sflag:s26], $0x2000  }
0x67: {  	[sflag:s26] =	ssyncset.done $0x0  }
0x68: {  	s28 =	rddreg [dreg:$0x8];
	[sflag:s26] =	ssyncadd.s32 $0xFFFFE000  }
0x69: {  	[spmem:s2] =	stream.indirect.scatter.add.f32 [tilespmem:s21], [sflag:$0x5], $0x80, s28, s20, $0xb8;
	[tilespmem:$0x1C800] =	vst v63  }
0x6a: {  	_ =	swait.ge [sflag:s17], $0x4000  }
0x6b: {  	[sflag:s17] =	ssyncset.done $0x0  }
0x6c: {  	s8 =	rddreg [dreg:$0x9];
	[sflag:s17] =	ssyncadd.s32 $0xFFFFC000  }
0x6d: {  	[tilespmem:s21], [sflag:$0x2] =	stream.indirect.gather [hbm4b:s4+s18], $0x80, s8, s18, $0xb8;
	[tilespmem:$0x1C800] =	vst v63  }
0x6e: {  	s9 =	rddreg [dreg:$0xa]  }
0x6f: {  	[tilespmem:s22], [sflag:$0x4] =	stream.indirect.gather [hbm4b:s4+s18], $0x80, s9, s18, $0xb8;
	[tilespmem:$0x1C800] =	vst v63  }
0x70: {  	_ =	swait.ge [sflag:s23], $0x2000  }
0x71: {  	[sflag:s23] =	ssyncset.done $0x0  }
0x72: {  	[sflag:s23] =	ssyncadd.s32 $0xFFFFE000  }
0x73: {  	_ =	swait.ge [sflag:s24], $0x2000  }
0x74: {  	[sflag:s24] =	ssyncset.done $0x0  }
0x75: {  	s28 =	simm.s32 $0x500;
	[sflag:s24] =	ssyncadd.s32 $0xFFFFE000  }
0x76: {  	[spmem:s2] =	stream.indirect.scatter.add.f32 [tilespmem:s16], [sflag:$0x5], $0x80, s28, s20, $0xb8;
	[tilespmem:$0x1C800] =	vst v63  }
0x77: {  	_ =	swait.ge [sflag:s17], $0x4000  }
0x78: {  	[sflag:s17] =	ssyncset.done $0x0  }
0x79: {  	[sflag:s17] =	ssyncadd.s32 $0xFFFFC000  }
0x7a: {  	[tilespmem:s16], [sflag:$0x1] =	stream.indirect.gather [hbm4b:s4+s18], $0x80, s29, s18, $0xb8;
	[tilespmem:$0x1C800] =	vst v63  }
0x7b: {  	_ = 	snop  }
0x7c: {  	[tilespmem:s19], [sflag:$0x3] =	stream.indirect.gather [hbm4b:s4+s18], $0x80, s30, s18, $0xb8;
	[tilespmem:$0x1C800] =	vst v63  }
0x7d: {  	_ =	swait.ge [sflag:s25], $0x2000  }
0x7e: {  	[sflag:s25] =	ssyncset.done $0x0  }
0x7f: {  	[sflag:s25] =	ssyncadd.s32 $0xFFFFE000  }
0x80: {  	_ =	swait.ge [sflag:s26], $0x2000  }
0x81: {  	[sflag:s26] =	ssyncset.done $0x0  }
0x82: {  	[sflag:s26] =	ssyncadd.s32 $0xFFFFE000  }
0x83: {  	[spmem:s2] =	stream.indirect.scatter.add.f32 [tilespmem:s21], [sflag:$0x5], $0x80, s31, s20, $0xb8;
	[tilespmem:$0x1C800] =	vst v63  }
0x84: {  	_ =	swait.ge [sflag:s17], $0x4000  }
0x85: {  	[sflag:s17] =	ssyncset.done $0x0  }
0x86: {  	[sflag:s17] =	ssyncadd.s32 $0xFFFFC000  }
0x87: {  	[tilespmem:s21], [sflag:$0x2] =	stream.indirect.gather [hbm4b:s4+s18], $0x80, s0, s18, $0xb8;
	[tilespmem:$0x1C800] =	vst v63  }
0x88: {  	_ = 	snop  }
0x89: {  	[tilespmem:s22], [sflag:$0x4] =	stream.indirect.gather [hbm4b:s4+s18], $0x80, s1, s18, $0xb8;
	[tilespmem:$0x1C800] =	vst v63  }
0x8a: {  	_ =	swait.ge [sflag:s23], $0x2000  }
0x8b: {  	[sflag:s23] =	ssyncset.done $0x0  }
0x8c: {  	[sflag:s23] =	ssyncadd.s32 $0xFFFFE000  }
0x8d: {  	_ =	swait.ge [sflag:s24], $0x2000  }
0x8e: {  	[sflag:s24] =	ssyncset.done $0x0  }
0x8f: {  	[sflag:s24] =	ssyncadd.s32 $0xFFFFE000  }
0x90: {  	[spmem:s2] =	stream.indirect.scatter.add.f32 [tilespmem:s16], [sflag:$0x5], $0x80, s10, s20, $0xb8;
	[tilespmem:$0x1C800] =	vst v63  }
0x91: {  	_ =	swait.ge [sflag:s17], $0x4000  }
0x92: {  	[sflag:s17] =	ssyncset.done $0x0  }
0x93: {  	[sflag:s17] =	ssyncadd.s32 $0xFFFFC000  }
0x94: {  	[tilespmem:s16], [sflag:$0x1] =	stream.indirect.gather [hbm4b:s4+s18], $0x80, s11, s18, $0xb8;
	[tilespmem:$0x1C800] =	vst v63  }
0x95: {  	_ = 	snop  }
0x96: {  	[tilespmem:s19], [sflag:$0x3] =	stream.indirect.gather [hbm4b:s4+s18], $0x80, s12, s18, $0xb8;
	[tilespmem:$0x1C800] =	vst v63  }
0x97: {  	_ =	swait.ge [sflag:s25], $0x2000  }
0x98: {  	[sflag:s25] =	ssyncset.done $0x0  }
0x99: {  	[sflag:s25] =	ssyncadd.s32 $0xFFFFE000  }
0x9a: {  	_ =	swait.ge [sflag:s26], $0x2000  }
0x9b: {  	[sflag:s26] =	ssyncset.done $0x0  }
0x9c: {  	[sflag:s26] =	ssyncadd.s32 $0xFFFFE000  }
0x9d: {  	[spmem:s2] =	stream.indirect.scatter.add.f32 [tilespmem:s21], [sflag:$0x5], $0x80, s13, s20, $0xb8;
	[tilespmem:$0x1C800] =	vst v63  }
0x9e: {  	_ =	swait.ge [sflag:s17], $0x4000  }
0x9f: {  	[sflag:s17] =	ssyncset.done $0x0  }
0xa0: {  	[sflag:s17] =	ssyncadd.s32 $0xFFFFC000  }
0xa1: {  	[tilespmem:s21], [sflag:$0x2] =	stream.indirect.gather [hbm4b:s4+s18], $0x80, s14, s18, $0xb8;
	[tilespmem:$0x1C800] =	vst v63  }
0xa2: {  	_ = 	snop  }
0xa3: {  	[tilespmem:s22], [sflag:$0x4] =	stream.indirect.gather [hbm4b:s4+s18], $0x80, s15, s18, $0xb8;
	[tilespmem:$0x1C800] =	vst v63  }
0xa4: {  	_ =	swait.ge [sflag:s23], $0x2000  }
0xa5: {  	[sflag:s23] =	ssyncset.done $0x0  }
0xa6: {  	[sflag:s23] =	ssyncadd.s32 $0xFFFFE000  }
0xa7: {  	_ =	swait.ge [sflag:s24], $0x2000  }
0xa8: {  	[sflag:s24] =	ssyncset.done $0x0  }
0xa9: {  	[sflag:s24] =	ssyncadd.s32 $0xFFFFE000  }
0xaa: {  	[spmem:s2] =	stream.indirect.scatter.add.f32 [tilespmem:s16], [sflag:$0x5], $0x80, s5, s20, $0xb8;
	[tilespmem:$0x1C800] =	vst v63  }
0xab: {  	_ =	swait.ge [sflag:s17], $0x4000  }
0xac: {  	[sflag:s17] =	ssyncset.done $0x0  }
0xad: {  	[sflag:s17] =	ssyncadd.s32 $0xFFFFC000  }
0xae: {  	_ =	swait.ge [sflag:s25], $0x2000  }
0xaf: {  	[sflag:s25] =	ssyncset.done $0x0  }
0xb0: {  	[sflag:s25] =	ssyncadd.s32 $0xFFFFE000  }
0xb1: {  	_ =	swait.ge [sflag:s26], $0x2000  }
0xb2: {  	[sflag:s26] =	ssyncset.done $0x0  }
0xb3: {  	[sflag:s26] =	ssyncadd.s32 $0xFFFFE000  }
0xb4: {  	[spmem:s2] =	stream.indirect.scatter.add.f32 [tilespmem:s21], [sflag:$0x5], $0x80, s6, s20, $0xb8;
	[tilespmem:$0x1C800] =	vst v63  }
0xb5: {  	s8 =	simm.s32 $0x100;
	_ =	swait.ge [sflag:s17], $0x4000  }
0xb6: {  	s9 =	simm.s32 $0x200;
	s7 =	rddreg [dreg:$0x3];
	[sflag:s17] =	ssyncset.done $0x0  }
.LBB2_4:
0xb7: {  	[sflag:s17] =	ssyncadd.s32 $0xFFFFC000;
	s7 =	sadd.s32 s8, s7  }
0xb8: {  	[tilespmem:s3], [sflag:$0x5] =	stream.linear.gather [hbm4b:s7+s3], $0x800, $0x38;
	[tilespmem:$0x1C800] =	vst v63  }
0xb9: {  	_ =	swait.ge [sflag:s17], $0x800  }
0xba: {  	[sflag:s17] =	ssyncset.done $0x0  }
0xbb: {  	[sflag:s17] =	ssyncadd.s32 $0xFFFFF800  }
0xbc: {  	[tilespmem:s16], [sflag:$0x1] =	stream.indirect.gather [hbm4b:s4+s18], $0x80, s3, s18, $0xb8;
	[tilespmem:$0x1C800] =	vst v63  }
0xbd: {  	_ = 	snop  }
0xbe: {  	[tilespmem:s19], [sflag:$0x3] =	stream.indirect.gather [hbm4b:s4+s18], $0x80, s18, s18, $0xb8;
	[tilespmem:$0x1C800] =	vst v63  }
0xbf: {  	_ = 	snop  }
0xc0: {  	[tilespmem:s21], [sflag:$0x2] =	stream.indirect.gather [hbm4b:s4+s18], $0x80, s20, s18, $0xb8;
	[tilespmem:$0x1C800] =	vst v63  }
0xc1: {  	s7 =	rddreg [dreg:$0x4]  }
0xc2: {  	[tilespmem:s22], [sflag:$0x4] =	stream.indirect.gather [hbm4b:s4+s18], $0x80, s7, s18, $0xb8;
	[tilespmem:$0x1C800] =	vst v63  }
0xc3: {  	_ =	swait.ge [sflag:s23], $0x2000  }
0xc4: {  	[sflag:s23] =	ssyncset.done $0x0  }
0xc5: {  	[sflag:s23] =	ssyncadd.s32 $0xFFFFE000  }
0xc6: {  	_ =	swait.ge [sflag:s24], $0x2000  }
0xc7: {  	[sflag:s24] =	ssyncset.done $0x0  }
0xc8: {  	s7 =	rddreg [dreg:$0x5];
	[sflag:s24] =	ssyncadd.s32 $0xFFFFE000  }
0xc9: {  	[spmem:s2] =	stream.indirect.scatter.add.f32 [tilespmem:s16], [sflag:$0x5], $0x80, s7, s20, $0xb8;
	[tilespmem:$0x1C800] =	vst v63  }
0xca: {  	_ =	swait.ge [sflag:s17], $0x4000  }
0xcb: {  	[sflag:s17] =	ssyncset.done $0x0  }
0xcc: {  	s28 =	smov.u32 s9;
	s7 =	rddreg [dreg:$0x6];
	[sflag:s17] =	ssyncadd.s32 $0xFFFFC000  }
0xcd: {  	[tilespmem:s16], [sflag:$0x1] =	stream.indirect.gather [hbm4b:s4+s18], $0x80, s7, s18, $0xb8;
	[tilespmem:$0x1C800] =	vst v63  }
0xce: {  	s8 =	smov.u32 s28;
	s28 =	rddreg [dreg:$0x7]  }
0xcf: {  	[tilespmem:s19], [sflag:$0x3] =	stream.indirect.gather [hbm4b:s4+s18], $0x80, s28, s18, $0xb8;
	[tilespmem:$0x1C800] =	vst v63  }
0xd0: {  	_ =	swait.ge [sflag:s25], $0x2000  }
0xd1: {  	[sflag:s25] =	ssyncset.done $0x0  }
0xd2: {  	[sflag:s25] =	ssyncadd.s32 $0xFFFFE000  }
0xd3: {  	_ =	swait.ge [sflag:s26], $0x2000  }
0xd4: {  	[sflag:s26] =	ssyncset.done $0x0  }
0xd5: {  	s7 =	rddreg [dreg:$0x8];
	[sflag:s26] =	ssyncadd.s32 $0xFFFFE000  }
0xd6: {  	[spmem:s2] =	stream.indirect.scatter.add.f32 [tilespmem:s21], [sflag:$0x5], $0x80, s7, s20, $0xb8;
	[tilespmem:$0x1C800] =	vst v63  }
0xd7: {  	_ =	swait.ge [sflag:s17], $0x4000  }
0xd8: {  	[sflag:s17] =	ssyncset.done $0x0  }
0xd9: {  	s7 =	rddreg [dreg:$0x9];
	[sflag:s17] =	ssyncadd.s32 $0xFFFFC000  }
0xda: {  	[tilespmem:s21], [sflag:$0x2] =	stream.indirect.gather [hbm4b:s4+s18], $0x80, s7, s18, $0xb8;
	[tilespmem:$0x1C800] =	vst v63  }
0xdb: {  	s28 =	rddreg [dreg:$0xa]  }
0xdc: {  	[tilespmem:s22], [sflag:$0x4] =	stream.indirect.gather [hbm4b:s4+s18], $0x80, s28, s18, $0xb8;
	[tilespmem:$0x1C800] =	vst v63  }
0xdd: {  	_ =	swait.ge [sflag:s23], $0x2000  }
0xde: {  	[sflag:s23] =	ssyncset.done $0x0  }
0xdf: {  	[sflag:s23] =	ssyncadd.s32 $0xFFFFE000  }
0xe0: {  	_ =	swait.ge [sflag:s24], $0x2000  }
0xe1: {  	[sflag:s24] =	ssyncset.done $0x0  }
0xe2: {  	s28 =	simm.s32 $0x500;
	[sflag:s24] =	ssyncadd.s32 $0xFFFFE000  }
0xe3: {  	[spmem:s2] =	stream.indirect.scatter.add.f32 [tilespmem:s16], [sflag:$0x5], $0x80, s28, s20, $0xb8;
	[tilespmem:$0x1C800] =	vst v63  }
0xe4: {  	_ =	swait.ge [sflag:s17], $0x4000  }
0xe5: {  	[sflag:s17] =	ssyncset.done $0x0  }
0xe6: {  	[sflag:s17] =	ssyncadd.s32 $0xFFFFC000  }
0xe7: {  	[tilespmem:s16], [sflag:$0x1] =	stream.indirect.gather [hbm4b:s4+s18], $0x80, s29, s18, $0xb8;
	[tilespmem:$0x1C800] =	vst v63  }
0xe8: {  	_ = 	snop  }
0xe9: {  	[tilespmem:s19], [sflag:$0x3] =	stream.indirect.gather [hbm4b:s4+s18], $0x80, s30, s18, $0xb8;
	[tilespmem:$0x1C800] =	vst v63  }
0xea: {  	_ =	swait.ge [sflag:s25], $0x2000  }
0xeb: {  	[sflag:s25] =	ssyncset.done $0x0  }
0xec: {  	[sflag:s25] =	ssyncadd.s32 $0xFFFFE000  }
0xed: {  	_ =	swait.ge [sflag:s26], $0x2000  }
0xee: {  	[sflag:s26] =	ssyncset.done $0x0  }
0xef: {  	[sflag:s26] =	ssyncadd.s32 $0xFFFFE000  }
0xf0: {  	[spmem:s2] =	stream.indirect.scatter.add.f32 [tilespmem:s21], [sflag:$0x5], $0x80, s31, s20, $0xb8;
	[tilespmem:$0x1C800] =	vst v63  }
0xf1: {  	_ =	swait.ge [sflag:s17], $0x4000  }
0xf2: {  	[sflag:s17] =	ssyncset.done $0x0  }
0xf3: {  	[sflag:s17] =	ssyncadd.s32 $0xFFFFC000  }
0xf4: {  	[tilespmem:s21], [sflag:$0x2] =	stream.indirect.gather [hbm4b:s4+s18], $0x80, s0, s18, $0xb8;
	[tilespmem:$0x1C800] =	vst v63  }
0xf5: {  	_ = 	snop  }
0xf6: {  	[tilespmem:s22], [sflag:$0x4] =	stream.indirect.gather [hbm4b:s4+s18], $0x80, s1, s18, $0xb8;
	[tilespmem:$0x1C800] =	vst v63  }
0xf7: {  	_ =	swait.ge [sflag:s23], $0x2000  }
0xf8: {  	[sflag:s23] =	ssyncset.done $0x0  }
0xf9: {  	[sflag:s23] =	ssyncadd.s32 $0xFFFFE000  }
0xfa: {  	_ =	swait.ge [sflag:s24], $0x2000  }
0xfb: {  	[sflag:s24] =	ssyncset.done $0x0  }
0xfc: {  	[sflag:s24] =	ssyncadd.s32 $0xFFFFE000  }
0xfd: {  	[spmem:s2] =	stream.indirect.scatter.add.f32 [tilespmem:s16], [sflag:$0x5], $0x80, s10, s20, $0xb8;
	[tilespmem:$0x1C800] =	vst v63  }
0xfe: {  	_ =	swait.ge [sflag:s17], $0x4000  }
0xff: {  	[sflag:s17] =	ssyncset.done $0x0  }
0x100: {  	[sflag:s17] =	ssyncadd.s32 $0xFFFFC000  }
0x101: {  	[tilespmem:s16], [sflag:$0x1] =	stream.indirect.gather [hbm4b:s4+s18], $0x80, s11, s18, $0xb8;
	[tilespmem:$0x1C800] =	vst v63  }
0x102: {  	_ = 	snop  }
0x103: {  	[tilespmem:s19], [sflag:$0x3] =	stream.indirect.gather [hbm4b:s4+s18], $0x80, s12, s18, $0xb8;
	[tilespmem:$0x1C800] =	vst v63  }
0x104: {  	_ =	swait.ge [sflag:s25], $0x2000  }
0x105: {  	[sflag:s25] =	ssyncset.done $0x0  }
0x106: {  	[sflag:s25] =	ssyncadd.s32 $0xFFFFE000  }
0x107: {  	_ =	swait.ge [sflag:s26], $0x2000  }
0x108: {  	[sflag:s26] =	ssyncset.done $0x0  }
0x109: {  	[sflag:s26] =	ssyncadd.s32 $0xFFFFE000  }
0x10a: {  	[spmem:s2] =	stream.indirect.scatter.add.f32 [tilespmem:s21], [sflag:$0x5], $0x80, s13, s20, $0xb8;
	[tilespmem:$0x1C800] =	vst v63  }
0x10b: {  	_ =	swait.ge [sflag:s17], $0x4000  }
0x10c: {  	[sflag:s17] =	ssyncset.done $0x0  }
0x10d: {  	[sflag:s17] =	ssyncadd.s32 $0xFFFFC000  }
0x10e: {  	[tilespmem:s21], [sflag:$0x2] =	stream.indirect.gather [hbm4b:s4+s18], $0x80, s14, s18, $0xb8;
	[tilespmem:$0x1C800] =	vst v63  }
0x10f: {  	_ = 	snop  }
0x110: {  	[tilespmem:s22], [sflag:$0x4] =	stream.indirect.gather [hbm4b:s4+s18], $0x80, s15, s18, $0xb8;
	[tilespmem:$0x1C800] =	vst v63  }
0x111: {  	_ =	swait.ge [sflag:s23], $0x2000  }
0x112: {  	[sflag:s23] =	ssyncset.done $0x0  }
0x113: {  	[sflag:s23] =	ssyncadd.s32 $0xFFFFE000  }
0x114: {  	_ =	swait.ge [sflag:s24], $0x2000  }
0x115: {  	[sflag:s24] =	ssyncset.done $0x0  }
0x116: {  	[sflag:s24] =	ssyncadd.s32 $0xFFFFE000  }
0x117: {  	[spmem:s2] =	stream.indirect.scatter.add.f32 [tilespmem:s16], [sflag:$0x5], $0x80, s5, s20, $0xb8;
	[tilespmem:$0x1C800] =	vst v63  }
0x118: {  	_ =	swait.ge [sflag:s17], $0x4000  }
0x119: {  	[sflag:s17] =	ssyncset.done $0x0  }
0x11a: {  	[sflag:s17] =	ssyncadd.s32 $0xFFFFC000  }
0x11b: {  	_ =	swait.ge [sflag:s25], $0x2000  }
0x11c: {  	[sflag:s25] =	ssyncset.done $0x0  }
0x11d: {  	[sflag:s25] =	ssyncadd.s32 $0xFFFFE000  }
0x11e: {  	p0 =	sne.s32 s9, $0x900;
	_ =	swait.ge [sflag:s26], $0x2000  }
.Ltmp1:
0x11f: {  	[sflag:s26] =	ssyncset.done $0x0;
	(pc) =	sbr.rel @p0 .LBB2_4-.Ltmp1, $4  }
0x120: {  	[sflag:s26] =	ssyncadd.s32 $0xFFFFE000  }
0x121: {  	[spmem:s2] =	stream.indirect.scatter.add.f32 [tilespmem:s21], [sflag:$0x5], $0x80, s6, s20, $0xb8;
	[tilespmem:$0x1C800] =	vst v63  }
0x122: {  	_ =	swait.ge [sflag:s17], $0x4000  }
0x123: {  	s9 =	sadd.s32 $0x100, s9;
	s7 =	rddreg [dreg:$0x3];
	[sflag:s17] =	ssyncset.done $0x0  }
0x124: {  	[sflag:s17] =	ssyncadd.s32 $0xFFFFC000;
	s7 =	sadd.s32 s8, s7  }
0x125: {  	[tilespmem:s3], [sflag:$0x5] =	stream.linear.gather [hbm4b:s7+s3], $0x800, $0x38;
	[tilespmem:$0x1C800] =	vst v63  }
0x126: {  	_ =	swait.ge [sflag:s17], $0x800  }
0x127: {  	[sflag:s17] =	ssyncset.done $0x0  }
0x128: {  	[sflag:s17] =	ssyncadd.s32 $0xFFFFF800  }
0x129: {  	[tilespmem:s16], [sflag:$0x1] =	stream.indirect.gather [hbm4b:s4+s18], $0x80, s3, s18, $0xb8;
	[tilespmem:$0x1C800] =	vst v63  }
0x12a: {  	_ = 	snop  }
0x12b: {  	[tilespmem:s19], [sflag:$0x3] =	stream.indirect.gather [hbm4b:s4+s18], $0x80, s18, s18, $0xb8;
	[tilespmem:$0x1C800] =	vst v63  }
0x12c: {  	_ = 	snop  }
0x12d: {  	[tilespmem:s21], [sflag:$0x2] =	stream.indirect.gather [hbm4b:s4+s18], $0x80, s20, s18, $0xb8;
	[tilespmem:$0x1C800] =	vst v63  }
0x12e: {  	s8 =	rddreg [dreg:$0x4]  }
0x12f: {  	[tilespmem:s22], [sflag:$0x4] =	stream.indirect.gather [hbm4b:s4+s18], $0x80, s8, s18, $0xb8;
	[tilespmem:$0x1C800] =	vst v63  }
0x130: {  	_ =	swait.ge [sflag:s23], $0x2000  }
0x131: {  	[sflag:s23] =	ssyncset.done $0x0  }
0x132: {  	[sflag:s23] =	ssyncadd.s32 $0xFFFFE000  }
0x133: {  	_ =	swait.ge [sflag:s24], $0x2000  }
0x134: {  	[sflag:s24] =	ssyncset.done $0x0  }
0x135: {  	s9 =	rddreg [dreg:$0x5];
	[sflag:s24] =	ssyncadd.s32 $0xFFFFE000  }
0x136: {  	[spmem:s2] =	stream.indirect.scatter.add.f32 [tilespmem:s16], [sflag:$0x5], $0x80, s9, s20, $0xb8;
	[tilespmem:$0x1C800] =	vst v63  }
0x137: {  	_ =	swait.ge [sflag:s17], $0x4000  }
0x138: {  	[sflag:s17] =	ssyncset.done $0x0  }
0x139: {  	s8 =	rddreg [dreg:$0x6];
	[sflag:s17] =	ssyncadd.s32 $0xFFFFC000  }
0x13a: {  	[tilespmem:s16], [sflag:$0x1] =	stream.indirect.gather [hbm4b:s4+s18], $0x80, s8, s18, $0xb8;
	[tilespmem:$0x1C800] =	vst v63  }
0x13b: {  	s9 =	rddreg [dreg:$0x7]  }
0x13c: {  	[tilespmem:s19], [sflag:$0x3] =	stream.indirect.gather [hbm4b:s4+s18], $0x80, s9, s18, $0xb8;
	[tilespmem:$0x1C800] =	vst v63  }
0x13d: {  	_ =	swait.ge [sflag:s25], $0x2000  }
0x13e: {  	[sflag:s25] =	ssyncset.done $0x0  }
0x13f: {  	[sflag:s25] =	ssyncadd.s32 $0xFFFFE000  }
0x140: {  	_ =	swait.ge [sflag:s26], $0x2000  }
0x141: {  	[sflag:s26] =	ssyncset.done $0x0  }
0x142: {  	s9 =	rddreg [dreg:$0x8];
	[sflag:s26] =	ssyncadd.s32 $0xFFFFE000  }
0x143: {  	[spmem:s2] =	stream.indirect.scatter.add.f32 [tilespmem:s21], [sflag:$0x5], $0x80, s9, s20, $0xb8;
	[tilespmem:$0x1C800] =	vst v63  }
0x144: {  	_ =	swait.ge [sflag:s17], $0x4000  }
0x145: {  	[sflag:s17] =	ssyncset.done $0x0  }
0x146: {  	s8 =	rddreg [dreg:$0x9];
	[sflag:s17] =	ssyncadd.s32 $0xFFFFC000  }
0x147: {  	[tilespmem:s21], [sflag:$0x2] =	stream.indirect.gather [hbm4b:s4+s18], $0x80, s8, s18, $0xb8;
	[tilespmem:$0x1C800] =	vst v63  }
0x148: {  	s9 =	rddreg [dreg:$0xa]  }
0x149: {  	[tilespmem:s22], [sflag:$0x4] =	stream.indirect.gather [hbm4b:s4+s18], $0x80, s9, s18, $0xb8;
	[tilespmem:$0x1C800] =	vst v63  }
0x14a: {  	_ =	swait.ge [sflag:s23], $0x2000  }
0x14b: {  	[sflag:s23] =	ssyncset.done $0x0  }
0x14c: {  	[sflag:s23] =	ssyncadd.s32 $0xFFFFE000  }
0x14d: {  	_ =	swait.ge [sflag:s24], $0x2000  }
0x14e: {  	[sflag:s24] =	ssyncset.done $0x0  }
0x14f: {  	[sflag:s24] =	ssyncadd.s32 $0xFFFFE000  }
0x150: {  	[spmem:s2] =	stream.indirect.scatter.add.f32 [tilespmem:s16], [sflag:$0x5], $0x80, s28, s20, $0xb8;
	[tilespmem:$0x1C800] =	vst v63  }
0x151: {  	_ =	swait.ge [sflag:s17], $0x4000  }
0x152: {  	[sflag:s17] =	ssyncset.done $0x0  }
0x153: {  	[sflag:s17] =	ssyncadd.s32 $0xFFFFC000  }
0x154: {  	[tilespmem:s16], [sflag:$0x1] =	stream.indirect.gather [hbm4b:s4+s18], $0x80, s29, s18, $0xb8;
	[tilespmem:$0x1C800] =	vst v63  }
0x155: {  	_ = 	snop  }
0x156: {  	[tilespmem:s19], [sflag:$0x3] =	stream.indirect.gather [hbm4b:s4+s18], $0x80, s30, s18, $0xb8;
	[tilespmem:$0x1C800] =	vst v63  }
0x157: {  	_ =	swait.ge [sflag:s25], $0x2000  }
0x158: {  	[sflag:s25] =	ssyncset.done $0x0  }
0x159: {  	[sflag:s25] =	ssyncadd.s32 $0xFFFFE000  }
0x15a: {  	_ =	swait.ge [sflag:s26], $0x2000  }
0x15b: {  	[sflag:s26] =	ssyncset.done $0x0  }
0x15c: {  	[sflag:s26] =	ssyncadd.s32 $0xFFFFE000  }
0x15d: {  	[spmem:s2] =	stream.indirect.scatter.add.f32 [tilespmem:s21], [sflag:$0x5], $0x80, s31, s20, $0xb8;
	[tilespmem:$0x1C800] =	vst v63  }
0x15e: {  	_ =	swait.ge [sflag:s17], $0x4000  }
0x15f: {  	[sflag:s17] =	ssyncset.done $0x0  }
0x160: {  	[sflag:s17] =	ssyncadd.s32 $0xFFFFC000  }
0x161: {  	[tilespmem:s21], [sflag:$0x2] =	stream.indirect.gather [hbm4b:s4+s18], $0x80, s0, s18, $0xb8;
	[tilespmem:$0x1C800] =	vst v63  }
0x162: {  	_ = 	snop  }
0x163: {  	[tilespmem:s22], [sflag:$0x4] =	stream.indirect.gather [hbm4b:s4+s18], $0x80, s1, s18, $0xb8;
	[tilespmem:$0x1C800] =	vst v63  }
0x164: {  	_ =	swait.ge [sflag:s23], $0x2000  }
0x165: {  	[sflag:s23] =	ssyncset.done $0x0  }
0x166: {  	[sflag:s23] =	ssyncadd.s32 $0xFFFFE000  }
0x167: {  	_ =	swait.ge [sflag:s24], $0x2000  }
0x168: {  	[sflag:s24] =	ssyncset.done $0x0  }
0x169: {  	[sflag:s24] =	ssyncadd.s32 $0xFFFFE000  }
0x16a: {  	[spmem:s2] =	stream.indirect.scatter.add.f32 [tilespmem:s16], [sflag:$0x5], $0x80, s10, s20, $0xb8;
	[tilespmem:$0x1C800] =	vst v63  }
0x16b: {  	_ =	swait.ge [sflag:s17], $0x4000  }
0x16c: {  	[sflag:s17] =	ssyncset.done $0x0  }
0x16d: {  	[sflag:s17] =	ssyncadd.s32 $0xFFFFC000  }
0x16e: {  	[tilespmem:s16], [sflag:$0x1] =	stream.indirect.gather [hbm4b:s4+s18], $0x80, s11, s18, $0xb8;
	[tilespmem:$0x1C800] =	vst v63  }
0x16f: {  	_ = 	snop  }
0x170: {  	[tilespmem:s19], [sflag:$0x3] =	stream.indirect.gather [hbm4b:s4+s18], $0x80, s12, s18, $0xb8;
	[tilespmem:$0x1C800] =	vst v63  }
0x171: {  	_ =	swait.ge [sflag:s25], $0x2000  }
0x172: {  	[sflag:s25] =	ssyncset.done $0x0  }
0x173: {  	[sflag:s25] =	ssyncadd.s32 $0xFFFFE000  }
0x174: {  	_ =	swait.ge [sflag:s26], $0x2000  }
0x175: {  	[sflag:s26] =	ssyncset.done $0x0  }
0x176: {  	[sflag:s26] =	ssyncadd.s32 $0xFFFFE000  }
0x177: {  	[spmem:s2] =	stream.indirect.scatter.add.f32 [tilespmem:s21], [sflag:$0x5], $0x80, s13, s20, $0xb8;
	[tilespmem:$0x1C800] =	vst v63  }
0x178: {  	_ =	swait.ge [sflag:s17], $0x4000  }
0x179: {  	[sflag:s17] =	ssyncset.done $0x0  }
0x17a: {  	[sflag:s17] =	ssyncadd.s32 $0xFFFFC000  }
0x17b: {  	[tilespmem:s21], [sflag:$0x2] =	stream.indirect.gather [hbm4b:s4+s18], $0x80, s14, s18, $0xb8;
	[tilespmem:$0x1C800] =	vst v63  }
0x17c: {  	_ = 	snop  }
0x17d: {  	[tilespmem:s22], [sflag:$0x4] =	stream.indirect.gather [hbm4b:s4+s18], $0x80, s15, s18, $0xb8;
	[tilespmem:$0x1C800] =	vst v63  }
0x17e: {  	_ =	swait.ge [sflag:s23], $0x2000  }
0x17f: {  	[sflag:s23] =	ssyncset.done $0x0  }
0x180: {  	[sflag:s23] =	ssyncadd.s32 $0xFFFFE000  }
0x181: {  	_ =	swait.ge [sflag:s24], $0x2000  }
0x182: {  	[sflag:s24] =	ssyncset.done $0x0  }
0x183: {  	[sflag:s24] =	ssyncadd.s32 $0xFFFFE000  }
0x184: {  	[spmem:s2] =	stream.indirect.scatter.add.f32 [tilespmem:s16], [sflag:$0x5], $0x80, s5, s20, $0xb8;
	[tilespmem:$0x1C800] =	vst v63  }
0x185: {  	_ =	swait.ge [sflag:s17], $0x4000  }
0x186: {  	[sflag:s17] =	ssyncset.done $0x0  }
0x187: {  	[sflag:s17] =	ssyncadd.s32 $0xFFFFC000  }
0x188: {  	_ =	swait.ge [sflag:s25], $0x2000  }
0x189: {  	[sflag:s25] =	ssyncset.done $0x0  }
0x18a: {  	[sflag:s25] =	ssyncadd.s32 $0xFFFFE000  }
0x18b: {  	_ =	swait.ge [sflag:s26], $0x2000  }
0x18c: {  	[sflag:s26] =	ssyncset.done $0x0  }
0x18d: {  	[sflag:s26] =	ssyncadd.s32 $0xFFFFE000  }
0x18e: {  	[spmem:s2] =	stream.indirect.scatter.add.f32 [tilespmem:s21], [sflag:$0x5], $0x80, s6, s20, $0xb8;
	[tilespmem:$0x1C800] =	vst v63  }
0x18f: {  	_ =	swait.ge [sflag:s17], $0x4000  }
0x190: {  	[sflag:s17] =	ssyncset.done $0x0  }
0x191: {  	[sflag:s17] =	ssyncadd.s32 $0xFFFFC000  }
0x192: {  	s8 =	stileid.u32;
	[bflag:$0x0] =	sbarrier.arrive $0xFFFF  }
0x193: {  	s7 =	sshll.u32 s8, $0x6;
	s28 =	rddreg [dreg:$0xb]  }
0x194: {  	s7 =	sor.u32 $0x1C05, s7;
	s9 =	rddreg [dreg:$0x10];
	s8 =	sshrl.u32 s28, $0x3  }
0x195: {  	[hbm:s9], [sflag:s7] =	dma.local [spmem:s8], $0x800  }
0x196: {  	_ =	swait.ge [sflag:s17], $0x800  }
0x197: {  	[sflag:s17] =	ssyncset.done $0x0;
	s9 =	rddreg [dreg:$0xc]  }
0x198: {  	[sflag:s17] =	ssyncadd.s32 $0xFFFFF800;
	s8 =	sshrl.u32 s9, $0x3;
	s9 =	rddreg [dreg:$0x11]  }
0x199: {  	[hbm:s9], [sflag:s7] =	dma.local [spmem:s8], $0x800  }
0x19a: {  	_ =	swait.ge [sflag:s17], $0x800  }
0x19b: {  	[sflag:s17] =	ssyncset.done $0x0;
	s9 =	rddreg [dreg:$0xd]  }
0x19c: {  	[sflag:s17] =	ssyncadd.s32 $0xFFFFF800;
	s8 =	sshrl.u32 s9, $0x3;
	s9 =	rddreg [dreg:$0x12]  }
0x19d: {  	[hbm:s9], [sflag:s7] =	dma.local [spmem:s8], $0x800  }
0x19e: {  	_ =	swait.ge [sflag:s17], $0x800  }
0x19f: {  	[sflag:s17] =	ssyncset.done $0x0;
	s9 =	rddreg [dreg:$0xe]  }
0x1a0: {  	[sflag:s17] =	ssyncadd.s32 $0xFFFFF800;
	s8 =	sshrl.u32 s9, $0x3;
	s9 =	rddreg [dreg:$0x13]  }
0x1a1: {  	[hbm:s9], [sflag:s7] =	dma.local [spmem:s8], $0x800  }
0x1a2: {  	_ =	swait.ge [sflag:s17], $0x800  }
0x1a3: {  	[sflag:s17] =	ssyncset.done $0x0;
	s9 =	rddreg [dreg:$0xf]  }
0x1a4: {  	[sflag:s17] =	ssyncadd.s32 $0xFFFFF800;
	s8 =	sshrl.u32 s9, $0x3;
	s9 =	rddreg [dreg:$0x14]  }
0x1a5: {  	[hbm:s9], [sflag:s7] =	dma.local [spmem:s8], $0x800  }
0x1a6: {  	_ =	swait.ge [sflag:s17], $0x800  }
0x1a7: {  	s7 =	rddreg [dreg:$0x16]  }
0x1a8: {  	s9 =	rddreg [dreg:$0x15];
	s8 =	sadd.s32 $0x1, s7  }
0x1a9: {  	p0 =	sne.s32 s8, s9  }
.Ltmp2:
0x1aa: {  	_ = 	snop;
	(pc) =	sbr.rel @p0 .LBB2_1-.Ltmp2, $3  }
0x1ab: {  	_ =	sdelay $0x1  }
0x1ac: {  	[sflag:s17] =	ssyncset.done $0x0  }
0x1ad: {  	[sflag:s17] =	ssyncadd.s32 $0xFFFFF800  }
0x1ae: {  	_ =	sfence.sel $0x180000  }
0x1af: {  	[bflag:$0x0] =	sbarrier.arrive $0xFFFF  }
0x1b0: {  	_ =	strace $0x9000004A  }
0x1b1: {  	s0 =	stileid.u32;
	[bflag:$0x2] =	sbarrier.arrive $0xFFFF  }
0x1b2: {  	p0 =	sne.s32 s0, $0x0;
	s0 =	rddreg [dreg:$0x2]  }
0x1b3: {  	s0 =	sadd.s32 @!p0 $0x100000, s0  }
0x1b4: {  	[sflag:s0] =	ssyncadd.tile.s32 @!p0 $0x1;
	_ =	shalt  }
.Lfunc_end2:
_tile_overlayer_lowered:
.L_overlay_start_2:
0x1b5: {  	(tag) =	ssettag $0x2  }
0x1b6: {  	s0 =	rddreg [dreg:$0x0];
	s2 =	stileid.u32  }
0x1b7: {  	s1 =	rddreg [dreg:$0x1];
	p0 =	sne.s32 s2, $0x0  }
0x1b8: {  	s3 =	rddreg [dreg:$0x2];
	[bflag:$0x3] =	sbarrier.arrive $0xFFFF;
	s2 =	simm.s32 @!p0 $0x1C05  }
0x1b9: {  	[timem:s3], [sflag:s2] =	dma.local @!p0 [hbm:s0], s1  }
0x1ba: {  	s0 =	simm.s32 @!p0 $0x5  }
0x1bb: {  	_ =	swait.ge @!p0 [sflag:s0], s1  }
0x1bc: {  	s1 =	ssub.s32 @!p0 $0x0, s1;
	[sflag:s0] =	ssyncset.done @!p0 $0x0  }
0x1bd: {  	[sflag:s0] =	ssyncadd.s32 @!p0 s1  }
0x1be: {  	[bflag:$0x3] =	sbarrier.arrive $0xFFFF  }
0x1bf: {  	_ =	shalt  }

// kernel: kernel.14.cloned.1.call-start
scs
__scs_entry_jumppad:
0x0: {  	(pc) =	sbr.rel $0x88, $3  }
0x1: {  	(tag) =	ssettag $0x0;
	lr =	simm.s32 $0x1  }
0x2: {  	[smem:$0x3F9B] =	sst lr;
	_ =	strace $0xD0000000  }
0x3: {  	_ = 	snop  }
0x4: {  	_ = 	snop  }
0x5: {  	_ = 	snop  }
0x6: {  	_ = 	snop  }
0x7: {  	_ = 	snop  }
__scs_overlays_trampoline_lowered:
0x8: {  	[smem:$0x3FAA] =	sst s0  }
0x9: {  	[smem:$0x3FAB] =	sst s1  }
0xa: {  	[smem:$0x3FAC] =	sst s2  }
0xb: {  	[smem:$0x3FAD] =	sst s3  }
0xc: {  	[smem:$0x3FAE] =	sst s4  }
0xd: {  	[smem:$0x3FAF] =	sst s5  }
0xe: {  	[smem:$0x3FB0] =	sst s6  }
0xf: {  	[smem:$0x3FB1] =	sst s7  }
0x10: {  	[smem:$0x3FB2] =	sst s8  }
0x11: {  	[smem:$0x3FB3] =	sst s9;
	s0 =	simm.s32 @!p0 $0x0  }
0x12: {  	s1 =	sld [smem:$0x3F99];
	s0 =	simm.s32 @p0 $0x1  }
0x13: {  	[smem:$0x3FB4] =	sst s0;
	s0 =	simm.s32 @!p1 $0x0  }
0x14: {  	s2 =	sld [smem:$0x3F98];
	s0 =	simm.s32 @p1 $0x1  }
0x15: {  	[smem:$0x3FB5] =	sst s0;
	s0 =	simm.s32 @!p2 $0x0  }
0x16: {  	s3 =	sld [smem:$0x3FDB];
	s0 =	simm.s32 @p2 $0x1  }
0x17: {  	s4 =	simm.s32 $0x1BF5;
	[smem:$0x3FB7] =	sst s0  }
0x18: {  	s0 =	sld [smem:$0x3F9A];
	_ =	swait.ge [sflag:s4], $0x0  }
0x19: {  	s7 =	sld [smem:$0x3F9B]  }
0x1a: {  	s8 =	sadd.s32 $0xFFFFE003, lr  }
0x1b: {  	s9 =	sadd.s32 $0xFFFFFEF7, lr;
	s5 =	simm.s32 $0xFFFFFFFF;
	p2 =	slt.u32 s8, $0xFFFFF086  }
0x1c: {  	p1 =	slt.u32 s9, $0xF7A;
	s5 =	simm.s32 @!p2 $0x0  }
0x1d: {  	s5 =	simm.s32 @p1 $0x1;
	p0 =	seq.s32 s7, s2  }
0x1e: {  	s7 =	smul.u32 @!p0 $0xF7A, s2;
	p2 =	seq.s32 @!p0 s5, $0x0  }
0x1f: {  	s9 =	smul.u32 $0xF7A, s1;
	s8 =	simm.s32 @!p0 $0x1BF5;
	p2 =	por !p2, p0  }
0x20: {  	[sflag:s8] =	ssyncset.s32 @!p0 $0xFFFFF086;
	s6 =	sadd.s32 @!p0 s3, s7;
	s7 =	simm.s32 @!p0 $0x108  }
0x21: {  	s3 =	sadd.s32 s3, s9;
	s6 =	sadd.s32 @!p0 $0x88, s6;
	s7 =	simm.s32 @p2 $0x1082  }
0x22: {  	[simem:s7], [sflag:s8] =	dma.local @!p0 [hbm:s6], $0xF7A  }
0x23: {  	s9 =	sor.u32 $0xD0000000, s2;
	s6 =	simm.s32 $0x108;
	_ =	swait.ge @!p0 [sflag:s8], $0x0  }
0x24: {  	s3 =	sadd.s32 $0x88, s3;
	s6 =	simm.s32 @!p1 $0x1082;
	[sflag:s4] =	ssyncset.s32 $0xFFFFF086  }
0x25: {  	[simem:s6], [sflag:s4] =	dma.local [hbm:s3], $0xF7A  }
0x26: {  	[smem:$0x3F9B] =	sst s1;
	(tag) =	ssettag s2;
	_ =	strace s9  }
0x27: {  	s1 =	sld [smem:$0x3FAB]  }
0x28: {  	s2 =	sld [smem:$0x3FAC]  }
0x29: {  	s4 =	sld [smem:$0x3FAE]  }
0x2a: {  	p0 =	seq.s32 s5, $0x0;
	s5 =	sld [smem:$0x3FAF]  }
0x2b: {  	s6 =	sld [smem:$0x3FB0]  }
0x2c: {  	s7 =	sld [smem:$0x3FB1]  }
0x2d: {  	s3 =	simm.s32 $0x108;
	s8 =	sld [smem:$0x3FB2]  }
0x2e: {  	s3 =	simm.s32 @!p0 $0x1082;
	s9 =	sld [smem:$0x3FB3]  }
0x2f: {  	lr =	sadd.s32 s0, s3;
	s0 =	sld [smem:$0x3FAA]  }
0x30: {  	s3 =	sld [smem:$0x3FAD]  }
0x31: {  	[smem:$0x3FB6] =	sst s10  }
0x32: {  	s10 =	sld [smem:$0x3FB4];
	_ =	sdelay $0x3  }
0x33: {  	p0 =	seq.s32 s10, $0x1;
	s10 =	sld [smem:$0x3FB6];
	_ =	sdelay $0x3  }
0x34: {  	[smem:$0x3FB6] =	sst s10  }
0x35: {  	s10 =	sld [smem:$0x3FB5];
	_ =	sdelay $0x3  }
0x36: {  	p1 =	seq.s32 s10, $0x1;
	s10 =	sld [smem:$0x3FB6];
	_ =	sdelay $0x3  }
0x37: {  	[smem:$0x3FB6] =	sst s10  }
0x38: {  	s10 =	sld [smem:$0x3FB7]  }
0x39: {  	_ = 	snop;
	(pc) =	sbr.ind lr, $3  }
0x3a: {  	_ = 	snop  }
0x3b: {  	_ = 	snop  }
0x3c: {  	p2 =	seq.s32 s10, $0x1;
	s10 =	sld [smem:$0x3FB6]  }
0x3d: {  	_ =	shalt  }
0x3e: {  	_ =	shalt  }
0x3f: {  	_ =	shalt  }
0x40: {  	_ =	shalt  }
0x41: {  	_ =	shalt  }
0x42: {  	_ =	shalt  }
0x43: {  	_ =	shalt  }
0x44: {  	_ =	shalt  }
0x45: {  	_ =	shalt  }
0x46: {  	_ =	shalt  }
0x47: {  	_ =	shalt  }
0x48: {  	_ =	shalt  }
0x49: {  	_ =	shalt  }
0x4a: {  	_ =	shalt  }
0x4b: {  	_ =	shalt  }
0x4c: {  	_ =	shalt  }
0x4d: {  	_ =	shalt  }
0x4e: {  	_ =	shalt  }
0x4f: {  	_ =	shalt  }
0x50: {  	_ =	shalt  }
0x51: {  	_ =	shalt  }
0x52: {  	_ =	shalt  }
0x53: {  	_ =	shalt  }
0x54: {  	_ =	shalt  }
0x55: {  	_ =	shalt  }
0x56: {  	_ =	shalt  }
0x57: {  	_ =	shalt  }
0x58: {  	_ =	shalt  }
0x59: {  	_ =	shalt  }
0x5a: {  	_ =	shalt  }
0x5b: {  	_ =	shalt  }
0x5c: {  	_ =	shalt  }
0x5d: {  	_ =	shalt  }
0x5e: {  	_ =	shalt  }
0x5f: {  	_ =	shalt  }
0x60: {  	_ =	shalt  }
0x61: {  	_ =	shalt  }
0x62: {  	_ =	shalt  }
0x63: {  	_ =	shalt  }
0x64: {  	_ =	shalt  }
0x65: {  	_ =	shalt  }
0x66: {  	_ =	shalt  }
0x67: {  	_ =	shalt  }
0x68: {  	_ =	shalt  }
0x69: {  	_ =	shalt  }
0x6a: {  	_ =	shalt  }
0x6b: {  	_ =	shalt  }
0x6c: {  	_ =	shalt  }
0x6d: {  	_ =	shalt  }
0x6e: {  	_ =	shalt  }
0x6f: {  	_ =	shalt  }
0x70: {  	_ =	shalt  }
0x71: {  	_ =	shalt  }
0x72: {  	_ =	shalt  }
0x73: {  	_ =	shalt  }
0x74: {  	_ =	shalt  }
0x75: {  	_ =	shalt  }
0x76: {  	_ =	shalt  }
0x77: {  	_ =	shalt  }
0x78: {  	_ =	shalt  }
0x79: {  	_ =	shalt  }
0x7a: {  	_ =	shalt  }
0x7b: {  	_ =	shalt  }
0x7c: {  	_ =	shalt  }
0x7d: {  	_ =	shalt  }
0x7e: {  	_ =	shalt  }
0x7f: {  	_ =	shalt  }
0x80: {  	_ =	shalt  }
0x81: {  	_ =	shalt  }
0x82: {  	_ =	shalt  }
0x83: {  	_ =	shalt  }
0x84: {  	_ =	shalt  }
0x85: {  	_ =	shalt  }
0x86: {  	_ =	shalt  }
0x87: {  	_ =	shalt  }
.Lfunc_end0:
.L_simem_size_0:
called_computation.2_lowered:
.L_overlay_start_0:
0x88: {  	s2 =	sld [smem:$0x3FD9]  }
0x89: {  	s3 =	sld [smem:$0x3FFE];
	_ =	sdelay $0x1  }
0x8a: {  	s1 =	srdreg.scid  }
0x8b: {  	s0 =	sand.u32 $0x1, s1  }
0x8c: {  	s16 =	sshll.u32 s0, $0xA;
	s2 =	sadd.s32 s3, s2  }
0x8d: {  	s2 =	sadd.s32 s2, s16  }
0x8e: {  	[smem:$0x3FC2] =	sst s2  }
0x8f: {  	_ = 	snop  }
0x90: {  	(tm) =	ssettm $0x1  }
0x91: {  	s17 =	sld [smem:$0x3FFB];
	_ =	sdelay $0x3  }
0x92: {  	_ =	strace s17  }
0x93: {  	s2 =	sld [smem:$0x3FFC];
	_ =	sdelay $0x3  }
0x94: {  	_ =	strace s2  }
0x95: {  	s2 =	sld [smem:$0x3FFD];
	_ =	sdelay $0x3  }
0x96: {  	_ =	strace s2  }
0x97: {  	_ =	strace $0x8FFFFFFF  }
0x98: {  	s18 =	sld [smem:$0x3FDB];
	_ =	sdelay $0x1  }
0x99: {  	s19 =	simm.s32 $_scs_section_size  }
0x9a: {  	s4 =	simm.s32 $_size__tile_overlayer_lowered;
	s5 =	simm.s32 $_tile_overlayer_lowered  }
0x9b: {  	s22 =	simm.s32 $0x1BFF;
	s21 =	sshll.u32 s5, $0x1;
	s2 =	sadd.s32 s19, s18  }
0x9c: {  	s6 =	simm.s32 $0x0;
	s20 =	sshll.u32 s4, $0x1;
	s4 =	sadd.s32 s21, s2  }
0x9d: {  	[timem:s6], [sflag:s22] =	dma.local [hbm:s4], s20  }
0x9e: {  	_ =	swait.ge [sflag:s22], s20  }
0x9f: {  	s3 =	ssub.s32 $0x0, s20;
	[sflag:s22] =	ssyncset.done $0x0  }
0xa0: {  	[sflag:s22] =	ssyncadd.s32 s3;
	_ =	sdelay $0x1  }
0xa1: {  	s23 =	simm.s32 $0x1B8B  }
0xa2: {  	_ =	swait.ge [sflag:s23], $0x1  }
0xa3: {  	[sflag:s23] =	ssyncset.done $0x0  }
0xa4: {  	s25 =	simm.s32 $0x1B8E;
	s24 =	sld [smem:$0x3FFE];
	[sflag:s23] =	ssyncadd.s32 $0xFFFFFFFF  }
0xa5: {  	s26 =	simm.s32 $execute0_lowered;
	[smem:$0x3FD2] =	sst s25  }
0xa6: {  	s4 =	sshll.u32 s26, $0x1;
	_ =	strace $0x8000004C;
	[dreg:$0x1] =	wrdreg $0xFFFFFFFF  }
0xa7: {  	s28 =	simm.s32 $_size_execute0_lowered;
	s2 =	sadd.s32 s2, s4;
	[dreg:$0x0] =	wrdreg $0x0  }
0xa8: {  	s4 =	sshll.u32 s28, $0x1;
	[dreg:$0x2] =	wrdreg s2  }
0xa9: {  	[dreg:$0x3] =	wrdreg s4  }
0xaa: {  	[dreg:$0x4] =	wrdreg $0xC0  }
0xab: {  	_ =	task [dreg:s6], $0x5FFFF  }
0xac: {  	[dreg:$0x1] =	wrdreg $0xFFFFFFFF  }
0xad: {  	[dreg:$0x0] =	wrdreg $0x60  }
0xae: {  	[dreg:$0x2] =	wrdreg s24  }
0xaf: {  	[dreg:$0x3] =	wrdreg $0x88000  }
0xb0: {  	[dreg:$0x4] =	wrdreg $0x9  }
0xb1: {  	_ =	task.clear_ibuf [dreg:s6], $0x5FFFF;
	_ =	strace $0x9000004C  }
0xb2: {  	s29 =	simm.s32 $0x9;
	_ =	strace $0x8000004E  }
0xb3: {  	_ =	swait.ge [sflag:s29], $0x1  }
0xb4: {  	[sflag:s29] =	ssyncadd.s32 $0xFFFFFFFF  }
0xb5: {  	_ =	strace $0x9000004E  }
0xb6: {  	_ =	sfence  }
0xb7: {  	s30 =	sld [smem:$0x0];
	_ =	sdelay $0x2  }
0xb8: {  	s31 =	sshll.u32 s1, $0xD;
	s1 =	sshrl.u32 s1, $0x2  }
0xb9: {  	s3 =	sand.u32 $0x4000, s31;
	s1 =	sadd.s32 s1, s30  }
0xba: {  	s0 =	sor.u32 s3, s0;
	s1 =	sshll.u32 s1, $0x11  }
0xbb: {  	s0 =	sor.u32 s1, s0  }
0xbc: {  	s0 =	sadd.s32 $0x8F2B, s0  }
0xbd: {  	[sflag:s0] =	ssyncadd.remote.s32 $0x1  }
0xbe: {  	_ =	sfence.sel $0xFFFF  }
0xbf: {  	[dreg:$0x0] =	wrdreg $0xFFFFFFFF;
	(pc) =	sbr.abs _section_cstart, $3  }
0xc0: {  	[dreg:$0x1] =	wrdreg $0xFFFFFFFF  }
0xc1: {  	_ =	task.clear_ibuf [dreg:s6], $0x2FFFF;
	_ =	strace $0x9FFFFFFF  }
0xc2: {  	(tm) =	ssettm $0x7FFFFFFF  }
0xc3: {  	_ =	shalt  }
tec
execute0_lowered:
.L_overlay_start_1:
0x0: {  	(tag) =	ssettag $0x1  }
0x1: {  	s0 =	rddreg [dreg:$0x0]  }
0x2: {  	s1 =	srdreg.scid;
	s2 =	rddreg [dreg:$0x1]  }
0x3: {  	s8 =	stileid.u32;
	s3 =	simm.s32 $0x0;
	s20 =	simm.s32 $0xC0  }
0x4: {  	s21 =	simm.s32 $0x400;
	s22 =	simm.s32 $0x100;
	s23 =	simm.s32 $0x140  }
0x5: {  	s24 =	simm.s32 $0x480;
	s29 =	simm.s32 $0x200;
	s5 =	smul.u32 $0x5000, s8  }
0x6: {  	s30 =	simm.s32 $0x240;
	s31 =	simm.s32 $0x580;
	s6 =	smul.u32 $0x50000, s8  }
0x7: {  	s1 =	sand.u32 $0x1, s1;
	[smem:$0x7FF] =	sst s3;
	s8 =	smul.u32 $0x14000, s8  }
0x8: {  	s4 =	smul.u32 $0x50000, s1;
	_ =	strace $0x8000004D;
	[dreg:$0x4] =	wrdreg s20  }
0x9: {  	s7 =	ssub.s32 $0x2, s1;
	s1 =	smul.u32 $0x140000, s1;
	[dreg:$0x5] =	wrdreg s21  }
0xa: {  	s20 =	simm.s32 $0x80;
	s21 =	simm.s32 $0x4800;
	[dreg:$0x6] =	wrdreg s22  }
0xb: {  	s22 =	simm.s32 $0x6800;
	[dreg:$0x7] =	wrdreg s23;
	s23 =	simm.s32 $0x1  }
0xc: {  	[dreg:$0x8] =	wrdreg s24;
	s24 =	simm.s32 $0x3;
	s9 =	sshrl.u32 s7, $0x1  }
0xd: {  	s6 =	sshrl.u32 s6, $0x2;
	s25 =	sadd.s32 $0x4000, s8;
	s26 =	sadd.s32 $0x8000, s8  }
0xe: {  	s10 =	sadd.s32 $0xC000, s8;
	s14 =	sadd.s32 $0x10000, s8;
	s5 =	sadd.s32 s5, s4  }
0xf: {  	s4 =	sadd.s32 $0x24200, s0;
	s7 =	ssub.s32 s7, s9;
	s28 =	sadd.s32 s6, s2  }
0x10: {  	s11 =	sadd.s32 s25, s2;
	s12 =	sadd.s32 s26, s2;
	s13 =	sadd.s32 s10, s2  }
0x11: {  	s8 =	sadd.s32 s8, s1;
	s6 =	sadd.s32 s1, s25;
	s15 =	sadd.s32 s1, s26  }
0x12: {  	s16 =	sadd.s32 s1, s10;
	s1 =	sadd.s32 s1, s14;
	[dreg:$0xc] =	wrdreg s11  }
0x13: {  	s25 =	simm.s32 $0x180;
	s26 =	simm.s32 $0x1C0;
	[dreg:$0xd] =	wrdreg s12  }
0x14: {  	s10 =	simm.s32 $0x600;
	s5 =	sshrl.u32 s5, $0x3;
	[dreg:$0xe] =	wrdreg s13  }
0x15: {  	s12 =	sadd.s32 s14, s2;
	s8 =	sshrl.u32 s8, $0x3;
	s6 =	sshrl.u32 s6, $0x3  }
0x16: {  	s17 =	sshrl.u32 s16, $0x3;
	s1 =	sshrl.u32 s1, $0x3;
	[dreg:$0x9] =	wrdreg s25  }
0x17: {  	s19 =	smax.u32 s7, $0x1;
	s16 =	simm.s32 $0x800;
	[dreg:$0xa] =	wrdreg s26  }
0x18: {  	s25 =	simm.s32 $0x2;
	s26 =	simm.s32 $0x4;
	s11 =	simm.s32 $0x300  }
0x19: {  	s13 =	simm.s32 $0x680;
	s14 =	simm.s32 $0x380;
	[dreg:$0xb] =	wrdreg s28  }
0x1a: {  	s5 =	sadd.s32 s5, s0;
	s0 =	sadd.s32 $0x72400, s0;
	[dreg:$0xf] =	wrdreg s12  }
0x1b: {  	[dreg:$0x15] =	wrdreg s19;
	s19 =	simm.s32 $0x2800;
	s8 =	sadd.s32 s0, s8  }
0x1c: {  	s12 =	simm.s32 $0x340;
	s6 =	sadd.s32 s0, s6;
	[dreg:$0x10] =	wrdreg s8  }
0x1d: {  	s18 =	sadd.s32 $0x10200, s5;
	s5 =	simm.s32 $0x700;
	[dreg:$0x11] =	wrdreg s6  }
0x1e: {  	s6 =	sshrl.u32 s15, $0x3;
	[dreg:$0x3] =	wrdreg s18;
	s18 =	simm.s32 $0x40  }
0x1f: {  	s15 =	simm.s32 $0x3C0;
	s8 =	simm.s32 $0x0;
	s6 =	sadd.s32 s0, s6  }
0x20: {  	[dreg:$0x12] =	wrdreg s6;
	s6 =	sadd.s32 s0, s17;
	s0 =	sadd.s32 s0, s1  }
0x21: {  	s17 =	simm.s32 $0x5;
	s1 =	simm.s32 $0x2C0;
	[dreg:$0x13] =	wrdreg s6  }
0x22: {  	v0 =	vimm.f32 $0.0e+00;
	[dreg:$0x14] =	wrdreg s0;
	s0 =	simm.s32 $0x280;
	s6 =	simm.s32 $0x780  }
.LBB2_1:
0x23: {  	[dreg:$0x16] =	wrdreg s8;
	s8 =	simm.s32 $0x0;
	s9 =	simm.s32 $0x200  }
.LBB2_2:
0x24: {  	p0 =	sne.s32 s9, $0xFE00;
	[tilespmem:s8+$0x870] =	vst v0  }
0x25: {  	[tilespmem:s8+$0x800] =	vst v0  }
0x26: {  	[tilespmem:s8+$0x810] =	vst v0  }
.Ltmp0:
0x27: {  	[tilespmem:s8+$0x820] =	vst v0;
	(pc) =	sbr.rel @p0 .LBB2_2-.Ltmp0, $4  }
0x28: {  	[tilespmem:s8+$0x830] =	vst v0  }
0x29: {  	[tilespmem:s8+$0x840] =	vst v0  }
0x2a: {  	[tilespmem:s8+$0x850] =	vst v0  }
0x2b: {  	[tilespmem:s8+$0x860] =	vst v0;
	s8 =	sshra.s32 s9, $0x2;
	s9 =	sadd.s32 $0x200, s9  }
0x2c: {  	[tilespmem:s8+$0x870] =	vst v0  }
0x2d: {  	[tilespmem:s8+$0x800] =	vst v0  }
0x2e: {  	[tilespmem:s8+$0x810] =	vst v0  }
0x2f: {  	[tilespmem:s8+$0x820] =	vst v0  }
0x30: {  	[tilespmem:s8+$0x830] =	vst v0  }
0x31: {  	[tilespmem:s8+$0x840] =	vst v0  }
0x32: {  	[tilespmem:s8+$0x850] =	vst v0  }
0x33: {  	[tilespmem:s8+$0x860] =	vst v0  }
0x34: {  	[spmem:s28] =	stream.linear.scatter [tilespmem:s16], [sflag:$0x5], $0x4000, $0x38;
	[tilespmem:$0x1C800] =	vst v63  }
0x35: {  	_ =	swait.ge [sflag:s17], $0x4000  }
0x36: {  	[sflag:s17] =	ssyncset.done $0x0  }
0x37: {  	s7 =	rddreg [dreg:$0xc];
	[sflag:s17] =	ssyncadd.s32 $0xFFFFC000  }
0x38: {  	[spmem:s7] =	stream.linear.scatter [tilespmem:s16], [sflag:$0x5], $0x4000, $0x38;
	[tilespmem:$0x1C800] =	vst v63  }
0x39: {  	_ =	swait.ge [sflag:s17], $0x4000  }
0x3a: {  	[sflag:s17] =	ssyncset.done $0x0  }
0x3b: {  	s8 =	rddreg [dreg:$0xd];
	[sflag:s17] =	ssyncadd.s32 $0xFFFFC000  }
0x3c: {  	[spmem:s8] =	stream.linear.scatter [tilespmem:s16], [sflag:$0x5], $0x4000, $0x38;
	[tilespmem:$0x1C800] =	vst v63  }
0x3d: {  	_ =	swait.ge [sflag:s17], $0x4000  }
0x3e: {  	[sflag:s17] =	ssyncset.done $0x0  }
0x3f: {  	s9 =	rddreg [dreg:$0xe];
	[sflag:s17] =	ssyncadd.s32 $0xFFFFC000  }
0x40: {  	[spmem:s9] =	stream.linear.scatter [tilespmem:s16], [sflag:$0x5], $0x4000, $0x38;
	[tilespmem:$0x1C800] =	vst v63  }
0x41: {  	_ =	swait.ge [sflag:s17], $0x4000  }
0x42: {  	[sflag:s17] =	ssyncset.done $0x0  }
0x43: {  	s28 =	rddreg [dreg:$0xf];
	[sflag:s17] =	ssyncadd.s32 $0xFFFFC000  }
0x44: {  	[spmem:s28] =	stream.linear.scatter [tilespmem:s16], [sflag:$0x5], $0x4000, $0x38;
	[tilespmem:$0x1C800] =	vst v63  }
0x45: {  	_ =	swait.ge [sflag:s17], $0x4000  }
0x46: {  	[sflag:s17] =	ssyncset.done $0x0  }
0x47: {  	[sflag:s17] =	ssyncadd.s32 $0xFFFFC000  }
0x48: {  	[bflag:$0x0] =	sbarrier.arrive $0xFFFF  }
0x49: {  	s8 =	rddreg [dreg:$0x3]  }
0x4a: {  	s7 =	sadd.s32 $0x0, s8  }
0x4b: {  	[tilespmem:s3], [sflag:$0x5] =	stream.linear.gather [hbm4b:s7+s3], $0x800, $0x38;
	[tilespmem:$0x1C800] =	vst v63  }
0x4c: {  	_ =	swait.ge [sflag:s17], $0x800  }
0x4d: {  	[sflag:s17] =	ssyncset.done $0x0  }
0x4e: {  	[sflag:s17] =	ssyncadd.s32 $0xFFFFF800  }
0x4f: {  	[tilespmem:s16], [sflag:$0x1] =	stream.indirect.gather [hbm4b:s4+s18], $0x80, s3, s18, $0xb8;
	[tilespmem:$0x1C800] =	vst v63  }
0x50: {  	_ = 	snop  }
0x51: {  	[tilespmem:s19], [sflag:$0x3] =	stream.indirect.gather [hbm4b:s4+s18], $0x80, s18, s18, $0xb8;
	[tilespmem:$0x1C800] =	vst v63  }
0x52: {  	_ = 	snop  }
0x53: {  	[tilespmem:s21], [sflag:$0x2] =	stream.indirect.gather [hbm4b:s4+s18], $0x80, s20, s18, $0xb8;
	[tilespmem:$0x1C800] =	vst v63  }
0x54: {  	s9 =	rddreg [dreg:$0x4]  }
0x55: {  	[tilespmem:s22], [sflag:$0x4] =	stream.indirect.gather [hbm4b:s4+s18], $0x80, s9, s18, $0xb8;
	[tilespmem:$0x1C800] =	vst v63  }
0x56: {  	_ =	swait.ge [sflag:s23], $0x2000  }
0x57: {  	[sflag:s23] =	ssyncset.done $0x0  }
0x58: {  	[sflag:s23] =	ssyncadd.s32 $0xFFFFE000  }
0x59: {  	_ =	swait.ge [sflag:s24], $0x2000  }
0x5a: {  	[sflag:s24] =	ssyncset.done $0x0  }
0x5b: {  	s28 =	rddreg [dreg:$0x5];
	[sflag:s24] =	ssyncadd.s32 $0xFFFFE000  }
0x5c: {  	[spmem:s2] =	stream.indirect.scatter.add.f32 [tilespmem:s16], [sflag:$0x5], $0x80, s28, s20, $0xb8;
	[tilespmem:$0x1C800] =	vst v63  }
0x5d: {  	_ =	swait.ge [sflag:s17], $0x4000  }
0x5e: {  	[sflag:s17] =	ssyncset.done $0x0  }
0x5f: {  	s8 =	rddreg [dreg:$0x6];
	[sflag:s17] =	ssyncadd.s32 $0xFFFFC000  }
0x60: {  	[tilespmem:s16], [sflag:$0x1] =	stream.indirect.gather [hbm4b:s4+s18], $0x80, s8, s18, $0xb8;
	[tilespmem:$0x1C800] =	vst v63  }
0x61: {  	s9 =	rddreg [dreg:$0x7]  }
0x62: {  	[tilespmem:s19], [sflag:$0x3] =	stream.indirect.gather [hbm4b:s4+s18], $0x80, s9, s18, $0xb8;
	[tilespmem:$0x1C800] =	vst v63  }
0x63: {  	_ =	swait.ge [sflag:s25], $0x2000  }
0x64: {  	[sflag:s25] =	ssyncset.done $0x0  }
0x65: {  	[sflag:s25] =	ssyncadd.s32 $0xFFFFE000  }
0x66: {  	_ =	swait.ge [sflag:s26], $0x2000  }
0x67: {  	[sflag:s26] =	ssyncset.done $0x0  }
0x68: {  	s28 =	rddreg [dreg:$0x8];
	[sflag:s26] =	ssyncadd.s32 $0xFFFFE000  }
0x69: {  	[spmem:s2] =	stream.indirect.scatter.add.f32 [tilespmem:s21], [sflag:$0x5], $0x80, s28, s20, $0xb8;
	[tilespmem:$0x1C800] =	vst v63  }
0x6a: {  	_ =	swait.ge [sflag:s17], $0x4000  }
0x6b: {  	[sflag:s17] =	ssyncset.done $0x0  }
0x6c: {  	s8 =	rddreg [dreg:$0x9];
	[sflag:s17] =	ssyncadd.s32 $0xFFFFC000  }
0x6d: {  	[tilespmem:s21], [sflag:$0x2] =	stream.indirect.gather [hbm4b:s4+s18], $0x80, s8, s18, $0xb8;
	[tilespmem:$0x1C800] =	vst v63  }
0x6e: {  	s9 =	rddreg [dreg:$0xa]  }
0x6f: {  	[tilespmem:s22], [sflag:$0x4] =	stream.indirect.gather [hbm4b:s4+s18], $0x80, s9, s18, $0xb8;
	[tilespmem:$0x1C800] =	vst v63  }
0x70: {  	_ =	swait.ge [sflag:s23], $0x2000  }
0x71: {  	[sflag:s23] =	ssyncset.done $0x0  }
0x72: {  	[sflag:s23] =	ssyncadd.s32 $0xFFFFE000  }
0x73: {  	_ =	swait.ge [sflag:s24], $0x2000  }
0x74: {  	[sflag:s24] =	ssyncset.done $0x0  }
0x75: {  	s28 =	simm.s32 $0x500;
	[sflag:s24] =	ssyncadd.s32 $0xFFFFE000  }
0x76: {  	[spmem:s2] =	stream.indirect.scatter.add.f32 [tilespmem:s16], [sflag:$0x5], $0x80, s28, s20, $0xb8;
	[tilespmem:$0x1C800] =	vst v63  }
0x77: {  	_ =	swait.ge [sflag:s17], $0x4000  }
0x78: {  	[sflag:s17] =	ssyncset.done $0x0  }
0x79: {  	[sflag:s17] =	ssyncadd.s32 $0xFFFFC000  }
0x7a: {  	[tilespmem:s16], [sflag:$0x1] =	stream.indirect.gather [hbm4b:s4+s18], $0x80, s29, s18, $0xb8;
	[tilespmem:$0x1C800] =	vst v63  }
0x7b: {  	_ = 	snop  }
0x7c: {  	[tilespmem:s19], [sflag:$0x3] =	stream.indirect.gather [hbm4b:s4+s18], $0x80, s30, s18, $0xb8;
	[tilespmem:$0x1C800] =	vst v63  }
0x7d: {  	_ =	swait.ge [sflag:s25], $0x2000  }
0x7e: {  	[sflag:s25] =	ssyncset.done $0x0  }
0x7f: {  	[sflag:s25] =	ssyncadd.s32 $0xFFFFE000  }
0x80: {  	_ =	swait.ge [sflag:s26], $0x2000  }
0x81: {  	[sflag:s26] =	ssyncset.done $0x0  }
0x82: {  	[sflag:s26] =	ssyncadd.s32 $0xFFFFE000  }
0x83: {  	[spmem:s2] =	stream.indirect.scatter.add.f32 [tilespmem:s21], [sflag:$0x5], $0x80, s31, s20, $0xb8;
	[tilespmem:$0x1C800] =	vst v63  }
0x84: {  	_ =	swait.ge [sflag:s17], $0x4000  }
0x85: {  	[sflag:s17] =	ssyncset.done $0x0  }
0x86: {  	[sflag:s17] =	ssyncadd.s32 $0xFFFFC000  }
0x87: {  	[tilespmem:s21], [sflag:$0x2] =	stream.indirect.gather [hbm4b:s4+s18], $0x80, s0, s18, $0xb8;
	[tilespmem:$0x1C800] =	vst v63  }
0x88: {  	_ = 	snop  }
0x89: {  	[tilespmem:s22], [sflag:$0x4] =	stream.indirect.gather [hbm4b:s4+s18], $0x80, s1, s18, $0xb8;
	[tilespmem:$0x1C800] =	vst v63  }
0x8a: {  	_ =	swait.ge [sflag:s23], $0x2000  }
0x8b: {  	[sflag:s23] =	ssyncset.done $0x0  }
0x8c: {  	[sflag:s23] =	ssyncadd.s32 $0xFFFFE000  }
0x8d: {  	_ =	swait.ge [sflag:s24], $0x2000  }
0x8e: {  	[sflag:s24] =	ssyncset.done $0x0  }
0x8f: {  	[sflag:s24] =	ssyncadd.s32 $0xFFFFE000  }
0x90: {  	[spmem:s2] =	stream.indirect.scatter.add.f32 [tilespmem:s16], [sflag:$0x5], $0x80, s10, s20, $0xb8;
	[tilespmem:$0x1C800] =	vst v63  }
0x91: {  	_ =	swait.ge [sflag:s17], $0x4000  }
0x92: {  	[sflag:s17] =	ssyncset.done $0x0  }
0x93: {  	[sflag:s17] =	ssyncadd.s32 $0xFFFFC000  }
0x94: {  	[tilespmem:s16], [sflag:$0x1] =	stream.indirect.gather [hbm4b:s4+s18], $0x80, s11, s18, $0xb8;
	[tilespmem:$0x1C800] =	vst v63  }
0x95: {  	_ = 	snop  }
0x96: {  	[tilespmem:s19], [sflag:$0x3] =	stream.indirect.gather [hbm4b:s4+s18], $0x80, s12, s18, $0xb8;
	[tilespmem:$0x1C800] =	vst v63  }
0x97: {  	_ =	swait.ge [sflag:s25], $0x2000  }
0x98: {  	[sflag:s25] =	ssyncset.done $0x0  }
0x99: {  	[sflag:s25] =	ssyncadd.s32 $0xFFFFE000  }
0x9a: {  	_ =	swait.ge [sflag:s26], $0x2000  }
0x9b: {  	[sflag:s26] =	ssyncset.done $0x0  }
0x9c: {  	[sflag:s26] =	ssyncadd.s32 $0xFFFFE000  }
0x9d: {  	[spmem:s2] =	stream.indirect.scatter.add.f32 [tilespmem:s21], [sflag:$0x5], $0x80, s13, s20, $0xb8;
	[tilespmem:$0x1C800] =	vst v63  }
0x9e: {  	_ =	swait.ge [sflag:s17], $0x4000  }
0x9f: {  	[sflag:s17] =	ssyncset.done $0x0  }
0xa0: {  	[sflag:s17] =	ssyncadd.s32 $0xFFFFC000  }
0xa1: {  	[tilespmem:s21], [sflag:$0x2] =	stream.indirect.gather [hbm4b:s4+s18], $0x80, s14, s18, $0xb8;
	[tilespmem:$0x1C800] =	vst v63  }
0xa2: {  	_ = 	snop  }
0xa3: {  	[tilespmem:s22], [sflag:$0x4] =	stream.indirect.gather [hbm4b:s4+s18], $0x80, s15, s18, $0xb8;
	[tilespmem:$0x1C800] =	vst v63  }
0xa4: {  	_ =	swait.ge [sflag:s23], $0x2000  }
0xa5: {  	[sflag:s23] =	ssyncset.done $0x0  }
0xa6: {  	[sflag:s23] =	ssyncadd.s32 $0xFFFFE000  }
0xa7: {  	_ =	swait.ge [sflag:s24], $0x2000  }
0xa8: {  	[sflag:s24] =	ssyncset.done $0x0  }
0xa9: {  	[sflag:s24] =	ssyncadd.s32 $0xFFFFE000  }
0xaa: {  	[spmem:s2] =	stream.indirect.scatter.add.f32 [tilespmem:s16], [sflag:$0x5], $0x80, s5, s20, $0xb8;
	[tilespmem:$0x1C800] =	vst v63  }
0xab: {  	_ =	swait.ge [sflag:s17], $0x4000  }
0xac: {  	[sflag:s17] =	ssyncset.done $0x0  }
0xad: {  	[sflag:s17] =	ssyncadd.s32 $0xFFFFC000  }
0xae: {  	_ =	swait.ge [sflag:s25], $0x2000  }
0xaf: {  	[sflag:s25] =	ssyncset.done $0x0  }
0xb0: {  	[sflag:s25] =	ssyncadd.s32 $0xFFFFE000  }
0xb1: {  	_ =	swait.ge [sflag:s26], $0x2000  }
0xb2: {  	[sflag:s26] =	ssyncset.done $0x0  }
0xb3: {  	[sflag:s26] =	ssyncadd.s32 $0xFFFFE000  }
0xb4: {  	[spmem:s2] =	stream.indirect.scatter.add.f32 [tilespmem:s21], [sflag:$0x5], $0x80, s6, s20, $0xb8;
	[tilespmem:$0x1C800] =	vst v63  }
0xb5: {  	s8 =	simm.s32 $0x100;
	_ =	swait.ge [sflag:s17], $0x4000  }
0xb6: {  	s9 =	simm.s32 $0x200;
	s7 =	rddreg [dreg:$0x3];
	[sflag:s17] =	ssyncset.done $0x0  }
.LBB2_4:
0xb7: {  	[sflag:s17] =	ssyncadd.s32 $0xFFFFC000;
	s7 =	sadd.s32 s8, s7  }
0xb8: {  	[tilespmem:s3], [sflag:$0x5] =	stream.linear.gather [hbm4b:s7+s3], $0x800, $0x38;
	[tilespmem:$0x1C800] =	vst v63  }
0xb9: {  	_ =	swait.ge [sflag:s17], $0x800  }
0xba: {  	[sflag:s17] =	ssyncset.done $0x0  }
0xbb: {  	[sflag:s17] =	ssyncadd.s32 $0xFFFFF800  }
0xbc: {  	[tilespmem:s16], [sflag:$0x1] =	stream.indirect.gather [hbm4b:s4+s18], $0x80, s3, s18, $0xb8;
	[tilespmem:$0x1C800] =	vst v63  }
0xbd: {  	_ = 	snop  }
0xbe: {  	[tilespmem:s19], [sflag:$0x3] =	stream.indirect.gather [hbm4b:s4+s18], $0x80, s18, s18, $0xb8;
	[tilespmem:$0x1C800] =	vst v63  }
0xbf: {  	_ = 	snop  }
0xc0: {  	[tilespmem:s21], [sflag:$0x2] =	stream.indirect.gather [hbm4b:s4+s18], $0x80, s20, s18, $0xb8;
	[tilespmem:$0x1C800] =	vst v63  }
0xc1: {  	s7 =	rddreg [dreg:$0x4]  }
0xc2: {  	[tilespmem:s22], [sflag:$0x4] =	stream.indirect.gather [hbm4b:s4+s18], $0x80, s7, s18, $0xb8;
	[tilespmem:$0x1C800] =	vst v63  }
0xc3: {  	_ =	swait.ge [sflag:s23], $0x2000  }
0xc4: {  	[sflag:s23] =	ssyncset.done $0x0  }
0xc5: {  	[sflag:s23] =	ssyncadd.s32 $0xFFFFE000  }
0xc6: {  	_ =	swait.ge [sflag:s24], $0x2000  }
0xc7: {  	[sflag:s24] =	ssyncset.done $0x0  }
0xc8: {  	s7 =	rddreg [dreg:$0x5];
	[sflag:s24] =	ssyncadd.s32 $0xFFFFE000  }
0xc9: {  	[spmem:s2] =	stream.indirect.scatter.add.f32 [tilespmem:s16], [sflag:$0x5], $0x80, s7, s20, $0xb8;
	[tilespmem:$0x1C800] =	vst v63  }
0xca: {  	_ =	swait.ge [sflag:s17], $0x4000  }
0xcb: {  	[sflag:s17] =	ssyncset.done $0x0  }
0xcc: {  	s28 =	smov.u32 s9;
	s7 =	rddreg [dreg:$0x6];
	[sflag:s17] =	ssyncadd.s32 $0xFFFFC000  }
0xcd: {  	[tilespmem:s16], [sflag:$0x1] =	stream.indirect.gather [hbm4b:s4+s18], $0x80, s7, s18, $0xb8;
	[tilespmem:$0x1C800] =	vst v63  }
0xce: {  	s8 =	smov.u32 s28;
	s28 =	rddreg [dreg:$0x7]  }
0xcf: {  	[tilespmem:s19], [sflag:$0x3] =	stream.indirect.gather [hbm4b:s4+s18], $0x80, s28, s18, $0xb8;
	[tilespmem:$0x1C800] =	vst v63  }
0xd0: {  	_ =	swait.ge [sflag:s25], $0x2000  }
0xd1: {  	[sflag:s25] =	ssyncset.done $0x0  }
0xd2: {  	[sflag:s25] =	ssyncadd.s32 $0xFFFFE000  }
0xd3: {  	_ =	swait.ge [sflag:s26], $0x2000  }
0xd4: {  	[sflag:s26] =	ssyncset.done $0x0  }
0xd5: {  	s7 =	rddreg [dreg:$0x8];
	[sflag:s26] =	ssyncadd.s32 $0xFFFFE000  }
0xd6: {  	[spmem:s2] =	stream.indirect.scatter.add.f32 [tilespmem:s21], [sflag:$0x5], $0x80, s7, s20, $0xb8;
	[tilespmem:$0x1C800] =	vst v63  }
0xd7: {  	_ =	swait.ge [sflag:s17], $0x4000  }
0xd8: {  	[sflag:s17] =	ssyncset.done $0x0  }
0xd9: {  	s7 =	rddreg [dreg:$0x9];
	[sflag:s17] =	ssyncadd.s32 $0xFFFFC000  }
0xda: {  	[tilespmem:s21], [sflag:$0x2] =	stream.indirect.gather [hbm4b:s4+s18], $0x80, s7, s18, $0xb8;
	[tilespmem:$0x1C800] =	vst v63  }
0xdb: {  	s28 =	rddreg [dreg:$0xa]  }
0xdc: {  	[tilespmem:s22], [sflag:$0x4] =	stream.indirect.gather [hbm4b:s4+s18], $0x80, s28, s18, $0xb8;
	[tilespmem:$0x1C800] =	vst v63  }
0xdd: {  	_ =	swait.ge [sflag:s23], $0x2000  }
0xde: {  	[sflag:s23] =	ssyncset.done $0x0  }
0xdf: {  	[sflag:s23] =	ssyncadd.s32 $0xFFFFE000  }
0xe0: {  	_ =	swait.ge [sflag:s24], $0x2000  }
0xe1: {  	[sflag:s24] =	ssyncset.done $0x0  }
0xe2: {  	s28 =	simm.s32 $0x500;
	[sflag:s24] =	ssyncadd.s32 $0xFFFFE000  }
0xe3: {  	[spmem:s2] =	stream.indirect.scatter.add.f32 [tilespmem:s16], [sflag:$0x5], $0x80, s28, s20, $0xb8;
	[tilespmem:$0x1C800] =	vst v63  }
0xe4: {  	_ =	swait.ge [sflag:s17], $0x4000  }
0xe5: {  	[sflag:s17] =	ssyncset.done $0x0  }
0xe6: {  	[sflag:s17] =	ssyncadd.s32 $0xFFFFC000  }
0xe7: {  	[tilespmem:s16], [sflag:$0x1] =	stream.indirect.gather [hbm4b:s4+s18], $0x80, s29, s18, $0xb8;
	[tilespmem:$0x1C800] =	vst v63  }
0xe8: {  	_ = 	snop  }
0xe9: {  	[tilespmem:s19], [sflag:$0x3] =	stream.indirect.gather [hbm4b:s4+s18], $0x80, s30, s18, $0xb8;
	[tilespmem:$0x1C800] =	vst v63  }
0xea: {  	_ =	swait.ge [sflag:s25], $0x2000  }
0xeb: {  	[sflag:s25] =	ssyncset.done $0x0  }
0xec: {  	[sflag:s25] =	ssyncadd.s32 $0xFFFFE000  }
0xed: {  	_ =	swait.ge [sflag:s26], $0x2000  }
0xee: {  	[sflag:s26] =	ssyncset.done $0x0  }
0xef: {  	[sflag:s26] =	ssyncadd.s32 $0xFFFFE000  }
0xf0: {  	[spmem:s2] =	stream.indirect.scatter.add.f32 [tilespmem:s21], [sflag:$0x5], $0x80, s31, s20, $0xb8;
	[tilespmem:$0x1C800] =	vst v63  }
0xf1: {  	_ =	swait.ge [sflag:s17], $0x4000  }
0xf2: {  	[sflag:s17] =	ssyncset.done $0x0  }
0xf3: {  	[sflag:s17] =	ssyncadd.s32 $0xFFFFC000  }
0xf4: {  	[tilespmem:s21], [sflag:$0x2] =	stream.indirect.gather [hbm4b:s4+s18], $0x80, s0, s18, $0xb8;
	[tilespmem:$0x1C800] =	vst v63  }
0xf5: {  	_ = 	snop  }
0xf6: {  	[tilespmem:s22], [sflag:$0x4] =	stream.indirect.gather [hbm4b:s4+s18], $0x80, s1, s18, $0xb8;
	[tilespmem:$0x1C800] =	vst v63  }
0xf7: {  	_ =	swait.ge [sflag:s23], $0x2000  }
0xf8: {  	[sflag:s23] =	ssyncset.done $0x0  }
0xf9: {  	[sflag:s23] =	ssyncadd.s32 $0xFFFFE000  }
0xfa: {  	_ =	swait.ge [sflag:s24], $0x2000  }
0xfb: {  	[sflag:s24] =	ssyncset.done $0x0  }
0xfc: {  	[sflag:s24] =	ssyncadd.s32 $0xFFFFE000  }
0xfd: {  	[spmem:s2] =	stream.indirect.scatter.add.f32 [tilespmem:s16], [sflag:$0x5], $0x80, s10, s20, $0xb8;
	[tilespmem:$0x1C800] =	vst v63  }
0xfe: {  	_ =	swait.ge [sflag:s17], $0x4000  }
0xff: {  	[sflag:s17] =	ssyncset.done $0x0  }
0x100: {  	[sflag:s17] =	ssyncadd.s32 $0xFFFFC000  }
0x101: {  	[tilespmem:s16], [sflag:$0x1] =	stream.indirect.gather [hbm4b:s4+s18], $0x80, s11, s18, $0xb8;
	[tilespmem:$0x1C800] =	vst v63  }
0x102: {  	_ = 	snop  }
0x103: {  	[tilespmem:s19], [sflag:$0x3] =	stream.indirect.gather [hbm4b:s4+s18], $0x80, s12, s18, $0xb8;
	[tilespmem:$0x1C800] =	vst v63  }
0x104: {  	_ =	swait.ge [sflag:s25], $0x2000  }
0x105: {  	[sflag:s25] =	ssyncset.done $0x0  }
0x106: {  	[sflag:s25] =	ssyncadd.s32 $0xFFFFE000  }
0x107: {  	_ =	swait.ge [sflag:s26], $0x2000  }
0x108: {  	[sflag:s26] =	ssyncset.done $0x0  }
0x109: {  	[sflag:s26] =	ssyncadd.s32 $0xFFFFE000  }
0x10a: {  	[spmem:s2] =	stream.indirect.scatter.add.f32 [tilespmem:s21], [sflag:$0x5], $0x80, s13, s20, $0xb8;
	[tilespmem:$0x1C800] =	vst v63  }
0x10b: {  	_ =	swait.ge [sflag:s17], $0x4000  }
0x10c: {  	[sflag:s17] =	ssyncset.done $0x0  }
0x10d: {  	[sflag:s17] =	ssyncadd.s32 $0xFFFFC000  }
0x10e: {  	[tilespmem:s21], [sflag:$0x2] =	stream.indirect.gather [hbm4b:s4+s18], $0x80, s14, s18, $0xb8;
	[tilespmem:$0x1C800] =	vst v63  }
0x10f: {  	_ = 	snop  }
0x110: {  	[tilespmem:s22], [sflag:$0x4] =	stream.indirect.gather [hbm4b:s4+s18], $0x80, s15, s18, $0xb8;
	[tilespmem:$0x1C800] =	vst v63  }
0x111: {  	_ =	swait.ge [sflag:s23], $0x2000  }
0x112: {  	[sflag:s23] =	ssyncset.done $0x0  }
0x113: {  	[sflag:s23] =	ssyncadd.s32 $0xFFFFE000  }
0x114: {  	_ =	swait.ge [sflag:s24], $0x2000  }
0x115: {  	[sflag:s24] =	ssyncset.done $0x0  }
0x116: {  	[sflag:s24] =	ssyncadd.s32 $0xFFFFE000  }
0x117: {  	[spmem:s2] =	stream.indirect.scatter.add.f32 [tilespmem:s16], [sflag:$0x5], $0x80, s5, s20, $0xb8;
	[tilespmem:$0x1C800] =	vst v63  }
0x118: {  	_ =	swait.ge [sflag:s17], $0x4000  }
0x119: {  	[sflag:s17] =	ssyncset.done $0x0  }
0x11a: {  	[sflag:s17] =	ssyncadd.s32 $0xFFFFC000  }
0x11b: {  	_ =	swait.ge [sflag:s25], $0x2000  }
0x11c: {  	[sflag:s25] =	ssyncset.done $0x0  }
0x11d: {  	[sflag:s25] =	ssyncadd.s32 $0xFFFFE000  }
0x11e: {  	p0 =	sne.s32 s9, $0x900;
	_ =	swait.ge [sflag:s26], $0x2000  }
.Ltmp1:
0x11f: {  	[sflag:s26] =	ssyncset.done $0x0;
	(pc) =	sbr.rel @p0 .LBB2_4-.Ltmp1, $4  }
0x120: {  	[sflag:s26] =	ssyncadd.s32 $0xFFFFE000  }
0x121: {  	[spmem:s2] =	stream.indirect.scatter.add.f32 [tilespmem:s21], [sflag:$0x5], $0x80, s6, s20, $0xb8;
	[tilespmem:$0x1C800] =	vst v63  }
0x122: {  	_ =	swait.ge [sflag:s17], $0x4000  }
0x123: {  	s9 =	sadd.s32 $0x100, s9;
	s7 =	rddreg [dreg:$0x3];
	[sflag:s17] =	ssyncset.done $0x0  }
0x124: {  	[sflag:s17] =	ssyncadd.s32 $0xFFFFC000;
	s7 =	sadd.s32 s8, s7  }
0x125: {  	[tilespmem:s3], [sflag:$0x5] =	stream.linear.gather [hbm4b:s7+s3], $0x800, $0x38;
	[tilespmem:$0x1C800] =	vst v63  }
0x126: {  	_ =	swait.ge [sflag:s17], $0x800  }
0x127: {  	[sflag:s17] =	ssyncset.done $0x0  }
0x128: {  	[sflag:s17] =	ssyncadd.s32 $0xFFFFF800  }
0x129: {  	[tilespmem:s16], [sflag:$0x1] =	stream.indirect.gather [hbm4b:s4+s18], $0x80, s3, s18, $0xb8;
	[tilespmem:$0x1C800] =	vst v63  }
0x12a: {  	_ = 	snop  }
0x12b: {  	[tilespmem:s19], [sflag:$0x3] =	stream.indirect.gather [hbm4b:s4+s18], $0x80, s18, s18, $0xb8;
	[tilespmem:$0x1C800] =	vst v63  }
0x12c: {  	_ = 	snop  }
0x12d: {  	[tilespmem:s21], [sflag:$0x2] =	stream.indirect.gather [hbm4b:s4+s18], $0x80, s20, s18, $0xb8;
	[tilespmem:$0x1C800] =	vst v63  }
0x12e: {  	s8 =	rddreg [dreg:$0x4]  }
0x12f: {  	[tilespmem:s22], [sflag:$0x4] =	stream.indirect.gather [hbm4b:s4+s18], $0x80, s8, s18, $0xb8;
	[tilespmem:$0x1C800] =	vst v63  }
0x130: {  	_ =	swait.ge [sflag:s23], $0x2000  }
0x131: {  	[sflag:s23] =	ssyncset.done $0x0  }
0x132: {  	[sflag:s23] =	ssyncadd.s32 $0xFFFFE000  }
0x133: {  	_ =	swait.ge [sflag:s24], $0x2000  }
0x134: {  	[sflag:s24] =	ssyncset.done $0x0  }
0x135: {  	s9 =	rddreg [dreg:$0x5];
	[sflag:s24] =	ssyncadd.s32 $0xFFFFE000  }
0x136: {  	[spmem:s2] =	stream.indirect.scatter.add.f32 [tilespmem:s16], [sflag:$0x5], $0x80, s9, s20, $0xb8;
	[tilespmem:$0x1C800] =	vst v63  }
0x137: {  	_ =	swait.ge [sflag:s17], $0x4000  }
0x138: {  	[sflag:s17] =	ssyncset.done $0x0  }
0x139: {  	s8 =	rddreg [dreg:$0x6];
	[sflag:s17] =	ssyncadd.s32 $0xFFFFC000  }
0x13a: {  	[tilespmem:s16], [sflag:$0x1] =	stream.indirect.gather [hbm4b:s4+s18], $0x80, s8, s18, $0xb8;
	[tilespmem:$0x1C800] =	vst v63  }
0x13b: {  	s9 =	rddreg [dreg:$0x7]  }
0x13c: {  	[tilespmem:s19], [sflag:$0x3] =	stream.indirect.gather [hbm4b:s4+s18], $0x80, s9, s18, $0xb8;
	[tilespmem:$0x1C800] =	vst v63  }
0x13d: {  	_ =	swait.ge [sflag:s25], $0x2000  }
0x13e: {  	[sflag:s25] =	ssyncset.done $0x0  }
0x13f: {  	[sflag:s25] =	ssyncadd.s32 $0xFFFFE000  }
0x140: {  	_ =	swait.ge [sflag:s26], $0x2000  }
0x141: {  	[sflag:s26] =	ssyncset.done $0x0  }
0x142: {  	s9 =	rddreg [dreg:$0x8];
	[sflag:s26] =	ssyncadd.s32 $0xFFFFE000  }
0x143: {  	[spmem:s2] =	stream.indirect.scatter.add.f32 [tilespmem:s21], [sflag:$0x5], $0x80, s9, s20, $0xb8;
	[tilespmem:$0x1C800] =	vst v63  }
0x144: {  	_ =	swait.ge [sflag:s17], $0x4000  }
0x145: {  	[sflag:s17] =	ssyncset.done $0x0  }
0x146: {  	s8 =	rddreg [dreg:$0x9];
	[sflag:s17] =	ssyncadd.s32 $0xFFFFC000  }
0x147: {  	[tilespmem:s21], [sflag:$0x2] =	stream.indirect.gather [hbm4b:s4+s18], $0x80, s8, s18, $0xb8;
	[tilespmem:$0x1C800] =	vst v63  }
0x148: {  	s9 =	rddreg [dreg:$0xa]  }
0x149: {  	[tilespmem:s22], [sflag:$0x4] =	stream.indirect.gather [hbm4b:s4+s18], $0x80, s9, s18, $0xb8;
	[tilespmem:$0x1C800] =	vst v63  }
0x14a: {  	_ =	swait.ge [sflag:s23], $0x2000  }
0x14b: {  	[sflag:s23] =	ssyncset.done $0x0  }
0x14c: {  	[sflag:s23] =	ssyncadd.s32 $0xFFFFE000  }
0x14d: {  	_ =	swait.ge [sflag:s24], $0x2000  }
0x14e: {  	[sflag:s24] =	ssyncset.done $0x0  }
0x14f: {  	[sflag:s24] =	ssyncadd.s32 $0xFFFFE000  }
0x150: {  	[spmem:s2] =	stream.indirect.scatter.add.f32 [tilespmem:s16], [sflag:$0x5], $0x80, s28, s20, $0xb8;
	[tilespmem:$0x1C800] =	vst v63  }
0x151: {  	_ =	swait.ge [sflag:s17], $0x4000  }
0x152: {  	[sflag:s17] =	ssyncset.done $0x0  }
0x153: {  	[sflag:s17] =	ssyncadd.s32 $0xFFFFC000  }
0x154: {  	[tilespmem:s16], [sflag:$0x1] =	stream.indirect.gather [hbm4b:s4+s18], $0x80, s29, s18, $0xb8;
	[tilespmem:$0x1C800] =	vst v63  }
0x155: {  	_ = 	snop  }
0x156: {  	[tilespmem:s19], [sflag:$0x3] =	stream.indirect.gather [hbm4b:s4+s18], $0x80, s30, s18, $0xb8;
	[tilespmem:$0x1C800] =	vst v63  }
0x157: {  	_ =	swait.ge [sflag:s25], $0x2000  }
0x158: {  	[sflag:s25] =	ssyncset.done $0x0  }
0x159: {  	[sflag:s25] =	ssyncadd.s32 $0xFFFFE000  }
0x15a: {  	_ =	swait.ge [sflag:s26], $0x2000  }
0x15b: {  	[sflag:s26] =	ssyncset.done $0x0  }
0x15c: {  	[sflag:s26] =	ssyncadd.s32 $0xFFFFE000  }
0x15d: {  	[spmem:s2] =	stream.indirect.scatter.add.f32 [tilespmem:s21], [sflag:$0x5], $0x80, s31, s20, $0xb8;
	[tilespmem:$0x1C800] =	vst v63  }
0x15e: {  	_ =	swait.ge [sflag:s17], $0x4000  }
0x15f: {  	[sflag:s17] =	ssyncset.done $0x0  }
0x160: {  	[sflag:s17] =	ssyncadd.s32 $0xFFFFC000  }
0x161: {  	[tilespmem:s21], [sflag:$0x2] =	stream.indirect.gather [hbm4b:s4+s18], $0x80, s0, s18, $0xb8;
	[tilespmem:$0x1C800] =	vst v63  }
0x162: {  	_ = 	snop  }
0x163: {  	[tilespmem:s22], [sflag:$0x4] =	stream.indirect.gather [hbm4b:s4+s18], $0x80, s1, s18, $0xb8;
	[tilespmem:$0x1C800] =	vst v63  }
0x164: {  	_ =	swait.ge [sflag:s23], $0x2000  }
0x165: {  	[sflag:s23] =	ssyncset.done $0x0  }
0x166: {  	[sflag:s23] =	ssyncadd.s32 $0xFFFFE000  }
0x167: {  	_ =	swait.ge [sflag:s24], $0x2000  }
0x168: {  	[sflag:s24] =	ssyncset.done $0x0  }
0x169: {  	[sflag:s24] =	ssyncadd.s32 $0xFFFFE000  }
0x16a: {  	[spmem:s2] =	stream.indirect.scatter.add.f32 [tilespmem:s16], [sflag:$0x5], $0x80, s10, s20, $0xb8;
	[tilespmem:$0x1C800] =	vst v63  }
0x16b: {  	_ =	swait.ge [sflag:s17], $0x4000  }
0x16c: {  	[sflag:s17] =	ssyncset.done $0x0  }
0x16d: {  	[sflag:s17] =	ssyncadd.s32 $0xFFFFC000  }
0x16e: {  	[tilespmem:s16], [sflag:$0x1] =	stream.indirect.gather [hbm4b:s4+s18], $0x80, s11, s18, $0xb8;
	[tilespmem:$0x1C800] =	vst v63  }
0x16f: {  	_ = 	snop  }
0x170: {  	[tilespmem:s19], [sflag:$0x3] =	stream.indirect.gather [hbm4b:s4+s18], $0x80, s12, s18, $0xb8;
	[tilespmem:$0x1C800] =	vst v63  }
0x171: {  	_ =	swait.ge [sflag:s25], $0x2000  }
0x172: {  	[sflag:s25] =	ssyncset.done $0x0  }
0x173: {  	[sflag:s25] =	ssyncadd.s32 $0xFFFFE000  }
0x174: {  	_ =	swait.ge [sflag:s26], $0x2000  }
0x175: {  	[sflag:s26] =	ssyncset.done $0x0  }
0x176: {  	[sflag:s26] =	ssyncadd.s32 $0xFFFFE000  }
0x177: {  	[spmem:s2] =	stream.indirect.scatter.add.f32 [tilespmem:s21], [sflag:$0x5], $0x80, s13, s20, $0xb8;
	[tilespmem:$0x1C800] =	vst v63  }
0x178: {  	_ =	swait.ge [sflag:s17], $0x4000  }
0x179: {  	[sflag:s17] =	ssyncset.done $0x0  }
0x17a: {  	[sflag:s17] =	ssyncadd.s32 $0xFFFFC000  }
0x17b: {  	[tilespmem:s21], [sflag:$0x2] =	stream.indirect.gather [hbm4b:s4+s18], $0x80, s14, s18, $0xb8;
	[tilespmem:$0x1C800] =	vst v63  }
0x17c: {  	_ = 	snop  }
0x17d: {  	[tilespmem:s22], [sflag:$0x4] =	stream.indirect.gather [hbm4b:s4+s18], $0x80, s15, s18, $0xb8;
	[tilespmem:$0x1C800] =	vst v63  }
0x17e: {  	_ =	swait.ge [sflag:s23], $0x2000  }
0x17f: {  	[sflag:s23] =	ssyncset.done $0x0  }
0x180: {  	[sflag:s23] =	ssyncadd.s32 $0xFFFFE000  }
0x181: {  	_ =	swait.ge [sflag:s24], $0x2000  }
0x182: {  	[sflag:s24] =	ssyncset.done $0x0  }
0x183: {  	[sflag:s24] =	ssyncadd.s32 $0xFFFFE000  }
0x184: {  	[spmem:s2] =	stream.indirect.scatter.add.f32 [tilespmem:s16], [sflag:$0x5], $0x80, s5, s20, $0xb8;
	[tilespmem:$0x1C800] =	vst v63  }
0x185: {  	_ =	swait.ge [sflag:s17], $0x4000  }
0x186: {  	[sflag:s17] =	ssyncset.done $0x0  }
0x187: {  	[sflag:s17] =	ssyncadd.s32 $0xFFFFC000  }
0x188: {  	_ =	swait.ge [sflag:s25], $0x2000  }
0x189: {  	[sflag:s25] =	ssyncset.done $0x0  }
0x18a: {  	[sflag:s25] =	ssyncadd.s32 $0xFFFFE000  }
0x18b: {  	_ =	swait.ge [sflag:s26], $0x2000  }
0x18c: {  	[sflag:s26] =	ssyncset.done $0x0  }
0x18d: {  	[sflag:s26] =	ssyncadd.s32 $0xFFFFE000  }
0x18e: {  	[spmem:s2] =	stream.indirect.scatter.add.f32 [tilespmem:s21], [sflag:$0x5], $0x80, s6, s20, $0xb8;
	[tilespmem:$0x1C800] =	vst v63  }
0x18f: {  	_ =	swait.ge [sflag:s17], $0x4000  }
0x190: {  	[sflag:s17] =	ssyncset.done $0x0  }
0x191: {  	[sflag:s17] =	ssyncadd.s32 $0xFFFFC000  }
0x192: {  	s8 =	stileid.u32;
	[bflag:$0x0] =	sbarrier.arrive $0xFFFF  }
0x193: {  	s7 =	sshll.u32 s8, $0x6;
	s28 =	rddreg [dreg:$0xb]  }
0x194: {  	s7 =	sor.u32 $0x1C05, s7;
	s9 =	rddreg [dreg:$0x10];
	s8 =	sshrl.u32 s28, $0x3  }
0x195: {  	[hbm:s9], [sflag:s7] =	dma.local [spmem:s8], $0x800  }
0x196: {  	_ =	swait.ge [sflag:s17], $0x800  }
0x197: {  	[sflag:s17] =	ssyncset.done $0x0;
	s9 =	rddreg [dreg:$0xc]  }
0x198: {  	[sflag:s17] =	ssyncadd.s32 $0xFFFFF800;
	s8 =	sshrl.u32 s9, $0x3;
	s9 =	rddreg [dreg:$0x11]  }
0x199: {  	[hbm:s9], [sflag:s7] =	dma.local [spmem:s8], $0x800  }
0x19a: {  	_ =	swait.ge [sflag:s17], $0x800  }
0x19b: {  	[sflag:s17] =	ssyncset.done $0x0;
	s9 =	rddreg [dreg:$0xd]  }
0x19c: {  	[sflag:s17] =	ssyncadd.s32 $0xFFFFF800;
	s8 =	sshrl.u32 s9, $0x3;
	s9 =	rddreg [dreg:$0x12]  }
0x19d: {  	[hbm:s9], [sflag:s7] =	dma.local [spmem:s8], $0x800  }
0x19e: {  	_ =	swait.ge [sflag:s17], $0x800  }
0x19f: {  	[sflag:s17] =	ssyncset.done $0x0;
	s9 =	rddreg [dreg:$0xe]  }
0x1a0: {  	[sflag:s17] =	ssyncadd.s32 $0xFFFFF800;
	s8 =	sshrl.u32 s9, $0x3;
	s9 =	rddreg [dreg:$0x13]  }
0x1a1: {  	[hbm:s9], [sflag:s7] =	dma.local [spmem:s8], $0x800  }
0x1a2: {  	_ =	swait.ge [sflag:s17], $0x800  }
0x1a3: {  	[sflag:s17] =	ssyncset.done $0x0;
	s9 =	rddreg [dreg:$0xf]  }
0x1a4: {  	[sflag:s17] =	ssyncadd.s32 $0xFFFFF800;
	s8 =	sshrl.u32 s9, $0x3;
	s9 =	rddreg [dreg:$0x14]  }
0x1a5: {  	[hbm:s9], [sflag:s7] =	dma.local [spmem:s8], $0x800  }
0x1a6: {  	_ =	swait.ge [sflag:s17], $0x800  }
0x1a7: {  	s7 =	rddreg [dreg:$0x16]  }
0x1a8: {  	s9 =	rddreg [dreg:$0x15];
	s8 =	sadd.s32 $0x1, s7  }
0x1a9: {  	p0 =	sne.s32 s8, s9  }
.Ltmp2:
0x1aa: {  	_ = 	snop;
	(pc) =	sbr.rel @p0 .LBB2_1-.Ltmp2, $3  }
0x1ab: {  	_ =	sdelay $0x1  }
0x1ac: {  	[sflag:s17] =	ssyncset.done $0x0  }
0x1ad: {  	[sflag:s17] =	ssyncadd.s32 $0xFFFFF800  }
0x1ae: {  	_ =	sfence.sel $0x180000  }
0x1af: {  	[bflag:$0x0] =	sbarrier.arrive $0xFFFF  }
0x1b0: {  	_ =	strace $0x9000004D  }
0x1b1: {  	s0 =	stileid.u32;
	[bflag:$0x2] =	sbarrier.arrive $0xFFFF  }
0x1b2: {  	p0 =	sne.s32 s0, $0x0;
	s0 =	rddreg [dreg:$0x2]  }
0x1b3: {  	s0 =	sadd.s32 @!p0 $0x100000, s0  }
0x1b4: {  	[sflag:s0] =	ssyncadd.tile.s32 @!p0 $0x1;
	_ =	shalt  }
.Lfunc_end2:
_tile_overlayer_lowered:
.L_overlay_start_2:
0x1b5: {  	(tag) =	ssettag $0x2  }
0x1b6: {  	s0 =	rddreg [dreg:$0x0];
	s2 =	stileid.u32  }
0x1b7: {  	s1 =	rddreg [dreg:$0x1];
	p0 =	sne.s32 s2, $0x0  }
0x1b8: {  	s3 =	rddreg [dreg:$0x2];
	[bflag:$0x3] =	sbarrier.arrive $0xFFFF;
	s2 =	simm.s32 @!p0 $0x1C05  }
0x1b9: {  	[timem:s3], [sflag:s2] =	dma.local @!p0 [hbm:s0], s1  }
0x1ba: {  	s0 =	simm.s32 @!p0 $0x5  }
0x1bb: {  	_ =	swait.ge @!p0 [sflag:s0], s1  }
0x1bc: {  	s1 =	ssub.s32 @!p0 $0x0, s1;
	[sflag:s0] =	ssyncset.done @!p0 $0x0  }
0x1bd: {  	[sflag:s0] =	ssyncadd.s32 @!p0 s1  }
0x1be: {  	[bflag:$0x3] =	sbarrier.arrive $0xFFFF  }
0x1bf: {  	_ =	shalt  }

// kernel: kernel.8.cloned.1.call-start
scs
__scs_entry_jumppad:
0x0: {  	(pc) =	sbr.rel $0x88, $3  }
0x1: {  	(tag) =	ssettag $0x0;
	lr =	simm.s32 $0x1  }
0x2: {  	[smem:$0x3F9B] =	sst lr;
	_ =	strace $0xD0000000  }
0x3: {  	_ = 	snop  }
0x4: {  	_ = 	snop  }
0x5: {  	_ = 	snop  }
0x6: {  	_ = 	snop  }
0x7: {  	_ = 	snop  }
__scs_overlays_trampoline_lowered:
0x8: {  	[smem:$0x3FAA] =	sst s0  }
0x9: {  	[smem:$0x3FAB] =	sst s1  }
0xa: {  	[smem:$0x3FAC] =	sst s2  }
0xb: {  	[smem:$0x3FAD] =	sst s3  }
0xc: {  	[smem:$0x3FAE] =	sst s4  }
0xd: {  	[smem:$0x3FAF] =	sst s5  }
0xe: {  	[smem:$0x3FB0] =	sst s6  }
0xf: {  	[smem:$0x3FB1] =	sst s7  }
0x10: {  	[smem:$0x3FB2] =	sst s8  }
0x11: {  	[smem:$0x3FB3] =	sst s9;
	s0 =	simm.s32 @!p0 $0x0  }
0x12: {  	s1 =	sld [smem:$0x3F99];
	s0 =	simm.s32 @p0 $0x1  }
0x13: {  	[smem:$0x3FB4] =	sst s0;
	s0 =	simm.s32 @!p1 $0x0  }
0x14: {  	s2 =	sld [smem:$0x3F98];
	s0 =	simm.s32 @p1 $0x1  }
0x15: {  	[smem:$0x3FB5] =	sst s0;
	s0 =	simm.s32 @!p2 $0x0  }
0x16: {  	s3 =	sld [smem:$0x3FDB];
	s0 =	simm.s32 @p2 $0x1  }
0x17: {  	s4 =	simm.s32 $0x1BF5;
	[smem:$0x3FB7] =	sst s0  }
0x18: {  	s0 =	sld [smem:$0x3F9A];
	_ =	swait.ge [sflag:s4], $0x0  }
0x19: {  	s7 =	sld [smem:$0x3F9B]  }
0x1a: {  	s8 =	sadd.s32 $0xFFFFE003, lr  }
0x1b: {  	s9 =	sadd.s32 $0xFFFFFEF7, lr;
	s5 =	simm.s32 $0xFFFFFFFF;
	p2 =	slt.u32 s8, $0xFFFFF086  }
0x1c: {  	p1 =	slt.u32 s9, $0xF7A;
	s5 =	simm.s32 @!p2 $0x0  }
0x1d: {  	s5 =	simm.s32 @p1 $0x1;
	p0 =	seq.s32 s7, s2  }
0x1e: {  	s7 =	smul.u32 @!p0 $0xF7A, s2;
	p2 =	seq.s32 @!p0 s5, $0x0  }
0x1f: {  	s9 =	smul.u32 $0xF7A, s1;
	s8 =	simm.s32 @!p0 $0x1BF5;
	p2 =	por !p2, p0  }
0x20: {  	[sflag:s8] =	ssyncset.s32 @!p0 $0xFFFFF086;
	s6 =	sadd.s32 @!p0 s3, s7;
	s7 =	simm.s32 @!p0 $0x108  }
0x21: {  	s3 =	sadd.s32 s3, s9;
	s6 =	sadd.s32 @!p0 $0x88, s6;
	s7 =	simm.s32 @p2 $0x1082  }
0x22: {  	[simem:s7], [sflag:s8] =	dma.local @!p0 [hbm:s6], $0xF7A  }
0x23: {  	s9 =	sor.u32 $0xD0000000, s2;
	s6 =	simm.s32 $0x108;
	_ =	swait.ge @!p0 [sflag:s8], $0x0  }
0x24: {  	s3 =	sadd.s32 $0x88, s3;
	s6 =	simm.s32 @!p1 $0x1082;
	[sflag:s4] =	ssyncset.s32 $0xFFFFF086  }
0x25: {  	[simem:s6], [sflag:s4] =	dma.local [hbm:s3], $0xF7A  }
0x26: {  	[smem:$0x3F9B] =	sst s1;
	(tag) =	ssettag s2;
	_ =	strace s9  }
0x27: {  	s1 =	sld [smem:$0x3FAB]  }
0x28: {  	s2 =	sld [smem:$0x3FAC]  }
0x29: {  	s4 =	sld [smem:$0x3FAE]  }
0x2a: {  	p0 =	seq.s32 s5, $0x0;
	s5 =	sld [smem:$0x3FAF]  }
0x2b: {  	s6 =	sld [smem:$0x3FB0]  }
0x2c: {  	s7 =	sld [smem:$0x3FB1]  }
0x2d: {  	s3 =	simm.s32 $0x108;
	s8 =	sld [smem:$0x3FB2]  }
0x2e: {  	s3 =	simm.s32 @!p0 $0x1082;
	s9 =	sld [smem:$0x3FB3]  }
0x2f: {  	lr =	sadd.s32 s0, s3;
	s0 =	sld [smem:$0x3FAA]  }
0x30: {  	s3 =	sld [smem:$0x3FAD]  }
0x31: {  	[smem:$0x3FB6] =	sst s10  }
0x32: {  	s10 =	sld [smem:$0x3FB4];
	_ =	sdelay $0x3  }
0x33: {  	p0 =	seq.s32 s10, $0x1;
	s10 =	sld [smem:$0x3FB6];
	_ =	sdelay $0x3  }
0x34: {  	[smem:$0x3FB6] =	sst s10  }
0x35: {  	s10 =	sld [smem:$0x3FB5];
	_ =	sdelay $0x3  }
0x36: {  	p1 =	seq.s32 s10, $0x1;
	s10 =	sld [smem:$0x3FB6];
	_ =	sdelay $0x3  }
0x37: {  	[smem:$0x3FB6] =	sst s10  }
0x38: {  	s10 =	sld [smem:$0x3FB7]  }
0x39: {  	_ = 	snop;
	(pc) =	sbr.ind lr, $3  }
0x3a: {  	_ = 	snop  }
0x3b: {  	_ = 	snop  }
0x3c: {  	p2 =	seq.s32 s10, $0x1;
	s10 =	sld [smem:$0x3FB6]  }
0x3d: {  	_ =	shalt  }
0x3e: {  	_ =	shalt  }
0x3f: {  	_ =	shalt  }
0x40: {  	_ =	shalt  }
0x41: {  	_ =	shalt  }
0x42: {  	_ =	shalt  }
0x43: {  	_ =	shalt  }
0x44: {  	_ =	shalt  }
0x45: {  	_ =	shalt  }
0x46: {  	_ =	shalt  }
0x47: {  	_ =	shalt  }
0x48: {  	_ =	shalt  }
0x49: {  	_ =	shalt  }
0x4a: {  	_ =	shalt  }
0x4b: {  	_ =	shalt  }
0x4c: {  	_ =	shalt  }
0x4d: {  	_ =	shalt  }
0x4e: {  	_ =	shalt  }
0x4f: {  	_ =	shalt  }
0x50: {  	_ =	shalt  }
0x51: {  	_ =	shalt  }
0x52: {  	_ =	shalt  }
0x53: {  	_ =	shalt  }
0x54: {  	_ =	shalt  }
0x55: {  	_ =	shalt  }
0x56: {  	_ =	shalt  }
0x57: {  	_ =	shalt  }
0x58: {  	_ =	shalt  }
0x59: {  	_ =	shalt  }
0x5a: {  	_ =	shalt  }
0x5b: {  	_ =	shalt  }
0x5c: {  	_ =	shalt  }
0x5d: {  	_ =	shalt  }
0x5e: {  	_ =	shalt  }
0x5f: {  	_ =	shalt  }
0x60: {  	_ =	shalt  }
0x61: {  	_ =	shalt  }
0x62: {  	_ =	shalt  }
0x63: {  	_ =	shalt  }
0x64: {  	_ =	shalt  }
0x65: {  	_ =	shalt  }
0x66: {  	_ =	shalt  }
0x67: {  	_ =	shalt  }
0x68: {  	_ =	shalt  }
0x69: {  	_ =	shalt  }
0x6a: {  	_ =	shalt  }
0x6b: {  	_ =	shalt  }
0x6c: {  	_ =	shalt  }
0x6d: {  	_ =	shalt  }
0x6e: {  	_ =	shalt  }
0x6f: {  	_ =	shalt  }
0x70: {  	_ =	shalt  }
0x71: {  	_ =	shalt  }
0x72: {  	_ =	shalt  }
0x73: {  	_ =	shalt  }
0x74: {  	_ =	shalt  }
0x75: {  	_ =	shalt  }
0x76: {  	_ =	shalt  }
0x77: {  	_ =	shalt  }
0x78: {  	_ =	shalt  }
0x79: {  	_ =	shalt  }
0x7a: {  	_ =	shalt  }
0x7b: {  	_ =	shalt  }
0x7c: {  	_ =	shalt  }
0x7d: {  	_ =	shalt  }
0x7e: {  	_ =	shalt  }
0x7f: {  	_ =	shalt  }
0x80: {  	_ =	shalt  }
0x81: {  	_ =	shalt  }
0x82: {  	_ =	shalt  }
0x83: {  	_ =	shalt  }
0x84: {  	_ =	shalt  }
0x85: {  	_ =	shalt  }
0x86: {  	_ =	shalt  }
0x87: {  	_ =	shalt  }
.Lfunc_end0:
.L_simem_size_0:
called_computation_lowered:
.L_overlay_start_0:
0x88: {  	s2 =	sld [smem:$0x3FD9]  }
0x89: {  	s3 =	sld [smem:$0x3FFE];
	_ =	sdelay $0x1  }
0x8a: {  	s1 =	srdreg.scid  }
0x8b: {  	s0 =	sand.u32 $0x1, s1  }
0x8c: {  	s16 =	sshll.u32 s0, $0xA;
	s2 =	sadd.s32 s3, s2  }
0x8d: {  	s2 =	sadd.s32 s2, s16  }
0x8e: {  	[smem:$0x3FC2] =	sst s2  }
0x8f: {  	_ = 	snop  }
0x90: {  	(tm) =	ssettm $0x1  }
0x91: {  	s17 =	sld [smem:$0x3FFB];
	_ =	sdelay $0x3  }
0x92: {  	_ =	strace s17  }
0x93: {  	s2 =	sld [smem:$0x3FFC];
	_ =	sdelay $0x3  }
0x94: {  	_ =	strace s2  }
0x95: {  	s2 =	sld [smem:$0x3FFD];
	_ =	sdelay $0x3  }
0x96: {  	_ =	strace s2  }
0x97: {  	_ =	strace $0x8FFFFFFF  }
0x98: {  	s18 =	sld [smem:$0x3FDB];
	_ =	sdelay $0x1  }
0x99: {  	s19 =	simm.s32 $_scs_section_size  }
0x9a: {  	s4 =	simm.s32 $_size__tile_overlayer_lowered;
	s5 =	simm.s32 $_tile_overlayer_lowered  }
0x9b: {  	s22 =	simm.s32 $0x1BFF;
	s21 =	sshll.u32 s5, $0x1;
	s2 =	sadd.s32 s19, s18  }
0x9c: {  	s6 =	simm.s32 $0x0;
	s20 =	sshll.u32 s4, $0x1;
	s4 =	sadd.s32 s21, s2  }
0x9d: {  	[timem:s6], [sflag:s22] =	dma.local [hbm:s4], s20  }
0x9e: {  	_ =	swait.ge [sflag:s22], s20  }
0x9f: {  	s3 =	ssub.s32 $0x0, s20;
	[sflag:s22] =	ssyncset.done $0x0  }
0xa0: {  	[sflag:s22] =	ssyncadd.s32 s3;
	_ =	sdelay $0x1  }
0xa1: {  	s23 =	simm.s32 $0x1B8B  }
0xa2: {  	_ =	swait.ge [sflag:s23], $0x1  }
0xa3: {  	[sflag:s23] =	ssyncset.done $0x0  }
0xa4: {  	s25 =	simm.s32 $0x1B8E;
	s24 =	sld [smem:$0x3FFE];
	[sflag:s23] =	ssyncadd.s32 $0xFFFFFFFF  }
0xa5: {  	s26 =	simm.s32 $execute0_lowered;
	[smem:$0x3FD2] =	sst s25  }
0xa6: {  	s4 =	sshll.u32 s26, $0x1;
	_ =	strace $0x80000046;
	[dreg:$0x1] =	wrdreg $0xFFFFFFFF  }
0xa7: {  	s28 =	simm.s32 $_size_execute0_lowered;
	s2 =	sadd.s32 s2, s4;
	[dreg:$0x0] =	wrdreg $0x0  }
0xa8: {  	s4 =	sshll.u32 s28, $0x1;
	[dreg:$0x2] =	wrdreg s2  }
0xa9: {  	[dreg:$0x3] =	wrdreg s4  }
0xaa: {  	[dreg:$0x4] =	wrdreg $0xC0  }
0xab: {  	_ =	task [dreg:s6], $0x5FFFF  }
0xac: {  	[dreg:$0x1] =	wrdreg $0xFFFFFFFF  }
0xad: {  	[dreg:$0x0] =	wrdreg $0x60  }
0xae: {  	[dreg:$0x2] =	wrdreg s24  }
0xaf: {  	[dreg:$0x3] =	wrdreg $0x9  }
0xb0: {  	_ =	task.clear_ibuf [dreg:s6], $0x4FFFF;
	_ =	strace $0x90000046  }
0xb1: {  	s29 =	simm.s32 $0x9;
	_ =	strace $0x80000048  }
0xb2: {  	_ =	swait.ge [sflag:s29], $0x1  }
0xb3: {  	[sflag:s29] =	ssyncadd.s32 $0xFFFFFFFF  }
0xb4: {  	_ =	strace $0x90000048  }
0xb5: {  	_ =	sfence  }
0xb6: {  	s30 =	sld [smem:$0x0];
	_ =	sdelay $0x2  }
0xb7: {  	s31 =	sshll.u32 s1, $0xD;
	s1 =	sshrl.u32 s1, $0x2  }
0xb8: {  	s3 =	sand.u32 $0x4000, s31;
	s1 =	sadd.s32 s1, s30  }
0xb9: {  	s0 =	sor.u32 s3, s0;
	s1 =	sshll.u32 s1, $0x11  }
0xba: {  	s0 =	sor.u32 s1, s0  }
0xbb: {  	s0 =	sadd.s32 $0x8F2B, s0  }
0xbc: {  	[sflag:s0] =	ssyncadd.remote.s32 $0x1  }
0xbd: {  	_ =	sfence.sel $0xFFFF  }
0xbe: {  	[dreg:$0x0] =	wrdreg $0xFFFFFFFF;
	(pc) =	sbr.abs _section_cstart, $3  }
0xbf: {  	[dreg:$0x1] =	wrdreg $0xFFFFFFFF  }
0xc0: {  	_ =	task.clear_ibuf [dreg:s6], $0x2FFFF;
	_ =	strace $0x9FFFFFFF  }
0xc1: {  	(tm) =	ssettm $0x7FFFFFFF  }
tec
execute0_lowered:
.L_overlay_start_1:
0x0: {  	(tag) =	ssettag $0x1  }
0x1: {  	s2 =	srdreg.scid;
	s1 =	stileid.u32  }
0x2: {  	s3 =	rddreg [dreg:$0x0];
	s4 =	sand.u32 $0x1, s2;
	s5 =	smul.u32 $0x2800, s1  }
0x3: {  	s0 =	rddreg [dreg:$0x1];
	s6 =	smul.u32 $0x1400, s4;
	s7 =	sshll.u32 s4, $0x4  }
0x4: {  	s8 =	simm.s32 $0x0;
	s2 =	simm.s32 $0x0;
	s7 =	sor.u32 s1, s7  }
0x5: {  	[smem:$0x7FF] =	sst s2;
	s5 =	sadd.s32 s6, s5;
	s30 =	smul.u32 $0x500, s7  }
0x6: {  	s4 =	ssub.s32 $0x2, s4;
	_ =	strace $0x80000047;
	s5 =	sshrl.u32 s5, $0x3  }
0x7: {  	s31 =	sshrl.u32 s4, $0x1;
	s5 =	sadd.s32 s5, s3;
	s6 =	sadd.s32 s30, s3  }
0x8: {  	s7 =	ssub.s32 s4, s31;
	s3 =	sadd.s32 $0x1200, s5;
	s4 =	sadd.s32 $0x6200, s6  }
0x9: {  	v0 =	vimm.f32 $0.0e+00;
	v1 =	vimm.f32 $1.000000000e+00;
	s5 =	smax.u32 s7, $0x1;
	s6 =	simm.s32 $0x1;
	s7 =	simm.s32 $0x1400  }
.LBB2_1:
0xa: {  	s9 =	simm.s32 $0x40;
	s10 =	simm.s32 $0x0  }
.LBB2_2:
0xb: {  	p0 =	sne.s32 s9, $0x9FC0;
	[tilespmem:s10+$0x1400] =	vst v0;
	s10 =	smov.u32 s9;
	s9 =	sadd.s32 $0x40, s9  }
.Ltmp0:
0xc: {  	(pc) =	sbr.rel @p0 .LBB2_2-.Ltmp0, $2  }
0xd: {  	_ =	sdelay $0x2  }
0xe: {  	s10 =	sshra.s32 s10, $0x2  }
0xf: {  	[tilespmem:s10+$0x1400] =	vst v0;
	s9 =	simm.s32 $0x0  }
0x10: {  	[tilespmem:s9], [sflag:$0x1] =	stream.linear.gather [hbm4b:s3+s9], $0x1400, $0x38;
	[tilespmem:$0x3C00] =	vst v63  }
0x11: {  	_ =	swait.ge [sflag:s6], $0x1400  }
0x12: {  	[sflag:s6] =	ssyncset.done $0x0  }
0x13: {  	[sflag:s6] =	ssyncadd.s32 $0xFFFFEC00  }
.LBB2_4:
0x14: {  	s10 =	sshra.s32 s9, $0x2  }
0x15: {  	v2 =	vld [tilespmem:s10+$0x0];
	_ =	sdelay $0x7  }
0x16: {  	[tilespmem:v2+s7+$0x0] =	vst.idx.add.f32.msk $0xffff, v1  }
0x17: {  	v2 =	vld [tilespmem:s10+$0x10];
	_ =	sdelay $0x7  }
0x18: {  	[tilespmem:v2+s7+$0x0] =	vst.idx.add.f32.msk $0xffff, v1  }
0x19: {  	v2 =	vld [tilespmem:s10+$0x20];
	_ =	sdelay $0x7  }
0x1a: {  	[tilespmem:v2+s7+$0x0] =	vst.idx.add.f32.msk $0xffff, v1  }
0x1b: {  	v2 =	vld [tilespmem:s10+$0x30];
	_ =	sdelay $0x7  }
0x1c: {  	[tilespmem:v2+s7+$0x0] =	vst.idx.add.f32.msk $0xffff, v1  }
0x1d: {  	v2 =	vld [tilespmem:s10+$0x40];
	_ =	sdelay $0x7  }
0x1e: {  	[tilespmem:v2+s7+$0x0] =	vst.idx.add.f32.msk $0xffff, v1  }
0x1f: {  	v2 =	vld [tilespmem:s10+$0x50];
	_ =	sdelay $0x7  }
0x20: {  	[tilespmem:v2+s7+$0x0] =	vst.idx.add.f32.msk $0xffff, v1  }
0x21: {  	v2 =	vld [tilespmem:s10+$0x60];
	_ =	sdelay $0x7  }
0x22: {  	[tilespmem:v2+s7+$0x0] =	vst.idx.add.f32.msk $0xffff, v1  }
0x23: {  	v2 =	vld [tilespmem:s10+$0x70];
	_ =	sdelay $0x2  }
0x24: {  	p0 =	sne.s32 s9, $0x4E00  }
.Ltmp1:
0x25: {  	_ = 	snop;
	(pc) =	sbr.rel @p0 .LBB2_4-.Ltmp1, $2  }
0x26: {  	_ =	sdelay $0x2  }
0x27: {  	s9 =	sadd.s32 $0x200, s9;
	[tilespmem:v2+s7+$0x0] =	vst.idx.add.f32.msk $0xffff, v1  }
0x28: {  	s8 =	sadd.s32 $0x1, s8  }
0x29: {  	p0 =	sne.s32 s8, s5  }
.Ltmp2:
0x2a: {  	_ = 	snop;
	(pc) =	sbr.rel @p0 .LBB2_1-.Ltmp2, $4  }
0x2b: {  	[hbm4b:s4+s2] =	stream.linear.scatter [tilespmem:s7], [sflag:$0x1], $0x2800, $0x38;
	[tilespmem:$0x3C00] =	vst v63  }
0x2c: {  	_ =	swait.ge [sflag:s6], $0x2800  }
0x2d: {  	[sflag:s6] =	ssyncset.done $0x0  }
0x2e: {  	[sflag:s6] =	ssyncadd.s32 $0xFFFFD800  }
0x2f: {  	_ =	sfence.sel $0x180000  }
0x30: {  	[bflag:$0x0] =	sbarrier.arrive $0xFFFF  }
0x31: {  	p0 =	sne.s32 s1, $0x0;
	_ =	strace $0x90000047  }
0x32: {  	s0 =	sadd.s32 @!p0 $0x100000, s0;
	[bflag:$0x2] =	sbarrier.arrive $0xFFFF  }
0x33: {  	[sflag:s0] =	ssyncadd.tile.s32 @!p0 $0x1;
	_ =	shalt  }
.Lfunc_end2:
_tile_overlayer_lowered:
.L_overlay_start_2:
0x34: {  	(tag) =	ssettag $0x2  }
0x35: {  	s0 =	rddreg [dreg:$0x0];
	s2 =	stileid.u32  }
0x36: {  	s1 =	rddreg [dreg:$0x1];
	p0 =	sne.s32 s2, $0x0  }
0x37: {  	s3 =	rddreg [dreg:$0x2];
	[bflag:$0x3] =	sbarrier.arrive $0xFFFF;
	s2 =	simm.s32 @!p0 $0x1C01  }
0x38: {  	[timem:s3], [sflag:s2] =	dma.local @!p0 [hbm:s0], s1  }
0x39: {  	s0 =	simm.s32 @!p0 $0x1  }
0x3a: {  	_ =	swait.ge @!p0 [sflag:s0], s1  }
0x3b: {  	s1 =	ssub.s32 @!p0 $0x0, s1;
	[sflag:s0] =	ssyncset.done @!p0 $0x0  }
0x3c: {  	[sflag:s0] =	ssyncadd.s32 @!p0 s1  }
0x3d: {  	[bflag:$0x3] =	sbarrier.arrive $0xFFFF  }
0x3e: {  	_ =	shalt  }

</sc_bundles>
